<compile_context>
chip_gen: v7x
topology: tpu7x:2x2x1
jax: 0.10.2.dev20260603
libtpu: 0.0.44.dev20260713+nightly
codegen_flags: <defaults>
</compile_context>

<pallas_src>
import functools

import jax
import jax.numpy as jnp
from jax import lax
from jax.experimental import pallas as pl
from jax.experimental.pallas import tpu as pltpu
from jax.experimental.pallas import tpu_sc as plsc

NC = 2
NS = 16
NW = NC * NS
CHUNK = 128


def _build(N, E, D, H):
  NPG = -(-(N + 1) // (NS * 8)) * NS * 8
  ZR = N
  N_ACC = ((NPG + NW * 8 - 1) // (NW * 8)) * NW * 8
  CPW = -(-E // (NW * CHUNK))
  EPAD = NW * CHUNK * CPW
  ROWS_PER_TILE = NPG // NS
  ACC_PER_TILE = N_ACC // NS

  mesh = plsc.VectorSubcoreMesh(core_axis_name="c", subcore_axis_name="s",
                                num_cores=NC, num_subcores=NS)

  def make_sc_agg(W):
    @functools.partial(
        pl.kernel,
        out_type=jax.ShapeDtypeStruct((NC, NPG, W), jnp.float32),
        mesh=mesh,
        scratch_types=[
            pltpu.VMEM((CHUNK,), jnp.int32),
            pltpu.VMEM((CHUNK,), jnp.int32),
            pltpu.VMEM((CHUNK, W), jnp.float32),
            pltpu.VMEM((CHUNK, W), jnp.float32),
            pltpu.VMEM_SHARED((N_ACC, W), jnp.float32),
            pltpu.SemaphoreType.DMA,
        ],
    )
    def agg_kernel(g_hbm, srcp_hbm, dst_hbm, out_hbm, sidx0, didx0,
                   rows0, zbuf, acc, sem0):
      c = lax.axis_index("c")
      s = lax.axis_index("s")
      wid = c * NS + s

      def zrow(i, _):
        for j in range(W // 16):
          zbuf[i, pl.ds(16 * j, 16)] = jnp.zeros((16,), jnp.float32)
        return 0
      lax.fori_loop(0, CHUNK, zrow, 0)
      for t in range(ACC_PER_TILE // CHUNK):
        pltpu.sync_copy(zbuf, acc.at[pl.ds(s * ACC_PER_TILE + t * CHUNK,
                                           CHUNK)])
      rem = ACC_PER_TILE % CHUNK
      if rem:
        pltpu.sync_copy(
            zbuf.at[pl.ds(0, rem)],
            acc.at[pl.ds(s * ACC_PER_TILE + (ACC_PER_TILE // CHUNK) * CHUNK,
                         rem)])
      plsc.subcore_barrier()

      base = wid * CPW

      def body(t, _):
        off = pl.multiple_of((base + t) * CHUNK, CHUNK)
        pltpu.sync_copy(dst_hbm.at[pl.ds(off, CHUNK)], didx0)
        pltpu.sync_copy(srcp_hbm.at[pl.ds(off, CHUNK)], sidx0)
        pltpu.async_copy(g_hbm.at[sidx0], rows0, sem0).wait()
        pltpu.sync_copy(rows0, acc.at[didx0], add=True)
        return 0
      lax.fori_loop(0, CPW, body, 0)
      plsc.subcore_barrier()

      for t in range(-(-ROWS_PER_TILE // CHUNK)):
        r0 = s * ROWS_PER_TILE + t * CHUNK
        cnt = min(CHUNK, ROWS_PER_TILE - t * CHUNK)
        pltpu.sync_copy(acc.at[pl.ds(r0, cnt)],
                        out_hbm.at[c, pl.ds(r0, cnt)])

    return agg_kernel

  agg_kernel = make_sc_agg(H)

  def dinv_of(dega):
    d = 1.0 + dega[0, :, 0:1] + dega[1, :, 0:1]
    row = lax.broadcasted_iota(jnp.int32, (NPG, 1), 0)
    return jnp.where(row < N, lax.rsqrt(d), 0.0)

  def tc_first_body(xp_ref, w_ref, dega_ref, g_ref):
    dinv = dinv_of(dega_ref[...])
    h = jnp.dot(xp_ref[...], w_ref[...], preferred_element_type=jnp.float32)
    g_ref[...] = dinv * h

  def tc_mid_body(a_ref, g_ref, dega_ref, b_ref, w_ref, gn_ref):
    dinv = dinv_of(dega_ref[...])
    a = a_ref[0] + a_ref[1] + g_ref[...]
    x = jax.nn.relu(dinv * a + b_ref[...])
    gn_ref[...] = dinv * jnp.dot(x, w_ref[...],
                                 preferred_element_type=jnp.float32)

  def tc_last_body(a_ref, g_ref, dega_ref, b_ref, cw1_ref, cb1_ref, cw2_ref,
                   cb2_ref, out_ref):
    dinv = dinv_of(dega_ref[...])
    a = a_ref[0] + a_ref[1] + g_ref[...]
    x = jax.nn.relu(dinv * a + b_ref[...])
    hc = jax.nn.relu(
        jnp.dot(x, cw1_ref[...], preferred_element_type=jnp.float32)
        + cb1_ref[...])
    o = jnp.dot(hc, cw2_ref[...], preferred_element_type=jnp.float32)
    out_ref[...] = jnp.broadcast_to(o + cb2_ref[...], (NPG, H))

  fsd = jax.ShapeDtypeStruct
  tc_first = pl.pallas_call(tc_first_body, out_shape=fsd((NPG, H),
                                                         jnp.float32))
  tc_mid = pl.pallas_call(tc_mid_body, out_shape=fsd((NPG, H), jnp.float32))
  tc_last = pl.pallas_call(tc_last_body, out_shape=fsd((NPG, H),
                                                       jnp.float32))

  def run(x, edge_index, W1, b1, W2, b2, W3, b3, CW1, Cb1, CW2, Cb2):
    ei = edge_index.astype(jnp.int32)
    key = ei[1] * N + ei[0]
    sk = jnp.sort(key)
    first = jnp.concatenate(
        [jnp.ones((1,), bool), sk[1:] != sk[:-1]])
    src = sk % N
    dst = sk // N
    srcp = jnp.where(first, src, ZR)
    pad_e = EPAD - E
    srcp = jnp.concatenate([srcp, jnp.full((pad_e,), ZR, jnp.int32)])
    dstp = jnp.concatenate([dst, jnp.full((pad_e,), ZR, jnp.int32)])
    spread = jnp.arange(EPAD, dtype=jnp.int32) % 128
    widx = spread + jnp.where(
        jnp.concatenate([first, jnp.zeros((pad_e,), bool)]), 0, 128)
    onehot = jnp.concatenate([jnp.ones((128, H), jnp.float32),
                              jnp.zeros((128, H), jnp.float32)])

    xp = jnp.concatenate([x, jnp.zeros((NPG - N, D), jnp.float32)])

    dega = agg_kernel(onehot, widx, dstp)
    g1 = tc_first(xp, W1, dega)
    a1 = agg_kernel(g1, srcp, dstp)
    g2 = tc_mid(a1, g1, dega, b1.reshape(1, H), W2)
    a2 = agg_kernel(g2, srcp, dstp)
    g3 = tc_mid(a2, g2, dega, b2.reshape(1, H), W3)
    a3 = agg_kernel(g3, srcp, dstp)
    out = tc_last(a3, g3, dega, b3.reshape(1, H), CW1, Cb1.reshape(1, H),
                  CW2, Cb2.reshape(1, 1))
    return out[:N, 0]

  return run


def kernel(x, edge_index, W1, b1, W2, b2, W3, b3, CW1, Cb1, CW2, Cb2):
  N, D = x.shape
  E = edge_index.shape[1]
  H = W1.shape[1]
  run = _build(N, E, D, H)
  return run(x, edge_index, W1, b1, W2, b2, W3, b3, CW1, Cb1, CW2, Cb2)

# --- scband reference (transcript-rebuilt; emitter-appended) ---
"""Pipeline reference for scband-gcn-72765335929002 (READ-ONLY COPY).

The authoritative reference and input builder live on the scoring server;
editing this copy changes nothing except your own understanding.
"""

import jax, jax.numpy as jnp
import numpy as np

N = 10000
E = 320000
D = 128
H = 128


def setup_inputs(seed: int = 0) -> dict:
    key = jax.random.key(seed)
    ks = jax.random.split(key, 13)
    x = jax.random.normal(ks[0], (N, D), dtype=jnp.float32)
    edge_index = jax.random.randint(ks[1], (2, E), 0, N)
    s = 1.0 / np.sqrt(D)
    W1 = jax.random.normal(ks[2], (D, H), dtype=jnp.float32) * s
    b1 = jnp.zeros((H,), dtype=jnp.float32)
    W2 = jax.random.normal(ks[3], (H, H), dtype=jnp.float32) * s
    b2 = jnp.zeros((H,), dtype=jnp.float32)
    W3 = jax.random.normal(ks[4], (H, H), dtype=jnp.float32) * s
    b3 = jnp.zeros((H,), dtype=jnp.float32)
    CW1 = jax.random.normal(ks[5], (H, H), dtype=jnp.float32) * s
    Cb1 = jnp.zeros((H,), dtype=jnp.float32)
    CW2 = jax.random.normal(ks[6], (H, 1), dtype=jnp.float32) * s
    Cb2 = jnp.zeros((1,), dtype=jnp.float32)
    return {"x": x, "edge_index": edge_index, "W1": W1, "b1": b1, "W2": W2,
            "b2": b2, "W3": W3, "b3": b3, "CW1": CW1, "Cb1": Cb1,
            "CW2": CW2, "Cb2": Cb2}


def union_edges(edge_index, n):
    # dedup columns of edge_index (torch.unique(cat, dim=1) equivalent)
    keys = edge_index[0] * n + edge_index[1]
    m = keys.shape[0]
    uk = jnp.unique(keys, size=m)
    sk = jnp.sort(keys)
    first = jnp.concatenate([jnp.ones((1,), dtype=bool), sk[1:] != sk[:-1]])
    num_unique = jnp.sum(first)
    valid = (jnp.arange(m) < num_unique).astype(jnp.float32)
    return jnp.stack([uk // n, uk % n]), valid


def gcn_conv(x, src, dst, w, W, b):
    n = x.shape[0]
    h = x @ W
    # add self loops
    loop = jnp.arange(n, dtype=src.dtype)
    s = jnp.concatenate([src, loop])
    d = jnp.concatenate([dst, loop])
    wf = jnp.concatenate([w, jnp.ones((n,), dtype=h.dtype)])
    deg = jnp.zeros((n,), dtype=h.dtype).at[d].add(wf)
    dinv = jnp.where(deg > 0, 1.0 / jnp.sqrt(deg), 0.0)
    norm = dinv[s] * dinv[d] * wf
    msg = h[s] * norm[:, None]
    out = jnp.zeros_like(h).at[d].add(msg)
    return out + b


def reference(x, edge_index, W1, b1, W2, b2, W3, b3, CW1, Cb1, CW2, Cb2):
    ei, w = union_edges(edge_index, x.shape[0])
    src, dst = ei[0], ei[1]
    h = jax.nn.relu(gcn_conv(x, src, dst, w, W1, b1))
    h = jax.nn.relu(gcn_conv(h, src, dst, w, W2, b2))
    h = jax.nn.relu(gcn_conv(h, src, dst, w, W3, b3))
    # classifier (dropout is identity in eval mode)
    h = jax.nn.relu(h @ CW1 + Cb1)
    out = h @ CW2 + Cb2
    return out.squeeze(-1)

if __name__ == "__main__":
    import jax
    _d = setup_inputs()
    print(jax.jit(kernel)(*tuple(_d.values())))

</pallas_src>

<mosaic_0001>
#map = affine_map<(d0, d1) -> (0, 0)>
#map1 = affine_map<(d0, d1) -> (0)>
#map2 = affine_map<(d0, d1) -> (0, 0, 0)>
module attributes {stable_mosaic.version = 14 : i64} {
  func.func @agg_kernel(%arg0: i32, %arg1: i32, %arg2: memref<10112x128xf32, #tpu.memory_space<hbm>>, %arg3: memref<323584xi32, #tpu.memory_space<hbm>>, %arg4: memref<323584xi32, #tpu.memory_space<hbm>>, %arg5: memref<2x10112x128xf32, #tpu.memory_space<hbm>>, %arg6: memref<128xi32, #tpu.memory_space<vmem>>, %arg7: memref<128xi32, #tpu.memory_space<vmem>>, %arg8: memref<128x128xf32, #tpu.memory_space<vmem>>, %arg9: memref<128x128xf32, #tpu.memory_space<vmem>>, %arg10: memref<10240x128xf32, #tpu.memory_space<vmem_shared>>, %arg11: memref<!tpu.dma_semaphore, #tpu.memory_space<semaphore_mem>>) attributes {dimension_semantics = [#tpu.dimension_semantics<core_parallel>, #tpu.dimension_semantics<subcore_parallel>], iteration_bounds = array<i64: 2, 16>, scalar_prefetch = 0 : i64, scratch_operands = 6 : i64, tpu.core_type = #tpu.core_type<sc_vector_subcore>, window_params = [{transform_indices = #map}, {transform_indices = #map1}, {transform_indices = #map1}, {transform_indices = #map2}]} {
    %mul3A = arith.constant 16 : i32
    %mul3A_0 = arith.muli %arg0, %mul3A : i32
    %add3A = arith.addi %mul3A_0, %arg1 : i32
    %scan3A = arith.constant 0 : i32
    %scan3A_1 = arith.constant 0 : i32
    %scan3A_2 = arith.constant 128 : i32
    %scan3A_3 = arith.addi %scan3A_1, %scan3A_2 : i32
    %scan3A_4 = arith.constant 1 : i32
    %scan3A_5 = scf.for %scan3A_57 = %scan3A_1 to %scan3A_3 step %scan3A_4 iter_args(%scan3A_58 = %scan3A) -> (i32)  : i32 {
      %broadcast_in_dim3A = arith.constant 0.000000e+00 : f32
      %broadcast_in_dim3A_59 = vector.broadcast %broadcast_in_dim3A : f32 to vector<16xf32>
      %swap3A = arith.index_cast %scan3A_57 : i32 to index
      %swap3A_60 = arith.constant 0 : index
      %swap3A_61 = tpu.vector_load %arg9[%swap3A, %swap3A_60] {strides = array<i32>} : memref<128x128xf32, #tpu.memory_space<vmem>>, vector<1x16xf32>,
      %swap3A_62 = vector.shape_cast %swap3A_61 : vector<1x16xf32> to vector<16xf32>
      %swap3A_63 = vector.shape_cast %broadcast_in_dim3A_59 : vector<16xf32> to vector<1x16xf32>
      tpu.vector_store %arg9[%swap3A, %swap3A_60], %swap3A_63 {strides = array<i32>} : memref<128x128xf32, #tpu.memory_space<vmem>>, vector<1x16xf32>,
      %broadcast_in_dim3A_64 = arith.constant 0.000000e+00 : f32
      %broadcast_in_dim3A_65 = vector.broadcast %broadcast_in_dim3A_64 : f32 to vector<16xf32>
      %swap3A_66 = arith.index_cast %scan3A_57 : i32 to index
      %swap3A_67 = arith.constant 16 : index
      %swap3A_68 = tpu.vector_load %arg9[%swap3A_66, %swap3A_67] {strides = array<i32>} : memref<128x128xf32, #tpu.memory_space<vmem>>, vector<1x16xf32>,
      %swap3A_69 = vector.shape_cast %swap3A_68 : vector<1x16xf32> to vector<16xf32>
      %swap3A_70 = vector.shape_cast %broadcast_in_dim3A_65 : vector<16xf32> to vector<1x16xf32>
      tpu.vector_store %arg9[%swap3A_66, %swap3A_67], %swap3A_70 {strides = array<i32>} : memref<128x128xf32, #tpu.memory_space<vmem>>, vector<1x16xf32>,
      %broadcast_in_dim3A_71 = arith.constant 0.000000e+00 : f32
      %broadcast_in_dim3A_72 = vector.broadcast %broadcast_in_dim3A_71 : f32 to vector<16xf32>
      %swap3A_73 = arith.index_cast %scan3A_57 : i32 to index
      %swap3A_74 = arith.constant 32 : index
      %swap3A_75 = tpu.vector_load %arg9[%swap3A_73, %swap3A_74] {strides = array<i32>} : memref<128x128xf32, #tpu.memory_space<vmem>>, vector<1x16xf32>,
      %swap3A_76 = vector.shape_cast %swap3A_75 : vector<1x16xf32> to vector<16xf32>
      %swap3A_77 = vector.shape_cast %broadcast_in_dim3A_72 : vector<16xf32> to vector<1x16xf32>
      tpu.vector_store %arg9[%swap3A_73, %swap3A_74], %swap3A_77 {strides = array<i32>} : memref<128x128xf32, #tpu.memory_space<vmem>>, vector<1x16xf32>,
      %broadcast_in_dim3A_78 = arith.constant 0.000000e+00 : f32
      %broadcast_in_dim3A_79 = vector.broadcast %broadcast_in_dim3A_78 : f32 to vector<16xf32>
      %swap3A_80 = arith.index_cast %scan3A_57 : i32 to index
      %swap3A_81 = arith.constant 48 : index
      %swap3A_82 = tpu.vector_load %arg9[%swap3A_80, %swap3A_81] {strides = array<i32>} : memref<128x128xf32, #tpu.memory_space<vmem>>, vector<1x16xf32>,
      %swap3A_83 = vector.shape_cast %swap3A_82 : vector<1x16xf32> to vector<16xf32>
      %swap3A_84 = vector.shape_cast %broadcast_in_dim3A_79 : vector<16xf32> to vector<1x16xf32>
      tpu.vector_store %arg9[%swap3A_80, %swap3A_81], %swap3A_84 {strides = array<i32>} : memref<128x128xf32, #tpu.memory_space<vmem>>, vector<1x16xf32>,
      %broadcast_in_dim3A_85 = arith.constant 0.000000e+00 : f32
      %broadcast_in_dim3A_86 = vector.broadcast %broadcast_in_dim3A_85 : f32 to vector<16xf32>
      %swap3A_87 = arith.index_cast %scan3A_57 : i32 to index
      %swap3A_88 = arith.constant 64 : index
      %swap3A_89 = tpu.vector_load %arg9[%swap3A_87, %swap3A_88] {strides = array<i32>} : memref<128x128xf32, #tpu.memory_space<vmem>>, vector<1x16xf32>,
      %swap3A_90 = vector.shape_cast %swap3A_89 : vector<1x16xf32> to vector<16xf32>
      %swap3A_91 = vector.shape_cast %broadcast_in_dim3A_86 : vector<16xf32> to vector<1x16xf32>
      tpu.vector_store %arg9[%swap3A_87, %swap3A_88], %swap3A_91 {strides = array<i32>} : memref<128x128xf32, #tpu.memory_space<vmem>>, vector<1x16xf32>,
      %broadcast_in_dim3A_92 = arith.constant 0.000000e+00 : f32
      %broadcast_in_dim3A_93 = vector.broadcast %broadcast_in_dim3A_92 : f32 to vector<16xf32>
      %swap3A_94 = arith.index_cast %scan3A_57 : i32 to index
      %swap3A_95 = arith.constant 80 : index
      %swap3A_96 = tpu.vector_load %arg9[%swap3A_94, %swap3A_95] {strides = array<i32>} : memref<128x128xf32, #tpu.memory_space<vmem>>, vector<1x16xf32>,
      %swap3A_97 = vector.shape_cast %swap3A_96 : vector<1x16xf32> to vector<16xf32>
      %swap3A_98 = vector.shape_cast %broadcast_in_dim3A_93 : vector<16xf32> to vector<1x16xf32>
      tpu.vector_store %arg9[%swap3A_94, %swap3A_95], %swap3A_98 {strides = array<i32>} : memref<128x128xf32, #tpu.memory_space<vmem>>, vector<1x16xf32>,
      %broadcast_in_dim3A_99 = arith.constant 0.000000e+00 : f32
      %broadcast_in_dim3A_100 = vector.broadcast %broadcast_in_dim3A_99 : f32 to vector<16xf32>
      %swap3A_101 = arith.index_cast %scan3A_57 : i32 to index
      %swap3A_102 = arith.constant 96 : index
      %swap3A_103 = tpu.vector_load %arg9[%swap3A_101, %swap3A_102] {strides = array<i32>} : memref<128x128xf32, #tpu.memory_space<vmem>>, vector<1x16xf32>,
      %swap3A_104 = vector.shape_cast %swap3A_103 : vector<1x16xf32> to vector<16xf32>
      %swap3A_105 = vector.shape_cast %broadcast_in_dim3A_100 : vector<16xf32> to vector<1x16xf32>
      tpu.vector_store %arg9[%swap3A_101, %swap3A_102], %swap3A_105 {strides = array<i32>} : memref<128x128xf32, #tpu.memory_space<vmem>>, vector<1x16xf32>,
      %broadcast_in_dim3A_106 = arith.constant 0.000000e+00 : f32
      %broadcast_in_dim3A_107 = vector.broadcast %broadcast_in_dim3A_106 : f32 to vector<16xf32>
      %swap3A_108 = arith.index_cast %scan3A_57 : i32 to index
      %swap3A_109 = arith.constant 112 : index
      %swap3A_110 = tpu.vector_load %arg9[%swap3A_108, %swap3A_109] {strides = array<i32>} : memref<128x128xf32, #tpu.memory_space<vmem>>, vector<1x16xf32>,
      %swap3A_111 = vector.shape_cast %swap3A_110 : vector<1x16xf32> to vector<16xf32>
      %swap3A_112 = vector.shape_cast %broadcast_in_dim3A_107 : vector<16xf32> to vector<1x16xf32>
      tpu.vector_store %arg9[%swap3A_108, %swap3A_109], %swap3A_112 {strides = array<i32>} : memref<128x128xf32, #tpu.memory_space<vmem>>, vector<1x16xf32>,
      %scan3A_113 = arith.constant 0 : i32
      scf.yield %scan3A_113 : i32
    }
    %scan3A_6 = arith.constant 128 : i32
    %mul3A_7 = arith.constant 640 : i32
    %mul3A_8 = arith.muli %arg1, %mul3A_7 : i32
    %add3A_9 = arith.constant 0 : i32
    %add3A_10 = arith.addi %mul3A_8, %add3A_9 : i32
    "tpu.region"() ({
      %run_scoped3A = tpu.sem_alloc : memref<!tpu.dma_semaphore, #tpu.memory_space<semaphore_mem>>
      %dma_start3A = arith.constant 0 : i32
      %dma_start3A_57 = tpu.memref_slice %arg10[%add3A_10, %dma_start3A] : memref<10240x128xf32, #tpu.memory_space<vmem_shared>> -> memref<128x128xf32, #tpu.memory_space<vmem_shared>>
      %dma_start3A_58 = arith.constant 0 : i32
      %dma_start3A_59 = tpu.memref_slice %arg10[%add3A_10, %dma_start3A_58] : memref<10240x128xf32, #tpu.memory_space<vmem_shared>> -> memref<128x128xf32, #tpu.memory_space<vmem_shared>>
      tpu.enqueue_dma source(%arg9 : memref<128x128xf32, #tpu.memory_space<vmem>>) target(%dma_start3A_59 : memref<128x128xf32, #tpu.memory_space<vmem_shared>>) target_semaphore(%run_scoped3A : memref<!tpu.dma_semaphore, #tpu.memory_space<semaphore_mem>>)
      %dma_wait3A = arith.constant 0 : i32
      %dma_wait3A_60 = tpu.memref_slice %arg10[%add3A_10, %dma_wait3A] : memref<10240x128xf32, #tpu.memory_space<vmem_shared>> -> memref<128x128xf32, #tpu.memory_space<vmem_shared>>
      %dma_wait3A_61 = arith.constant 0 : i32
      %dma_wait3A_62 = tpu.memref_slice %arg10[%add3A_10, %dma_wait3A_61] : memref<10240x128xf32, #tpu.memory_space<vmem_shared>> -> memref<128x128xf32, #tpu.memory_space<vmem_shared>>
      tpu.wait_dma2 semaphore(%run_scoped3A : memref<!tpu.dma_semaphore, #tpu.memory_space<semaphore_mem>>) src(%arg9 : memref<128x128xf32, #tpu.memory_space<vmem>>) dst(%dma_wait3A_62 : memref<128x128xf32, #tpu.memory_space<vmem_shared>>)
      tpu.yield
    }) : () -> ()
    %mul3A_11 = arith.constant 640 : i32
    %mul3A_12 = arith.muli %arg1, %mul3A_11 : i32
    %add3A_13 = arith.constant 128 : i32
    %add3A_14 = arith.addi %mul3A_12, %add3A_13 : i32
    "tpu.region"() ({
      %run_scoped3A = tpu.sem_alloc : memref<!tpu.dma_semaphore, #tpu.memory_space<semaphore_mem>>
      %dma_start3A = arith.constant 0 : i32
      %dma_start3A_57 = tpu.memref_slice %arg10[%add3A_14, %dma_start3A] : memref<10240x128xf32, #tpu.memory_space<vmem_shared>> -> memref<128x128xf32, #tpu.memory_space<vmem_shared>>
      %dma_start3A_58 = arith.constant 0 : i32
      %dma_start3A_59 = tpu.memref_slice %arg10[%add3A_14, %dma_start3A_58] : memref<10240x128xf32, #tpu.memory_space<vmem_shared>> -> memref<128x128xf32, #tpu.memory_space<vmem_shared>>
      tpu.enqueue_dma source(%arg9 : memref<128x128xf32, #tpu.memory_space<vmem>>) target(%dma_start3A_59 : memref<128x128xf32, #tpu.memory_space<vmem_shared>>) target_semaphore(%run_scoped3A : memref<!tpu.dma_semaphore, #tpu.memory_space<semaphore_mem>>)
      %dma_wait3A = arith.constant 0 : i32
      %dma_wait3A_60 = tpu.memref_slice %arg10[%add3A_14, %dma_wait3A] : memref<10240x128xf32, #tpu.memory_space<vmem_shared>> -> memref<128x128xf32, #tpu.memory_space<vmem_shared>>
      %dma_wait3A_61 = arith.constant 0 : i32
      %dma_wait3A_62 = tpu.memref_slice %arg10[%add3A_14, %dma_wait3A_61] : memref<10240x128xf32, #tpu.memory_space<vmem_shared>> -> memref<128x128xf32, #tpu.memory_space<vmem_shared>>
      tpu.wait_dma2 semaphore(%run_scoped3A : memref<!tpu.dma_semaphore, #tpu.memory_space<semaphore_mem>>) src(%arg9 : memref<128x128xf32, #tpu.memory_space<vmem>>) dst(%dma_wait3A_62 : memref<128x128xf32, #tpu.memory_space<vmem_shared>>)
      tpu.yield
    }) : () -> ()
    %mul3A_15 = arith.constant 640 : i32
    %mul3A_16 = arith.muli %arg1, %mul3A_15 : i32
    %add3A_17 = arith.constant 256 : i32
    %add3A_18 = arith.addi %mul3A_16, %add3A_17 : i32
    "tpu.region"() ({
      %run_scoped3A = tpu.sem_alloc : memref<!tpu.dma_semaphore, #tpu.memory_space<semaphore_mem>>
      %dma_start3A = arith.constant 0 : i32
      %dma_start3A_57 = tpu.memref_slice %arg10[%add3A_18, %dma_start3A] : memref<10240x128xf32, #tpu.memory_space<vmem_shared>> -> memref<128x128xf32, #tpu.memory_space<vmem_shared>>
      %dma_start3A_58 = arith.constant 0 : i32
      %dma_start3A_59 = tpu.memref_slice %arg10[%add3A_18, %dma_start3A_58] : memref<10240x128xf32, #tpu.memory_space<vmem_shared>> -> memref<128x128xf32, #tpu.memory_space<vmem_shared>>
      tpu.enqueue_dma source(%arg9 : memref<128x128xf32, #tpu.memory_space<vmem>>) target(%dma_start3A_59 : memref<128x128xf32, #tpu.memory_space<vmem_shared>>) target_semaphore(%run_scoped3A : memref<!tpu.dma_semaphore, #tpu.memory_space<semaphore_mem>>)
      %dma_wait3A = arith.constant 0 : i32
      %dma_wait3A_60 = tpu.memref_slice %arg10[%add3A_18, %dma_wait3A] : memref<10240x128xf32, #tpu.memory_space<vmem_shared>> -> memref<128x128xf32, #tpu.memory_space<vmem_shared>>
      %dma_wait3A_61 = arith.constant 0 : i32
      %dma_wait3A_62 = tpu.memref_slice %arg10[%add3A_18, %dma_wait3A_61] : memref<10240x128xf32, #tpu.memory_space<vmem_shared>> -> memref<128x128xf32, #tpu.memory_space<vmem_shared>>
      tpu.wait_dma2 semaphore(%run_scoped3A : memref<!tpu.dma_semaphore, #tpu.memory_space<semaphore_mem>>) src(%arg9 : memref<128x128xf32, #tpu.memory_space<vmem>>) dst(%dma_wait3A_62 : memref<128x128xf32, #tpu.memory_space<vmem_shared>>)
      tpu.yield
    }) : () -> ()
    %mul3A_19 = arith.constant 640 : i32
    %mul3A_20 = arith.muli %arg1, %mul3A_19 : i32
    %add3A_21 = arith.constant 384 : i32
    %add3A_22 = arith.addi %mul3A_20, %add3A_21 : i32
    "tpu.region"() ({
      %run_scoped3A = tpu.sem_alloc : memref<!tpu.dma_semaphore, #tpu.memory_space<semaphore_mem>>
      %dma_start3A = arith.constant 0 : i32
      %dma_start3A_57 = tpu.memref_slice %arg10[%add3A_22, %dma_start3A] : memref<10240x128xf32, #tpu.memory_space<vmem_shared>> -> memref<128x128xf32, #tpu.memory_space<vmem_shared>>
      %dma_start3A_58 = arith.constant 0 : i32
      %dma_start3A_59 = tpu.memref_slice %arg10[%add3A_22, %dma_start3A_58] : memref<10240x128xf32, #tpu.memory_space<vmem_shared>> -> memref<128x128xf32, #tpu.memory_space<vmem_shared>>
      tpu.enqueue_dma source(%arg9 : memref<128x128xf32, #tpu.memory_space<vmem>>) target(%dma_start3A_59 : memref<128x128xf32, #tpu.memory_space<vmem_shared>>) target_semaphore(%run_scoped3A : memref<!tpu.dma_semaphore, #tpu.memory_space<semaphore_mem>>)
      %dma_wait3A = arith.constant 0 : i32
      %dma_wait3A_60 = tpu.memref_slice %arg10[%add3A_22, %dma_wait3A] : memref<10240x128xf32, #tpu.memory_space<vmem_shared>> -> memref<128x128xf32, #tpu.memory_space<vmem_shared>>
      %dma_wait3A_61 = arith.constant 0 : i32
      %dma_wait3A_62 = tpu.memref_slice %arg10[%add3A_22, %dma_wait3A_61] : memref<10240x128xf32, #tpu.memory_space<vmem_shared>> -> memref<128x128xf32, #tpu.memory_space<vmem_shared>>
      tpu.wait_dma2 semaphore(%run_scoped3A : memref<!tpu.dma_semaphore, #tpu.memory_space<semaphore_mem>>) src(%arg9 : memref<128x128xf32, #tpu.memory_space<vmem>>) dst(%dma_wait3A_62 : memref<128x128xf32, #tpu.memory_space<vmem_shared>>)
      tpu.yield
    }) : () -> ()
    %mul3A_23 = arith.constant 640 : i32
    %mul3A_24 = arith.muli %arg1, %mul3A_23 : i32
    %add3A_25 = arith.constant 512 : i32
    %add3A_26 = arith.addi %mul3A_24, %add3A_25 : i32
    "tpu.region"() ({
      %run_scoped3A = tpu.sem_alloc : memref<!tpu.dma_semaphore, #tpu.memory_space<semaphore_mem>>
      %dma_start3A = arith.constant 0 : i32
      %dma_start3A_57 = tpu.memref_slice %arg10[%add3A_26, %dma_start3A] : memref<10240x128xf32, #tpu.memory_space<vmem_shared>> -> memref<128x128xf32, #tpu.memory_space<vmem_shared>>
      %dma_start3A_58 = arith.constant 0 : i32
      %dma_start3A_59 = tpu.memref_slice %arg10[%add3A_26, %dma_start3A_58] : memref<10240x128xf32, #tpu.memory_space<vmem_shared>> -> memref<128x128xf32, #tpu.memory_space<vmem_shared>>
      tpu.enqueue_dma source(%arg9 : memref<128x128xf32, #tpu.memory_space<vmem>>) target(%dma_start3A_59 : memref<128x128xf32, #tpu.memory_space<vmem_shared>>) target_semaphore(%run_scoped3A : memref<!tpu.dma_semaphore, #tpu.memory_space<semaphore_mem>>)
      %dma_wait3A = arith.constant 0 : i32
      %dma_wait3A_60 = tpu.memref_slice %arg10[%add3A_26, %dma_wait3A] : memref<10240x128xf32, #tpu.memory_space<vmem_shared>> -> memref<128x128xf32, #tpu.memory_space<vmem_shared>>
      %dma_wait3A_61 = arith.constant 0 : i32
      %dma_wait3A_62 = tpu.memref_slice %arg10[%add3A_26, %dma_wait3A_61] : memref<10240x128xf32, #tpu.memory_space<vmem_shared>> -> memref<128x128xf32, #tpu.memory_space<vmem_shared>>
      tpu.wait_dma2 semaphore(%run_scoped3A : memref<!tpu.dma_semaphore, #tpu.memory_space<semaphore_mem>>) src(%arg9 : memref<128x128xf32, #tpu.memory_space<vmem>>) dst(%dma_wait3A_62 : memref<128x128xf32, #tpu.memory_space<vmem_shared>>)
      tpu.yield
    }) : () -> ()
    %barrier3A = arith.constant 0 : index
    tpu.barrier barrier_id(%barrier3A)
    %mul3A_27 = arith.constant 79 : i32
    %mul3A_28 = arith.muli %add3A, %mul3A_27 : i32
    %scan3A_29 = arith.constant 0 : i32
    %scan3A_30 = arith.constant 0 : i32
    %scan3A_31 = arith.constant 79 : i32
    %scan3A_32 = arith.addi %scan3A_30, %scan3A_31 : i32
    %scan3A_33 = arith.constant 1 : i32
    %scan3A_34 = scf.for %scan3A_57 = %scan3A_30 to %scan3A_32 step %scan3A_33 iter_args(%scan3A_58 = %scan3A_29) -> (i32)  : i32 {
      %add3A_59 = arith.addi %mul3A_28, %scan3A_57 : i32
      %mul3A_60 = arith.constant 128 : i32
      %mul3A_61 = arith.muli %add3A_59, %mul3A_60 : i32
      %multiple_of3A = tpu.assume_multiple %mul3A_61, 128 : i32
      "tpu.region"() ({
        %run_scoped3A = tpu.sem_alloc : memref<!tpu.dma_semaphore, #tpu.memory_space<semaphore_mem>>
        %dma_start3A_67 = tpu.memref_slice %arg4[%multiple_of3A] : memref<323584xi32, #tpu.memory_space<hbm>> -> memref<128xi32, #tpu.memory_space<hbm>>
        %dma_start3A_68 = tpu.memref_slice %arg4[%multiple_of3A] : memref<323584xi32, #tpu.memory_space<hbm>> -> memref<128xi32, #tpu.memory_space<hbm>>
        tpu.enqueue_dma source(%dma_start3A_68 : memref<128xi32, #tpu.memory_space<hbm>>) target(%arg7 : memref<128xi32, #tpu.memory_space<vmem>>) target_semaphore(%run_scoped3A : memref<!tpu.dma_semaphore, #tpu.memory_space<semaphore_mem>>)
        %dma_wait3A_69 = tpu.memref_slice %arg4[%multiple_of3A] : memref<323584xi32, #tpu.memory_space<hbm>> -> memref<128xi32, #tpu.memory_space<hbm>>
        %dma_wait3A_70 = tpu.memref_slice %arg4[%multiple_of3A] : memref<323584xi32, #tpu.memory_space<hbm>> -> memref<128xi32, #tpu.memory_space<hbm>>
        tpu.wait_dma2 semaphore(%run_scoped3A : memref<!tpu.dma_semaphore, #tpu.memory_space<semaphore_mem>>) src(%dma_wait3A_70 : memref<128xi32, #tpu.memory_space<hbm>>) dst(%arg7 : memref<128xi32, #tpu.memory_space<vmem>>)
        tpu.yield
      }) : () -> ()
      "tpu.region"() ({
        %run_scoped3A = tpu.sem_alloc : memref<!tpu.dma_semaphore, #tpu.memory_space<semaphore_mem>>
        %dma_start3A_67 = tpu.memref_slice %arg3[%multiple_of3A] : memref<323584xi32, #tpu.memory_space<hbm>> -> memref<128xi32, #tpu.memory_space<hbm>>
        %dma_start3A_68 = tpu.memref_slice %arg3[%multiple_of3A] : memref<323584xi32, #tpu.memory_space<hbm>> -> memref<128xi32, #tpu.memory_space<hbm>>
        tpu.enqueue_dma source(%dma_start3A_68 : memref<128xi32, #tpu.memory_space<hbm>>) target(%arg6 : memref<128xi32, #tpu.memory_space<vmem>>) target_semaphore(%run_scoped3A : memref<!tpu.dma_semaphore, #tpu.memory_space<semaphore_mem>>)
        %dma_wait3A_69 = tpu.memref_slice %arg3[%multiple_of3A] : memref<323584xi32, #tpu.memory_space<hbm>> -> memref<128xi32, #tpu.memory_space<hbm>>
        %dma_wait3A_70 = tpu.memref_slice %arg3[%multiple_of3A] : memref<323584xi32, #tpu.memory_space<hbm>> -> memref<128xi32, #tpu.memory_space<hbm>>
        tpu.wait_dma2 semaphore(%run_scoped3A : memref<!tpu.dma_semaphore, #tpu.memory_space<semaphore_mem>>) src(%dma_wait3A_70 : memref<128xi32, #tpu.memory_space<hbm>>) dst(%arg6 : memref<128xi32, #tpu.memory_space<vmem>>)
        tpu.yield
      }) : () -> ()
      %dma_start3A = arith.constant 0 : i32
      %dma_start3A_62 = arith.constant 0 : i32
      %dma_start3A_63 = tpu.memref_slice %arg2[%dma_start3A, %dma_start3A_62] : memref<10112x128xf32, #tpu.memory_space<hbm>> -> memref<10112x128xf32, #tpu.memory_space<hbm>>
      tpu.enqueue_indirect_dma source(%dma_start3A_63 : memref<10112x128xf32, #tpu.memory_space<hbm>>) target(%arg8 : memref<128x128xf32, #tpu.memory_space<vmem>>) offsets(%arg6 : memref<128xi32, #tpu.memory_space<vmem>>) semaphore(%arg11 : memref<!tpu.dma_semaphore, #tpu.memory_space<semaphore_mem>>)
      %dma_wait3A = arith.constant 0 : i32
      %dma_wait3A_64 = arith.constant 0 : i32
      %dma_wait3A_65 = tpu.memref_slice %arg2[%dma_wait3A, %dma_wait3A_64] : memref<10112x128xf32, #tpu.memory_space<hbm>> -> memref<10112x128xf32, #tpu.memory_space<hbm>>
      tpu.wait_indirect_dma semaphore(%arg11 : memref<!tpu.dma_semaphore, #tpu.memory_space<semaphore_mem>>) src(%dma_wait3A_65 : memref<10112x128xf32, #tpu.memory_space<hbm>>) dst(%arg8 : memref<128x128xf32, #tpu.memory_space<vmem>>)
      "tpu.region"() ({
        %run_scoped3A = tpu.sem_alloc : memref<!tpu.dma_semaphore, #tpu.memory_space<semaphore_mem>>
        %dma_start3A_67 = arith.constant 0 : i32
        %dma_start3A_68 = arith.constant 0 : i32
        %dma_start3A_69 = tpu.memref_slice %arg10[%dma_start3A_67, %dma_start3A_68] : memref<10240x128xf32, #tpu.memory_space<vmem_shared>> -> memref<10240x128xf32, #tpu.memory_space<vmem_shared>>
        tpu.enqueue_indirect_dma source(%arg8 : memref<128x128xf32, #tpu.memory_space<vmem>>) target(%dma_start3A_69 : memref<10240x128xf32, #tpu.memory_space<vmem_shared>>) offsets(%arg7 : memref<128xi32, #tpu.memory_space<vmem>>) semaphore(%run_scoped3A : memref<!tpu.dma_semaphore, #tpu.memory_space<semaphore_mem>>) {add = true}
        %dma_wait3A_70 = arith.constant 0 : i32
        %dma_wait3A_71 = arith.constant 0 : i32
        %dma_wait3A_72 = tpu.memref_slice %arg10[%dma_wait3A_70, %dma_wait3A_71] : memref<10240x128xf32, #tpu.memory_space<vmem_shared>> -> memref<10240x128xf32, #tpu.memory_space<vmem_shared>>
        tpu.wait_indirect_dma semaphore(%run_scoped3A : memref<!tpu.dma_semaphore, #tpu.memory_space<semaphore_mem>>) src(%arg8 : memref<128x128xf32, #tpu.memory_space<vmem>>) dst(%dma_wait3A_72 : memref<10240x128xf32, #tpu.memory_space<vmem_shared>>)
        tpu.yield
      }) : () -> ()
      %scan3A_66 = arith.constant 0 : i32
      scf.yield %scan3A_66 : i32
    }
    %scan3A_35 = arith.constant 79 : i32
    %barrier3A_36 = arith.constant 0 : index
    tpu.barrier barrier_id(%barrier3A_36)
    %mul3A_37 = arith.constant 632 : i32
    %mul3A_38 = arith.muli %arg1, %mul3A_37 : i32
    %add3A_39 = arith.constant 0 : i32
    %add3A_40 = arith.addi %mul3A_38, %add3A_39 : i32
    "tpu.region"() ({
      %run_scoped3A = tpu.sem_alloc : memref<!tpu.dma_semaphore, #tpu.memory_space<semaphore_mem>>
      %dma_start3A = arith.constant 0 : i32
      %dma_start3A_57 = tpu.memref_slice %arg5[%arg0, %add3A_40, %dma_start3A] : memref<2x10112x128xf32, #tpu.memory_space<hbm>> -> memref<1x128x128xf32, #tpu.memory_space<hbm>>
      %dma_start3A_58 = tpu.memref_squeeze %dma_start3A_57 : memref<1x128x128xf32, #tpu.memory_space<hbm>> -> memref<128x128xf32, #tpu.memory_space<hbm>>
      %dma_start3A_59 = arith.constant 0 : i32
      %dma_start3A_60 = tpu.memref_slice %arg10[%add3A_40, %dma_start3A_59] : memref<10240x128xf32, #tpu.memory_space<vmem_shared>> -> memref<128x128xf32, #tpu.memory_space<vmem_shared>>
      tpu.enqueue_dma source(%dma_start3A_60 : memref<128x128xf32, #tpu.memory_space<vmem_shared>>) target(%dma_start3A_58 : memref<128x128xf32, #tpu.memory_space<hbm>>) target_semaphore(%run_scoped3A : memref<!tpu.dma_semaphore, #tpu.memory_space<semaphore_mem>>)
      %dma_wait3A = arith.constant 0 : i32
      %dma_wait3A_61 = tpu.memref_slice %arg5[%arg0, %add3A_40, %dma_wait3A] : memref<2x10112x128xf32, #tpu.memory_space<hbm>> -> memref<1x128x128xf32, #tpu.memory_space<hbm>>
      %dma_wait3A_62 = tpu.memref_squeeze %dma_wait3A_61 : memref<1x128x128xf32, #tpu.memory_space<hbm>> -> memref<128x128xf32, #tpu.memory_space<hbm>>
      %dma_wait3A_63 = arith.constant 0 : i32
      %dma_wait3A_64 = tpu.memref_slice %arg10[%add3A_40, %dma_wait3A_63] : memref<10240x128xf32, #tpu.memory_space<vmem_shared>> -> memref<128x128xf32, #tpu.memory_space<vmem_shared>>
      tpu.wait_dma2 semaphore(%run_scoped3A : memref<!tpu.dma_semaphore, #tpu.memory_space<semaphore_mem>>) src(%dma_wait3A_64 : memref<128x128xf32, #tpu.memory_space<vmem_shared>>) dst(%dma_wait3A_62 : memref<128x128xf32, #tpu.memory_space<hbm>>)
      tpu.yield
    }) : () -> ()
    %mul3A_41 = arith.constant 632 : i32
    %mul3A_42 = arith.muli %arg1, %mul3A_41 : i32
    %add3A_43 = arith.constant 128 : i32
    %add3A_44 = arith.addi %mul3A_42, %add3A_43 : i32
    "tpu.region"() ({
      %run_scoped3A = tpu.sem_alloc : memref<!tpu.dma_semaphore, #tpu.memory_space<semaphore_mem>>
      %dma_start3A = arith.constant 0 : i32
      %dma_start3A_57 = tpu.memref_slice %arg5[%arg0, %add3A_44, %dma_start3A] : memref<2x10112x128xf32, #tpu.memory_space<hbm>> -> memref<1x128x128xf32, #tpu.memory_space<hbm>>
      %dma_start3A_58 = tpu.memref_squeeze %dma_start3A_57 : memref<1x128x128xf32, #tpu.memory_space<hbm>> -> memref<128x128xf32, #tpu.memory_space<hbm>>
      %dma_start3A_59 = arith.constant 0 : i32
      %dma_start3A_60 = tpu.memref_slice %arg10[%add3A_44, %dma_start3A_59] : memref<10240x128xf32, #tpu.memory_space<vmem_shared>> -> memref<128x128xf32, #tpu.memory_space<vmem_shared>>
      tpu.enqueue_dma source(%dma_start3A_60 : memref<128x128xf32, #tpu.memory_space<vmem_shared>>) target(%dma_start3A_58 : memref<128x128xf32, #tpu.memory_space<hbm>>) target_semaphore(%run_scoped3A : memref<!tpu.dma_semaphore, #tpu.memory_space<semaphore_mem>>)
      %dma_wait3A = arith.constant 0 : i32
      %dma_wait3A_61 = tpu.memref_slice %arg5[%arg0, %add3A_44, %dma_wait3A] : memref<2x10112x128xf32, #tpu.memory_space<hbm>> -> memref<1x128x128xf32, #tpu.memory_space<hbm>>
      %dma_wait3A_62 = tpu.memref_squeeze %dma_wait3A_61 : memref<1x128x128xf32, #tpu.memory_space<hbm>> -> memref<128x128xf32, #tpu.memory_space<hbm>>
      %dma_wait3A_63 = arith.constant 0 : i32
      %dma_wait3A_64 = tpu.memref_slice %arg10[%add3A_44, %dma_wait3A_63] : memref<10240x128xf32, #tpu.memory_space<vmem_shared>> -> memref<128x128xf32, #tpu.memory_space<vmem_shared>>
      tpu.wait_dma2 semaphore(%run_scoped3A : memref<!tpu.dma_semaphore, #tpu.memory_space<semaphore_mem>>) src(%dma_wait3A_64 : memref<128x128xf32, #tpu.memory_space<vmem_shared>>) dst(%dma_wait3A_62 : memref<128x128xf32, #tpu.memory_space<hbm>>)
      tpu.yield
    }) : () -> ()
    %mul3A_45 = arith.constant 632 : i32
    %mul3A_46 = arith.muli %arg1, %mul3A_45 : i32
    %add3A_47 = arith.constant 256 : i32
    %add3A_48 = arith.addi %mul3A_46, %add3A_47 : i32
    "tpu.region"() ({
      %run_scoped3A = tpu.sem_alloc : memref<!tpu.dma_semaphore, #tpu.memory_space<semaphore_mem>>
      %dma_start3A = arith.constant 0 : i32
      %dma_start3A_57 = tpu.memref_slice %arg5[%arg0, %add3A_48, %dma_start3A] : memref<2x10112x128xf32, #tpu.memory_space<hbm>> -> memref<1x128x128xf32, #tpu.memory_space<hbm>>
      %dma_start3A_58 = tpu.memref_squeeze %dma_start3A_57 : memref<1x128x128xf32, #tpu.memory_space<hbm>> -> memref<128x128xf32, #tpu.memory_space<hbm>>
      %dma_start3A_59 = arith.constant 0 : i32
      %dma_start3A_60 = tpu.memref_slice %arg10[%add3A_48, %dma_start3A_59] : memref<10240x128xf32, #tpu.memory_space<vmem_shared>> -> memref<128x128xf32, #tpu.memory_space<vmem_shared>>
      tpu.enqueue_dma source(%dma_start3A_60 : memref<128x128xf32, #tpu.memory_space<vmem_shared>>) target(%dma_start3A_58 : memref<128x128xf32, #tpu.memory_space<hbm>>) target_semaphore(%run_scoped3A : memref<!tpu.dma_semaphore, #tpu.memory_space<semaphore_mem>>)
      %dma_wait3A = arith.constant 0 : i32
      %dma_wait3A_61 = tpu.memref_slice %arg5[%arg0, %add3A_48, %dma_wait3A] : memref<2x10112x128xf32, #tpu.memory_space<hbm>> -> memref<1x128x128xf32, #tpu.memory_space<hbm>>
      %dma_wait3A_62 = tpu.memref_squeeze %dma_wait3A_61 : memref<1x128x128xf32, #tpu.memory_space<hbm>> -> memref<128x128xf32, #tpu.memory_space<hbm>>
      %dma_wait3A_63 = arith.constant 0 : i32
      %dma_wait3A_64 = tpu.memref_slice %arg10[%add3A_48, %dma_wait3A_63] : memref<10240x128xf32, #tpu.memory_space<vmem_shared>> -> memref<128x128xf32, #tpu.memory_space<vmem_shared>>
      tpu.wait_dma2 semaphore(%run_scoped3A : memref<!tpu.dma_semaphore, #tpu.memory_space<semaphore_mem>>) src(%dma_wait3A_64 : memref<128x128xf32, #tpu.memory_space<vmem_shared>>) dst(%dma_wait3A_62 : memref<128x128xf32, #tpu.memory_space<hbm>>)
      tpu.yield
    }) : () -> ()
    %mul3A_49 = arith.constant 632 : i32
    %mul3A_50 = arith.muli %arg1, %mul3A_49 : i32
    %add3A_51 = arith.constant 384 : i32
    %add3A_52 = arith.addi %mul3A_50, %add3A_51 : i32
    "tpu.region"() ({
      %run_scoped3A = tpu.sem_alloc : memref<!tpu.dma_semaphore, #tpu.memory_space<semaphore_mem>>
      %dma_start3A = arith.constant 0 : i32
      %dma_start3A_57 = tpu.memref_slice %arg5[%arg0, %add3A_52, %dma_start3A] : memref<2x10112x128xf32, #tpu.memory_space<hbm>> -> memref<1x128x128xf32, #tpu.memory_space<hbm>>
      %dma_start3A_58 = tpu.memref_squeeze %dma_start3A_57 : memref<1x128x128xf32, #tpu.memory_space<hbm>> -> memref<128x128xf32, #tpu.memory_space<hbm>>
      %dma_start3A_59 = arith.constant 0 : i32
      %dma_start3A_60 = tpu.memref_slice %arg10[%add3A_52, %dma_start3A_59] : memref<10240x128xf32, #tpu.memory_space<vmem_shared>> -> memref<128x128xf32, #tpu.memory_space<vmem_shared>>
      tpu.enqueue_dma source(%dma_start3A_60 : memref<128x128xf32, #tpu.memory_space<vmem_shared>>) target(%dma_start3A_58 : memref<128x128xf32, #tpu.memory_space<hbm>>) target_semaphore(%run_scoped3A : memref<!tpu.dma_semaphore, #tpu.memory_space<semaphore_mem>>)
      %dma_wait3A = arith.constant 0 : i32
      %dma_wait3A_61 = tpu.memref_slice %arg5[%arg0, %add3A_52, %dma_wait3A] : memref<2x10112x128xf32, #tpu.memory_space<hbm>> -> memref<1x128x128xf32, #tpu.memory_space<hbm>>
      %dma_wait3A_62 = tpu.memref_squeeze %dma_wait3A_61 : memref<1x128x128xf32, #tpu.memory_space<hbm>> -> memref<128x128xf32, #tpu.memory_space<hbm>>
      %dma_wait3A_63 = arith.constant 0 : i32
      %dma_wait3A_64 = tpu.memref_slice %arg10[%add3A_52, %dma_wait3A_63] : memref<10240x128xf32, #tpu.memory_space<vmem_shared>> -> memref<128x128xf32, #tpu.memory_space<vmem_shared>>
      tpu.wait_dma2 semaphore(%run_scoped3A : memref<!tpu.dma_semaphore, #tpu.memory_space<semaphore_mem>>) src(%dma_wait3A_64 : memref<128x128xf32, #tpu.memory_space<vmem_shared>>) dst(%dma_wait3A_62 : memref<128x128xf32, #tpu.memory_space<hbm>>)
      tpu.yield
    }) : () -> ()
    %mul3A_53 = arith.constant 632 : i32
    %mul3A_54 = arith.muli %arg1, %mul3A_53 : i32
    %add3A_55 = arith.constant 512 : i32
    %add3A_56 = arith.addi %mul3A_54, %add3A_55 : i32
    "tpu.region"() ({
      %run_scoped3A = tpu.sem_alloc : memref<!tpu.dma_semaphore, #tpu.memory_space<semaphore_mem>>
      %dma_start3A = arith.constant 0 : i32
      %dma_start3A_57 = tpu.memref_slice %arg5[%arg0, %add3A_56, %dma_start3A] : memref<2x10112x128xf32, #tpu.memory_space<hbm>> -> memref<1x120x128xf32, #tpu.memory_space<hbm>>
      %dma_start3A_58 = tpu.memref_squeeze %dma_start3A_57 : memref<1x120x128xf32, #tpu.memory_space<hbm>> -> memref<120x128xf32, #tpu.memory_space<hbm>>
      %dma_start3A_59 = arith.constant 0 : i32
      %dma_start3A_60 = tpu.memref_slice %arg10[%add3A_56, %dma_start3A_59] : memref<10240x128xf32, #tpu.memory_space<vmem_shared>> -> memref<120x128xf32, #tpu.memory_space<vmem_shared>>
      tpu.enqueue_dma source(%dma_start3A_60 : memref<120x128xf32, #tpu.memory_space<vmem_shared>>) target(%dma_start3A_58 : memref<120x128xf32, #tpu.memory_space<hbm>>) target_semaphore(%run_scoped3A : memref<!tpu.dma_semaphore, #tpu.memory_space<semaphore_mem>>)
      %dma_wait3A = arith.constant 0 : i32
      %dma_wait3A_61 = tpu.memref_slice %arg5[%arg0, %add3A_56, %dma_wait3A] : memref<2x10112x128xf32, #tpu.memory_space<hbm>> -> memref<1x120x128xf32, #tpu.memory_space<hbm>>
      %dma_wait3A_62 = tpu.memref_squeeze %dma_wait3A_61 : memref<1x120x128xf32, #tpu.memory_space<hbm>> -> memref<120x128xf32, #tpu.memory_space<hbm>>
      %dma_wait3A_63 = arith.constant 0 : i32
      %dma_wait3A_64 = tpu.memref_slice %arg10[%add3A_56, %dma_wait3A_63] : memref<10240x128xf32, #tpu.memory_space<vmem_shared>> -> memref<120x128xf32, #tpu.memory_space<vmem_shared>>
      tpu.wait_dma2 semaphore(%run_scoped3A : memref<!tpu.dma_semaphore, #tpu.memory_space<semaphore_mem>>) src(%dma_wait3A_64 : memref<120x128xf32, #tpu.memory_space<vmem_shared>>) dst(%dma_wait3A_62 : memref<120x128xf32, #tpu.memory_space<hbm>>)
      tpu.yield
    }) : () -> ()
    return
  }
}

#map = affine_map<(d0, d1) -> (0, 0)>
#map1 = affine_map<(d0, d1) -> (0)>
#map2 = affine_map<(d0, d1) -> (0, 0, 0)>
module attributes {stable_mosaic.version = 14 : i64} {
  func.func @agg_kernel(%arg0: i32, %arg1: i32, %arg2: memref<256x128xf32, #tpu.memory_space<hbm>>, %arg3: memref<323584xi32, #tpu.memory_space<hbm>>, %arg4: memref<323584xi32, #tpu.memory_space<hbm>>, %arg5: memref<2x10112x128xf32, #tpu.memory_space<hbm>>, %arg6: memref<128xi32, #tpu.memory_space<vmem>>, %arg7: memref<128xi32, #tpu.memory_space<vmem>>, %arg8: memref<128x128xf32, #tpu.memory_space<vmem>>, %arg9: memref<128x128xf32, #tpu.memory_space<vmem>>, %arg10: memref<10240x128xf32, #tpu.memory_space<vmem_shared>>, %arg11: memref<!tpu.dma_semaphore, #tpu.memory_space<semaphore_mem>>) attributes {dimension_semantics = [#tpu.dimension_semantics<core_parallel>, #tpu.dimension_semantics<subcore_parallel>], iteration_bounds = array<i64: 2, 16>, scalar_prefetch = 0 : i64, scratch_operands = 6 : i64, tpu.core_type = #tpu.core_type<sc_vector_subcore>, window_params = [{transform_indices = #map}, {transform_indices = #map1}, {transform_indices = #map1}, {transform_indices = #map2}]} {
    %mul3A = arith.constant 16 : i32
    %mul3A_0 = arith.muli %arg0, %mul3A : i32
    %add3A = arith.addi %mul3A_0, %arg1 : i32
    %scan3A = arith.constant 0 : i32
    %scan3A_1 = arith.constant 0 : i32
    %scan3A_2 = arith.constant 128 : i32
    %scan3A_3 = arith.addi %scan3A_1, %scan3A_2 : i32
    %scan3A_4 = arith.constant 1 : i32
    %scan3A_5 = scf.for %scan3A_57 = %scan3A_1 to %scan3A_3 step %scan3A_4 iter_args(%scan3A_58 = %scan3A) -> (i32)  : i32 {
      %broadcast_in_dim3A = arith.constant 0.000000e+00 : f32
      %broadcast_in_dim3A_59 = vector.broadcast %broadcast_in_dim3A : f32 to vector<16xf32>
      %swap3A = arith.index_cast %scan3A_57 : i32 to index
      %swap3A_60 = arith.constant 0 : index
      %swap3A_61 = tpu.vector_load %arg9[%swap3A, %swap3A_60] {strides = array<i32>} : memref<128x128xf32, #tpu.memory_space<vmem>>, vector<1x16xf32>,
      %swap3A_62 = vector.shape_cast %swap3A_61 : vector<1x16xf32> to vector<16xf32>
      %swap3A_63 = vector.shape_cast %broadcast_in_dim3A_59 : vector<16xf32> to vector<1x16xf32>
      tpu.vector_store %arg9[%swap3A, %swap3A_60], %swap3A_63 {strides = array<i32>} : memref<128x128xf32, #tpu.memory_space<vmem>>, vector<1x16xf32>,
      %broadcast_in_dim3A_64 = arith.constant 0.000000e+00 : f32
      %broadcast_in_dim3A_65 = vector.broadcast %broadcast_in_dim3A_64 : f32 to vector<16xf32>
      %swap3A_66 = arith.index_cast %scan3A_57 : i32 to index
      %swap3A_67 = arith.constant 16 : index
      %swap3A_68 = tpu.vector_load %arg9[%swap3A_66, %swap3A_67] {strides = array<i32>} : memref<128x128xf32, #tpu.memory_space<vmem>>, vector<1x16xf32>,
      %swap3A_69 = vector.shape_cast %swap3A_68 : vector<1x16xf32> to vector<16xf32>
      %swap3A_70 = vector.shape_cast %broadcast_in_dim3A_65 : vector<16xf32> to vector<1x16xf32>
      tpu.vector_store %arg9[%swap3A_66, %swap3A_67], %swap3A_70 {strides = array<i32>} : memref<128x128xf32, #tpu.memory_space<vmem>>, vector<1x16xf32>,
      %broadcast_in_dim3A_71 = arith.constant 0.000000e+00 : f32
      %broadcast_in_dim3A_72 = vector.broadcast %broadcast_in_dim3A_71 : f32 to vector<16xf32>
      %swap3A_73 = arith.index_cast %scan3A_57 : i32 to index
      %swap3A_74 = arith.constant 32 : index
      %swap3A_75 = tpu.vector_load %arg9[%swap3A_73, %swap3A_74] {strides = array<i32>} : memref<128x128xf32, #tpu.memory_space<vmem>>, vector<1x16xf32>,
      %swap3A_76 = vector.shape_cast %swap3A_75 : vector<1x16xf32> to vector<16xf32>
      %swap3A_77 = vector.shape_cast %broadcast_in_dim3A_72 : vector<16xf32> to vector<1x16xf32>
      tpu.vector_store %arg9[%swap3A_73, %swap3A_74], %swap3A_77 {strides = array<i32>} : memref<128x128xf32, #tpu.memory_space<vmem>>, vector<1x16xf32>,
      %broadcast_in_dim3A_78 = arith.constant 0.000000e+00 : f32
      %broadcast_in_dim3A_79 = vector.broadcast %broadcast_in_dim3A_78 : f32 to vector<16xf32>
      %swap3A_80 = arith.index_cast %scan3A_57 : i32 to index
      %swap3A_81 = arith.constant 48 : index
      %swap3A_82 = tpu.vector_load %arg9[%swap3A_80, %swap3A_81] {strides = array<i32>} : memref<128x128xf32, #tpu.memory_space<vmem>>, vector<1x16xf32>,
      %swap3A_83 = vector.shape_cast %swap3A_82 : vector<1x16xf32> to vector<16xf32>
      %swap3A_84 = vector.shape_cast %broadcast_in_dim3A_79 : vector<16xf32> to vector<1x16xf32>
      tpu.vector_store %arg9[%swap3A_80, %swap3A_81], %swap3A_84 {strides = array<i32>} : memref<128x128xf32, #tpu.memory_space<vmem>>, vector<1x16xf32>,
      %broadcast_in_dim3A_85 = arith.constant 0.000000e+00 : f32
      %broadcast_in_dim3A_86 = vector.broadcast %broadcast_in_dim3A_85 : f32 to vector<16xf32>
      %swap3A_87 = arith.index_cast %scan3A_57 : i32 to index
      %swap3A_88 = arith.constant 64 : index
      %swap3A_89 = tpu.vector_load %arg9[%swap3A_87, %swap3A_88] {strides = array<i32>} : memref<128x128xf32, #tpu.memory_space<vmem>>, vector<1x16xf32>,
      %swap3A_90 = vector.shape_cast %swap3A_89 : vector<1x16xf32> to vector<16xf32>
      %swap3A_91 = vector.shape_cast %broadcast_in_dim3A_86 : vector<16xf32> to vector<1x16xf32>
      tpu.vector_store %arg9[%swap3A_87, %swap3A_88], %swap3A_91 {strides = array<i32>} : memref<128x128xf32, #tpu.memory_space<vmem>>, vector<1x16xf32>,
      %broadcast_in_dim3A_92 = arith.constant 0.000000e+00 : f32
      %broadcast_in_dim3A_93 = vector.broadcast %broadcast_in_dim3A_92 : f32 to vector<16xf32>
      %swap3A_94 = arith.index_cast %scan3A_57 : i32 to index
      %swap3A_95 = arith.constant 80 : index
      %swap3A_96 = tpu.vector_load %arg9[%swap3A_94, %swap3A_95] {strides = array<i32>} : memref<128x128xf32, #tpu.memory_space<vmem>>, vector<1x16xf32>,
      %swap3A_97 = vector.shape_cast %swap3A_96 : vector<1x16xf32> to vector<16xf32>
      %swap3A_98 = vector.shape_cast %broadcast_in_dim3A_93 : vector<16xf32> to vector<1x16xf32>
      tpu.vector_store %arg9[%swap3A_94, %swap3A_95], %swap3A_98 {strides = array<i32>} : memref<128x128xf32, #tpu.memory_space<vmem>>, vector<1x16xf32>,
      %broadcast_in_dim3A_99 = arith.constant 0.000000e+00 : f32
      %broadcast_in_dim3A_100 = vector.broadcast %broadcast_in_dim3A_99 : f32 to vector<16xf32>
      %swap3A_101 = arith.index_cast %scan3A_57 : i32 to index
      %swap3A_102 = arith.constant 96 : index
      %swap3A_103 = tpu.vector_load %arg9[%swap3A_101, %swap3A_102] {strides = array<i32>} : memref<128x128xf32, #tpu.memory_space<vmem>>, vector<1x16xf32>,
      %swap3A_104 = vector.shape_cast %swap3A_103 : vector<1x16xf32> to vector<16xf32>
      %swap3A_105 = vector.shape_cast %broadcast_in_dim3A_100 : vector<16xf32> to vector<1x16xf32>
      tpu.vector_store %arg9[%swap3A_101, %swap3A_102], %swap3A_105 {strides = array<i32>} : memref<128x128xf32, #tpu.memory_space<vmem>>, vector<1x16xf32>,
      %broadcast_in_dim3A_106 = arith.constant 0.000000e+00 : f32
      %broadcast_in_dim3A_107 = vector.broadcast %broadcast_in_dim3A_106 : f32 to vector<16xf32>
      %swap3A_108 = arith.index_cast %scan3A_57 : i32 to index
      %swap3A_109 = arith.constant 112 : index
      %swap3A_110 = tpu.vector_load %arg9[%swap3A_108, %swap3A_109] {strides = array<i32>} : memref<128x128xf32, #tpu.memory_space<vmem>>, vector<1x16xf32>,
      %swap3A_111 = vector.shape_cast %swap3A_110 : vector<1x16xf32> to vector<16xf32>
      %swap3A_112 = vector.shape_cast %broadcast_in_dim3A_107 : vector<16xf32> to vector<1x16xf32>
      tpu.vector_store %arg9[%swap3A_108, %swap3A_109], %swap3A_112 {strides = array<i32>} : memref<128x128xf32, #tpu.memory_space<vmem>>, vector<1x16xf32>,
      %scan3A_113 = arith.constant 0 : i32
      scf.yield %scan3A_113 : i32
    }
    %scan3A_6 = arith.constant 128 : i32
    %mul3A_7 = arith.constant 640 : i32
    %mul3A_8 = arith.muli %arg1, %mul3A_7 : i32
    %add3A_9 = arith.constant 0 : i32
    %add3A_10 = arith.addi %mul3A_8, %add3A_9 : i32
    "tpu.region"() ({
      %run_scoped3A = tpu.sem_alloc : memref<!tpu.dma_semaphore, #tpu.memory_space<semaphore_mem>>
      %dma_start3A = arith.constant 0 : i32
      %dma_start3A_57 = tpu.memref_slice %arg10[%add3A_10, %dma_start3A] : memref<10240x128xf32, #tpu.memory_space<vmem_shared>> -> memref<128x128xf32, #tpu.memory_space<vmem_shared>>
      %dma_start3A_58 = arith.constant 0 : i32
      %dma_start3A_59 = tpu.memref_slice %arg10[%add3A_10, %dma_start3A_58] : memref<10240x128xf32, #tpu.memory_space<vmem_shared>> -> memref<128x128xf32, #tpu.memory_space<vmem_shared>>
      tpu.enqueue_dma source(%arg9 : memref<128x128xf32, #tpu.memory_space<vmem>>) target(%dma_start3A_59 : memref<128x128xf32, #tpu.memory_space<vmem_shared>>) target_semaphore(%run_scoped3A : memref<!tpu.dma_semaphore, #tpu.memory_space<semaphore_mem>>)
      %dma_wait3A = arith.constant 0 : i32
      %dma_wait3A_60 = tpu.memref_slice %arg10[%add3A_10, %dma_wait3A] : memref<10240x128xf32, #tpu.memory_space<vmem_shared>> -> memref<128x128xf32, #tpu.memory_space<vmem_shared>>
      %dma_wait3A_61 = arith.constant 0 : i32
      %dma_wait3A_62 = tpu.memref_slice %arg10[%add3A_10, %dma_wait3A_61] : memref<10240x128xf32, #tpu.memory_space<vmem_shared>> -> memref<128x128xf32, #tpu.memory_space<vmem_shared>>
      tpu.wait_dma2 semaphore(%run_scoped3A : memref<!tpu.dma_semaphore, #tpu.memory_space<semaphore_mem>>) src(%arg9 : memref<128x128xf32, #tpu.memory_space<vmem>>) dst(%dma_wait3A_62 : memref<128x128xf32, #tpu.memory_space<vmem_shared>>)
      tpu.yield
    }) : () -> ()
    %mul3A_11 = arith.constant 640 : i32
    %mul3A_12 = arith.muli %arg1, %mul3A_11 : i32
    %add3A_13 = arith.constant 128 : i32
    %add3A_14 = arith.addi %mul3A_12, %add3A_13 : i32
    "tpu.region"() ({
      %run_scoped3A = tpu.sem_alloc : memref<!tpu.dma_semaphore, #tpu.memory_space<semaphore_mem>>
      %dma_start3A = arith.constant 0 : i32
      %dma_start3A_57 = tpu.memref_slice %arg10[%add3A_14, %dma_start3A] : memref<10240x128xf32, #tpu.memory_space<vmem_shared>> -> memref<128x128xf32, #tpu.memory_space<vmem_shared>>
      %dma_start3A_58 = arith.constant 0 : i32
      %dma_start3A_59 = tpu.memref_slice %arg10[%add3A_14, %dma_start3A_58] : memref<10240x128xf32, #tpu.memory_space<vmem_shared>> -> memref<128x128xf32, #tpu.memory_space<vmem_shared>>
      tpu.enqueue_dma source(%arg9 : memref<128x128xf32, #tpu.memory_space<vmem>>) target(%dma_start3A_59 : memref<128x128xf32, #tpu.memory_space<vmem_shared>>) target_semaphore(%run_scoped3A : memref<!tpu.dma_semaphore, #tpu.memory_space<semaphore_mem>>)
      %dma_wait3A = arith.constant 0 : i32
      %dma_wait3A_60 = tpu.memref_slice %arg10[%add3A_14, %dma_wait3A] : memref<10240x128xf32, #tpu.memory_space<vmem_shared>> -> memref<128x128xf32, #tpu.memory_space<vmem_shared>>
      %dma_wait3A_61 = arith.constant 0 : i32
      %dma_wait3A_62 = tpu.memref_slice %arg10[%add3A_14, %dma_wait3A_61] : memref<10240x128xf32, #tpu.memory_space<vmem_shared>> -> memref<128x128xf32, #tpu.memory_space<vmem_shared>>
      tpu.wait_dma2 semaphore(%run_scoped3A : memref<!tpu.dma_semaphore, #tpu.memory_space<semaphore_mem>>) src(%arg9 : memref<128x128xf32, #tpu.memory_space<vmem>>) dst(%dma_wait3A_62 : memref<128x128xf32, #tpu.memory_space<vmem_shared>>)
      tpu.yield
    }) : () -> ()
    %mul3A_15 = arith.constant 640 : i32
    %mul3A_16 = arith.muli %arg1, %mul3A_15 : i32
    %add3A_17 = arith.constant 256 : i32
    %add3A_18 = arith.addi %mul3A_16, %add3A_17 : i32
    "tpu.region"() ({
      %run_scoped3A = tpu.sem_alloc : memref<!tpu.dma_semaphore, #tpu.memory_space<semaphore_mem>>
      %dma_start3A = arith.constant 0 : i32
      %dma_start3A_57 = tpu.memref_slice %arg10[%add3A_18, %dma_start3A] : memref<10240x128xf32, #tpu.memory_space<vmem_shared>> -> memref<128x128xf32, #tpu.memory_space<vmem_shared>>
      %dma_start3A_58 = arith.constant 0 : i32
      %dma_start3A_59 = tpu.memref_slice %arg10[%add3A_18, %dma_start3A_58] : memref<10240x128xf32, #tpu.memory_space<vmem_shared>> -> memref<128x128xf32, #tpu.memory_space<vmem_shared>>
      tpu.enqueue_dma source(%arg9 : memref<128x128xf32, #tpu.memory_space<vmem>>) target(%dma_start3A_59 : memref<128x128xf32, #tpu.memory_space<vmem_shared>>) target_semaphore(%run_scoped3A : memref<!tpu.dma_semaphore, #tpu.memory_space<semaphore_mem>>)
      %dma_wait3A = arith.constant 0 : i32
      %dma_wait3A_60 = tpu.memref_slice %arg10[%add3A_18, %dma_wait3A] : memref<10240x128xf32, #tpu.memory_space<vmem_shared>> -> memref<128x128xf32, #tpu.memory_space<vmem_shared>>
      %dma_wait3A_61 = arith.constant 0 : i32
      %dma_wait3A_62 = tpu.memref_slice %arg10[%add3A_18, %dma_wait3A_61] : memref<10240x128xf32, #tpu.memory_space<vmem_shared>> -> memref<128x128xf32, #tpu.memory_space<vmem_shared>>
      tpu.wait_dma2 semaphore(%run_scoped3A : memref<!tpu.dma_semaphore, #tpu.memory_space<semaphore_mem>>) src(%arg9 : memref<128x128xf32, #tpu.memory_space<vmem>>) dst(%dma_wait3A_62 : memref<128x128xf32, #tpu.memory_space<vmem_shared>>)
      tpu.yield
    }) : () -> ()
    %mul3A_19 = arith.constant 640 : i32
    %mul3A_20 = arith.muli %arg1, %mul3A_19 : i32
    %add3A_21 = arith.constant 384 : i32
    %add3A_22 = arith.addi %mul3A_20, %add3A_21 : i32
    "tpu.region"() ({
      %run_scoped3A = tpu.sem_alloc : memref<!tpu.dma_semaphore, #tpu.memory_space<semaphore_mem>>
      %dma_start3A = arith.constant 0 : i32
      %dma_start3A_57 = tpu.memref_slice %arg10[%add3A_22, %dma_start3A] : memref<10240x128xf32, #tpu.memory_space<vmem_shared>> -> memref<128x128xf32, #tpu.memory_space<vmem_shared>>
      %dma_start3A_58 = arith.constant 0 : i32
      %dma_start3A_59 = tpu.memref_slice %arg10[%add3A_22, %dma_start3A_58] : memref<10240x128xf32, #tpu.memory_space<vmem_shared>> -> memref<128x128xf32, #tpu.memory_space<vmem_shared>>
      tpu.enqueue_dma source(%arg9 : memref<128x128xf32, #tpu.memory_space<vmem>>) target(%dma_start3A_59 : memref<128x128xf32, #tpu.memory_space<vmem_shared>>) target_semaphore(%run_scoped3A : memref<!tpu.dma_semaphore, #tpu.memory_space<semaphore_mem>>)
      %dma_wait3A = arith.constant 0 : i32
      %dma_wait3A_60 = tpu.memref_slice %arg10[%add3A_22, %dma_wait3A] : memref<10240x128xf32, #tpu.memory_space<vmem_shared>> -> memref<128x128xf32, #tpu.memory_space<vmem_shared>>
      %dma_wait3A_61 = arith.constant 0 : i32
      %dma_wait3A_62 = tpu.memref_slice %arg10[%add3A_22, %dma_wait3A_61] : memref<10240x128xf32, #tpu.memory_space<vmem_shared>> -> memref<128x128xf32, #tpu.memory_space<vmem_shared>>
      tpu.wait_dma2 semaphore(%run_scoped3A : memref<!tpu.dma_semaphore, #tpu.memory_space<semaphore_mem>>) src(%arg9 : memref<128x128xf32, #tpu.memory_space<vmem>>) dst(%dma_wait3A_62 : memref<128x128xf32, #tpu.memory_space<vmem_shared>>)
      tpu.yield
    }) : () -> ()
    %mul3A_23 = arith.constant 640 : i32
    %mul3A_24 = arith.muli %arg1, %mul3A_23 : i32
    %add3A_25 = arith.constant 512 : i32
    %add3A_26 = arith.addi %mul3A_24, %add3A_25 : i32
    "tpu.region"() ({
      %run_scoped3A = tpu.sem_alloc : memref<!tpu.dma_semaphore, #tpu.memory_space<semaphore_mem>>
      %dma_start3A = arith.constant 0 : i32
      %dma_start3A_57 = tpu.memref_slice %arg10[%add3A_26, %dma_start3A] : memref<10240x128xf32, #tpu.memory_space<vmem_shared>> -> memref<128x128xf32, #tpu.memory_space<vmem_shared>>
      %dma_start3A_58 = arith.constant 0 : i32
      %dma_start3A_59 = tpu.memref_slice %arg10[%add3A_26, %dma_start3A_58] : memref<10240x128xf32, #tpu.memory_space<vmem_shared>> -> memref<128x128xf32, #tpu.memory_space<vmem_shared>>
      tpu.enqueue_dma source(%arg9 : memref<128x128xf32, #tpu.memory_space<vmem>>) target(%dma_start3A_59 : memref<128x128xf32, #tpu.memory_space<vmem_shared>>) target_semaphore(%run_scoped3A : memref<!tpu.dma_semaphore, #tpu.memory_space<semaphore_mem>>)
      %dma_wait3A = arith.constant 0 : i32
      %dma_wait3A_60 = tpu.memref_slice %arg10[%add3A_26, %dma_wait3A] : memref<10240x128xf32, #tpu.memory_space<vmem_shared>> -> memref<128x128xf32, #tpu.memory_space<vmem_shared>>
      %dma_wait3A_61 = arith.constant 0 : i32
      %dma_wait3A_62 = tpu.memref_slice %arg10[%add3A_26, %dma_wait3A_61] : memref<10240x128xf32, #tpu.memory_space<vmem_shared>> -> memref<128x128xf32, #tpu.memory_space<vmem_shared>>
      tpu.wait_dma2 semaphore(%run_scoped3A : memref<!tpu.dma_semaphore, #tpu.memory_space<semaphore_mem>>) src(%arg9 : memref<128x128xf32, #tpu.memory_space<vmem>>) dst(%dma_wait3A_62 : memref<128x128xf32, #tpu.memory_space<vmem_shared>>)
      tpu.yield
    }) : () -> ()
    %barrier3A = arith.constant 0 : index
    tpu.barrier barrier_id(%barrier3A)
    %mul3A_27 = arith.constant 79 : i32
    %mul3A_28 = arith.muli %add3A, %mul3A_27 : i32
    %scan3A_29 = arith.constant 0 : i32
    %scan3A_30 = arith.constant 0 : i32
    %scan3A_31 = arith.constant 79 : i32
    %scan3A_32 = arith.addi %scan3A_30, %scan3A_31 : i32
    %scan3A_33 = arith.constant 1 : i32
    %scan3A_34 = scf.for %scan3A_57 = %scan3A_30 to %scan3A_32 step %scan3A_33 iter_args(%scan3A_58 = %scan3A_29) -> (i32)  : i32 {
      %add3A_59 = arith.addi %mul3A_28, %scan3A_57 : i32
      %mul3A_60 = arith.constant 128 : i32
      %mul3A_61 = arith.muli %add3A_59, %mul3A_60 : i32
      %multiple_of3A = tpu.assume_multiple %mul3A_61, 128 : i32
      "tpu.region"() ({
        %run_scoped3A = tpu.sem_alloc : memref<!tpu.dma_semaphore, #tpu.memory_space<semaphore_mem>>
        %dma_start3A_67 = tpu.memref_slice %arg4[%multiple_of3A] : memref<323584xi32, #tpu.memory_space<hbm>> -> memref<128xi32, #tpu.memory_space<hbm>>
        %dma_start3A_68 = tpu.memref_slice %arg4[%multiple_of3A] : memref<323584xi32, #tpu.memory_space<hbm>> -> memref<128xi32, #tpu.memory_space<hbm>>
        tpu.enqueue_dma source(%dma_start3A_68 : memref<128xi32, #tpu.memory_space<hbm>>) target(%arg7 : memref<128xi32, #tpu.memory_space<vmem>>) target_semaphore(%run_scoped3A : memref<!tpu.dma_semaphore, #tpu.memory_space<semaphore_mem>>)
        %dma_wait3A_69 = tpu.memref_slice %arg4[%multiple_of3A] : memref<323584xi32, #tpu.memory_space<hbm>> -> memref<128xi32, #tpu.memory_space<hbm>>
        %dma_wait3A_70 = tpu.memref_slice %arg4[%multiple_of3A] : memref<323584xi32, #tpu.memory_space<hbm>> -> memref<128xi32, #tpu.memory_space<hbm>>
        tpu.wait_dma2 semaphore(%run_scoped3A : memref<!tpu.dma_semaphore, #tpu.memory_space<semaphore_mem>>) src(%dma_wait3A_70 : memref<128xi32, #tpu.memory_space<hbm>>) dst(%arg7 : memref<128xi32, #tpu.memory_space<vmem>>)
        tpu.yield
      }) : () -> ()
      "tpu.region"() ({
        %run_scoped3A = tpu.sem_alloc : memref<!tpu.dma_semaphore, #tpu.memory_space<semaphore_mem>>
        %dma_start3A_67 = tpu.memref_slice %arg3[%multiple_of3A] : memref<323584xi32, #tpu.memory_space<hbm>> -> memref<128xi32, #tpu.memory_space<hbm>>
        %dma_start3A_68 = tpu.memref_slice %arg3[%multiple_of3A] : memref<323584xi32, #tpu.memory_space<hbm>> -> memref<128xi32, #tpu.memory_space<hbm>>
        tpu.enqueue_dma source(%dma_start3A_68 : memref<128xi32, #tpu.memory_space<hbm>>) target(%arg6 : memref<128xi32, #tpu.memory_space<vmem>>) target_semaphore(%run_scoped3A : memref<!tpu.dma_semaphore, #tpu.memory_space<semaphore_mem>>)
        %dma_wait3A_69 = tpu.memref_slice %arg3[%multiple_of3A] : memref<323584xi32, #tpu.memory_space<hbm>> -> memref<128xi32, #tpu.memory_space<hbm>>
        %dma_wait3A_70 = tpu.memref_slice %arg3[%multiple_of3A] : memref<323584xi32, #tpu.memory_space<hbm>> -> memref<128xi32, #tpu.memory_space<hbm>>
        tpu.wait_dma2 semaphore(%run_scoped3A : memref<!tpu.dma_semaphore, #tpu.memory_space<semaphore_mem>>) src(%dma_wait3A_70 : memref<128xi32, #tpu.memory_space<hbm>>) dst(%arg6 : memref<128xi32, #tpu.memory_space<vmem>>)
        tpu.yield
      }) : () -> ()
      %dma_start3A = arith.constant 0 : i32
      %dma_start3A_62 = arith.constant 0 : i32
      %dma_start3A_63 = tpu.memref_slice %arg2[%dma_start3A, %dma_start3A_62] : memref<256x128xf32, #tpu.memory_space<hbm>> -> memref<256x128xf32, #tpu.memory_space<hbm>>
      tpu.enqueue_indirect_dma source(%dma_start3A_63 : memref<256x128xf32, #tpu.memory_space<hbm>>) target(%arg8 : memref<128x128xf32, #tpu.memory_space<vmem>>) offsets(%arg6 : memref<128xi32, #tpu.memory_space<vmem>>) semaphore(%arg11 : memref<!tpu.dma_semaphore, #tpu.memory_space<semaphore_mem>>)
      %dma_wait3A = arith.constant 0 : i32
      %dma_wait3A_64 = arith.constant 0 : i32
      %dma_wait3A_65 = tpu.memref_slice %arg2[%dma_wait3A, %dma_wait3A_64] : memref<256x128xf32, #tpu.memory_space<hbm>> -> memref<256x128xf32, #tpu.memory_space<hbm>>
      tpu.wait_indirect_dma semaphore(%arg11 : memref<!tpu.dma_semaphore, #tpu.memory_space<semaphore_mem>>) src(%dma_wait3A_65 : memref<256x128xf32, #tpu.memory_space<hbm>>) dst(%arg8 : memref<128x128xf32, #tpu.memory_space<vmem>>)
      "tpu.region"() ({
        %run_scoped3A = tpu.sem_alloc : memref<!tpu.dma_semaphore, #tpu.memory_space<semaphore_mem>>
        %dma_start3A_67 = arith.constant 0 : i32
        %dma_start3A_68 = arith.constant 0 : i32
        %dma_start3A_69 = tpu.memref_slice %arg10[%dma_start3A_67, %dma_start3A_68] : memref<10240x128xf32, #tpu.memory_space<vmem_shared>> -> memref<10240x128xf32, #tpu.memory_space<vmem_shared>>
        tpu.enqueue_indirect_dma source(%arg8 : memref<128x128xf32, #tpu.memory_space<vmem>>) target(%dma_start3A_69 : memref<10240x128xf32, #tpu.memory_space<vmem_shared>>) offsets(%arg7 : memref<128xi32, #tpu.memory_space<vmem>>) semaphore(%run_scoped3A : memref<!tpu.dma_semaphore, #tpu.memory_space<semaphore_mem>>) {add = true}
        %dma_wait3A_70 = arith.constant 0 : i32
        %dma_wait3A_71 = arith.constant 0 : i32
        %dma_wait3A_72 = tpu.memref_slice %arg10[%dma_wait3A_70, %dma_wait3A_71] : memref<10240x128xf32, #tpu.memory_space<vmem_shared>> -> memref<10240x128xf32, #tpu.memory_space<vmem_shared>>
        tpu.wait_indirect_dma semaphore(%run_scoped3A : memref<!tpu.dma_semaphore, #tpu.memory_space<semaphore_mem>>) src(%arg8 : memref<128x128xf32, #tpu.memory_space<vmem>>) dst(%dma_wait3A_72 : memref<10240x128xf32, #tpu.memory_space<vmem_shared>>)
        tpu.yield
      }) : () -> ()
      %scan3A_66 = arith.constant 0 : i32
      scf.yield %scan3A_66 : i32
    }
    %scan3A_35 = arith.constant 79 : i32
    %barrier3A_36 = arith.constant 0 : index
    tpu.barrier barrier_id(%barrier3A_36)
    %mul3A_37 = arith.constant 632 : i32
    %mul3A_38 = arith.muli %arg1, %mul3A_37 : i32
    %add3A_39 = arith.constant 0 : i32
    %add3A_40 = arith.addi %mul3A_38, %add3A_39 : i32
    "tpu.region"() ({
      %run_scoped3A = tpu.sem_alloc : memref<!tpu.dma_semaphore, #tpu.memory_space<semaphore_mem>>
      %dma_start3A = arith.constant 0 : i32
      %dma_start3A_57 = tpu.memref_slice %arg5[%arg0, %add3A_40, %dma_start3A] : memref<2x10112x128xf32, #tpu.memory_space<hbm>> -> memref<1x128x128xf32, #tpu.memory_space<hbm>>
      %dma_start3A_58 = tpu.memref_squeeze %dma_start3A_57 : memref<1x128x128xf32, #tpu.memory_space<hbm>> -> memref<128x128xf32, #tpu.memory_space<hbm>>
      %dma_start3A_59 = arith.constant 0 : i32
      %dma_start3A_60 = tpu.memref_slice %arg10[%add3A_40, %dma_start3A_59] : memref<10240x128xf32, #tpu.memory_space<vmem_shared>> -> memref<128x128xf32, #tpu.memory_space<vmem_shared>>
      tpu.enqueue_dma source(%dma_start3A_60 : memref<128x128xf32, #tpu.memory_space<vmem_shared>>) target(%dma_start3A_58 : memref<128x128xf32, #tpu.memory_space<hbm>>) target_semaphore(%run_scoped3A : memref<!tpu.dma_semaphore, #tpu.memory_space<semaphore_mem>>)
      %dma_wait3A = arith.constant 0 : i32
      %dma_wait3A_61 = tpu.memref_slice %arg5[%arg0, %add3A_40, %dma_wait3A] : memref<2x10112x128xf32, #tpu.memory_space<hbm>> -> memref<1x128x128xf32, #tpu.memory_space<hbm>>
      %dma_wait3A_62 = tpu.memref_squeeze %dma_wait3A_61 : memref<1x128x128xf32, #tpu.memory_space<hbm>> -> memref<128x128xf32, #tpu.memory_space<hbm>>
      %dma_wait3A_63 = arith.constant 0 : i32
      %dma_wait3A_64 = tpu.memref_slice %arg10[%add3A_40, %dma_wait3A_63] : memref<10240x128xf32, #tpu.memory_space<vmem_shared>> -> memref<128x128xf32, #tpu.memory_space<vmem_shared>>
      tpu.wait_dma2 semaphore(%run_scoped3A : memref<!tpu.dma_semaphore, #tpu.memory_space<semaphore_mem>>) src(%dma_wait3A_64 : memref<128x128xf32, #tpu.memory_space<vmem_shared>>) dst(%dma_wait3A_62 : memref<128x128xf32, #tpu.memory_space<hbm>>)
      tpu.yield
    }) : () -> ()
    %mul3A_41 = arith.constant 632 : i32
    %mul3A_42 = arith.muli %arg1, %mul3A_41 : i32
    %add3A_43 = arith.constant 128 : i32
    %add3A_44 = arith.addi %mul3A_42, %add3A_43 : i32
    "tpu.region"() ({
      %run_scoped3A = tpu.sem_alloc : memref<!tpu.dma_semaphore, #tpu.memory_space<semaphore_mem>>
      %dma_start3A = arith.constant 0 : i32
      %dma_start3A_57 = tpu.memref_slice %arg5[%arg0, %add3A_44, %dma_start3A] : memref<2x10112x128xf32, #tpu.memory_space<hbm>> -> memref<1x128x128xf32, #tpu.memory_space<hbm>>
      %dma_start3A_58 = tpu.memref_squeeze %dma_start3A_57 : memref<1x128x128xf32, #tpu.memory_space<hbm>> -> memref<128x128xf32, #tpu.memory_space<hbm>>
      %dma_start3A_59 = arith.constant 0 : i32
      %dma_start3A_60 = tpu.memref_slice %arg10[%add3A_44, %dma_start3A_59] : memref<10240x128xf32, #tpu.memory_space<vmem_shared>> -> memref<128x128xf32, #tpu.memory_space<vmem_shared>>
      tpu.enqueue_dma source(%dma_start3A_60 : memref<128x128xf32, #tpu.memory_space<vmem_shared>>) target(%dma_start3A_58 : memref<128x128xf32, #tpu.memory_space<hbm>>) target_semaphore(%run_scoped3A : memref<!tpu.dma_semaphore, #tpu.memory_space<semaphore_mem>>)
      %dma_wait3A = arith.constant 0 : i32
      %dma_wait3A_61 = tpu.memref_slice %arg5[%arg0, %add3A_44, %dma_wait3A] : memref<2x10112x128xf32, #tpu.memory_space<hbm>> -> memref<1x128x128xf32, #tpu.memory_space<hbm>>
      %dma_wait3A_62 = tpu.memref_squeeze %dma_wait3A_61 : memref<1x128x128xf32, #tpu.memory_space<hbm>> -> memref<128x128xf32, #tpu.memory_space<hbm>>
      %dma_wait3A_63 = arith.constant 0 : i32
      %dma_wait3A_64 = tpu.memref_slice %arg10[%add3A_44, %dma_wait3A_63] : memref<10240x128xf32, #tpu.memory_space<vmem_shared>> -> memref<128x128xf32, #tpu.memory_space<vmem_shared>>
      tpu.wait_dma2 semaphore(%run_scoped3A : memref<!tpu.dma_semaphore, #tpu.memory_space<semaphore_mem>>) src(%dma_wait3A_64 : memref<128x128xf32, #tpu.memory_space<vmem_shared>>) dst(%dma_wait3A_62 : memref<128x128xf32, #tpu.memory_space<hbm>>)
      tpu.yield
    }) : () -> ()
    %mul3A_45 = arith.constant 632 : i32
    %mul3A_46 = arith.muli %arg1, %mul3A_45 : i32
    %add3A_47 = arith.constant 256 : i32
    %add3A_48 = arith.addi %mul3A_46, %add3A_47 : i32
    "tpu.region"() ({
      %run_scoped3A = tpu.sem_alloc : memref<!tpu.dma_semaphore, #tpu.memory_space<semaphore_mem>>
      %dma_start3A = arith.constant 0 : i32
      %dma_start3A_57 = tpu.memref_slice %arg5[%arg0, %add3A_48, %dma_start3A] : memref<2x10112x128xf32, #tpu.memory_space<hbm>> -> memref<1x128x128xf32, #tpu.memory_space<hbm>>
      %dma_start3A_58 = tpu.memref_squeeze %dma_start3A_57 : memref<1x128x128xf32, #tpu.memory_space<hbm>> -> memref<128x128xf32, #tpu.memory_space<hbm>>
      %dma_start3A_59 = arith.constant 0 : i32
      %dma_start3A_60 = tpu.memref_slice %arg10[%add3A_48, %dma_start3A_59] : memref<10240x128xf32, #tpu.memory_space<vmem_shared>> -> memref<128x128xf32, #tpu.memory_space<vmem_shared>>
      tpu.enqueue_dma source(%dma_start3A_60 : memref<128x128xf32, #tpu.memory_space<vmem_shared>>) target(%dma_start3A_58 : memref<128x128xf32, #tpu.memory_space<hbm>>) target_semaphore(%run_scoped3A : memref<!tpu.dma_semaphore, #tpu.memory_space<semaphore_mem>>)
      %dma_wait3A = arith.constant 0 : i32
      %dma_wait3A_61 = tpu.memref_slice %arg5[%arg0, %add3A_48, %dma_wait3A] : memref<2x10112x128xf32, #tpu.memory_space<hbm>> -> memref<1x128x128xf32, #tpu.memory_space<hbm>>
      %dma_wait3A_62 = tpu.memref_squeeze %dma_wait3A_61 : memref<1x128x128xf32, #tpu.memory_space<hbm>> -> memref<128x128xf32, #tpu.memory_space<hbm>>
      %dma_wait3A_63 = arith.constant 0 : i32
      %dma_wait3A_64 = tpu.memref_slice %arg10[%add3A_48, %dma_wait3A_63] : memref<10240x128xf32, #tpu.memory_space<vmem_shared>> -> memref<128x128xf32, #tpu.memory_space<vmem_shared>>
      tpu.wait_dma2 semaphore(%run_scoped3A : memref<!tpu.dma_semaphore, #tpu.memory_space<semaphore_mem>>) src(%dma_wait3A_64 : memref<128x128xf32, #tpu.memory_space<vmem_shared>>) dst(%dma_wait3A_62 : memref<128x128xf32, #tpu.memory_space<hbm>>)
      tpu.yield
    }) : () -> ()
    %mul3A_49 = arith.constant 632 : i32
    %mul3A_50 = arith.muli %arg1, %mul3A_49 : i32
    %add3A_51 = arith.constant 384 : i32
    %add3A_52 = arith.addi %mul3A_50, %add3A_51 : i32
    "tpu.region"() ({
      %run_scoped3A = tpu.sem_alloc : memref<!tpu.dma_semaphore, #tpu.memory_space<semaphore_mem>>
      %dma_start3A = arith.constant 0 : i32
      %dma_start3A_57 = tpu.memref_slice %arg5[%arg0, %add3A_52, %dma_start3A] : memref<2x10112x128xf32, #tpu.memory_space<hbm>> -> memref<1x128x128xf32, #tpu.memory_space<hbm>>
      %dma_start3A_58 = tpu.memref_squeeze %dma_start3A_57 : memref<1x128x128xf32, #tpu.memory_space<hbm>> -> memref<128x128xf32, #tpu.memory_space<hbm>>
      %dma_start3A_59 = arith.constant 0 : i32
      %dma_start3A_60 = tpu.memref_slice %arg10[%add3A_52, %dma_start3A_59] : memref<10240x128xf32, #tpu.memory_space<vmem_shared>> -> memref<128x128xf32, #tpu.memory_space<vmem_shared>>
      tpu.enqueue_dma source(%dma_start3A_60 : memref<128x128xf32, #tpu.memory_space<vmem_shared>>) target(%dma_start3A_58 : memref<128x128xf32, #tpu.memory_space<hbm>>) target_semaphore(%run_scoped3A : memref<!tpu.dma_semaphore, #tpu.memory_space<semaphore_mem>>)
      %dma_wait3A = arith.constant 0 : i32
      %dma_wait3A_61 = tpu.memref_slice %arg5[%arg0, %add3A_52, %dma_wait3A] : memref<2x10112x128xf32, #tpu.memory_space<hbm>> -> memref<1x128x128xf32, #tpu.memory_space<hbm>>
      %dma_wait3A_62 = tpu.memref_squeeze %dma_wait3A_61 : memref<1x128x128xf32, #tpu.memory_space<hbm>> -> memref<128x128xf32, #tpu.memory_space<hbm>>
      %dma_wait3A_63 = arith.constant 0 : i32
      %dma_wait3A_64 = tpu.memref_slice %arg10[%add3A_52, %dma_wait3A_63] : memref<10240x128xf32, #tpu.memory_space<vmem_shared>> -> memref<128x128xf32, #tpu.memory_space<vmem_shared>>
      tpu.wait_dma2 semaphore(%run_scoped3A : memref<!tpu.dma_semaphore, #tpu.memory_space<semaphore_mem>>) src(%dma_wait3A_64 : memref<128x128xf32, #tpu.memory_space<vmem_shared>>) dst(%dma_wait3A_62 : memref<128x128xf32, #tpu.memory_space<hbm>>)
      tpu.yield
    }) : () -> ()
    %mul3A_53 = arith.constant 632 : i32
    %mul3A_54 = arith.muli %arg1, %mul3A_53 : i32
    %add3A_55 = arith.constant 512 : i32
    %add3A_56 = arith.addi %mul3A_54, %add3A_55 : i32
    "tpu.region"() ({
      %run_scoped3A = tpu.sem_alloc : memref<!tpu.dma_semaphore, #tpu.memory_space<semaphore_mem>>
      %dma_start3A = arith.constant 0 : i32
      %dma_start3A_57 = tpu.memref_slice %arg5[%arg0, %add3A_56, %dma_start3A] : memref<2x10112x128xf32, #tpu.memory_space<hbm>> -> memref<1x120x128xf32, #tpu.memory_space<hbm>>
      %dma_start3A_58 = tpu.memref_squeeze %dma_start3A_57 : memref<1x120x128xf32, #tpu.memory_space<hbm>> -> memref<120x128xf32, #tpu.memory_space<hbm>>
      %dma_start3A_59 = arith.constant 0 : i32
      %dma_start3A_60 = tpu.memref_slice %arg10[%add3A_56, %dma_start3A_59] : memref<10240x128xf32, #tpu.memory_space<vmem_shared>> -> memref<120x128xf32, #tpu.memory_space<vmem_shared>>
      tpu.enqueue_dma source(%dma_start3A_60 : memref<120x128xf32, #tpu.memory_space<vmem_shared>>) target(%dma_start3A_58 : memref<120x128xf32, #tpu.memory_space<hbm>>) target_semaphore(%run_scoped3A : memref<!tpu.dma_semaphore, #tpu.memory_space<semaphore_mem>>)
      %dma_wait3A = arith.constant 0 : i32
      %dma_wait3A_61 = tpu.memref_slice %arg5[%arg0, %add3A_56, %dma_wait3A] : memref<2x10112x128xf32, #tpu.memory_space<hbm>> -> memref<1x120x128xf32, #tpu.memory_space<hbm>>
      %dma_wait3A_62 = tpu.memref_squeeze %dma_wait3A_61 : memref<1x120x128xf32, #tpu.memory_space<hbm>> -> memref<120x128xf32, #tpu.memory_space<hbm>>
      %dma_wait3A_63 = arith.constant 0 : i32
      %dma_wait3A_64 = tpu.memref_slice %arg10[%add3A_56, %dma_wait3A_63] : memref<10240x128xf32, #tpu.memory_space<vmem_shared>> -> memref<120x128xf32, #tpu.memory_space<vmem_shared>>
      tpu.wait_dma2 semaphore(%run_scoped3A : memref<!tpu.dma_semaphore, #tpu.memory_space<semaphore_mem>>) src(%dma_wait3A_64 : memref<120x128xf32, #tpu.memory_space<vmem_shared>>) dst(%dma_wait3A_62 : memref<120x128xf32, #tpu.memory_space<hbm>>)
      tpu.yield
    }) : () -> ()
    return
  }
}

#map = affine_map<(d0, d1) -> (0, 0)>
#map1 = affine_map<(d0, d1) -> (0)>
#map2 = affine_map<(d0, d1) -> (0, 0, 0)>
module attributes {stable_mosaic.version = 14 : i64} {
  func.func @agg_kernel(%arg0: i32, %arg1: i32, %arg2: memref<10112x128xf32, #tpu.memory_space<hbm>>, %arg3: memref<323584xi32, #tpu.memory_space<hbm>>, %arg4: memref<323584xi32, #tpu.memory_space<hbm>>, %arg5: memref<2x10112x128xf32, #tpu.memory_space<hbm>>, %arg6: memref<128xi32, #tpu.memory_space<vmem>>, %arg7: memref<128xi32, #tpu.memory_space<vmem>>, %arg8: memref<128x128xf32, #tpu.memory_space<vmem>>, %arg9: memref<128x128xf32, #tpu.memory_space<vmem>>, %arg10: memref<10240x128xf32, #tpu.memory_space<vmem_shared>>, %arg11: memref<!tpu.dma_semaphore, #tpu.memory_space<semaphore_mem>>) attributes {dimension_semantics = [#tpu.dimension_semantics<core_parallel>, #tpu.dimension_semantics<subcore_parallel>], iteration_bounds = array<i64: 2, 16>, scalar_prefetch = 0 : i64, scratch_operands = 6 : i64, tpu.core_type = #tpu.core_type<sc_vector_subcore>, window_params = [{transform_indices = #map}, {transform_indices = #map1}, {transform_indices = #map1}, {transform_indices = #map2}]} {
    %mul3A = arith.constant 16 : i32
    %mul3A_0 = arith.muli %arg0, %mul3A : i32
    %add3A = arith.addi %mul3A_0, %arg1 : i32
    %scan3A = arith.constant 0 : i32
    %scan3A_1 = arith.constant 0 : i32
    %scan3A_2 = arith.constant 128 : i32
    %scan3A_3 = arith.addi %scan3A_1, %scan3A_2 : i32
    %scan3A_4 = arith.constant 1 : i32
    %scan3A_5 = scf.for %scan3A_57 = %scan3A_1 to %scan3A_3 step %scan3A_4 iter_args(%scan3A_58 = %scan3A) -> (i32)  : i32 {
      %broadcast_in_dim3A = arith.constant 0.000000e+00 : f32
      %broadcast_in_dim3A_59 = vector.broadcast %broadcast_in_dim3A : f32 to vector<16xf32>
      %swap3A = arith.index_cast %scan3A_57 : i32 to index
      %swap3A_60 = arith.constant 0 : index
      %swap3A_61 = tpu.vector_load %arg9[%swap3A, %swap3A_60] {strides = array<i32>} : memref<128x128xf32, #tpu.memory_space<vmem>>, vector<1x16xf32>,
      %swap3A_62 = vector.shape_cast %swap3A_61 : vector<1x16xf32> to vector<16xf32>
      %swap3A_63 = vector.shape_cast %broadcast_in_dim3A_59 : vector<16xf32> to vector<1x16xf32>
      tpu.vector_store %arg9[%swap3A, %swap3A_60], %swap3A_63 {strides = array<i32>} : memref<128x128xf32, #tpu.memory_space<vmem>>, vector<1x16xf32>,
      %broadcast_in_dim3A_64 = arith.constant 0.000000e+00 : f32
      %broadcast_in_dim3A_65 = vector.broadcast %broadcast_in_dim3A_64 : f32 to vector<16xf32>
      %swap3A_66 = arith.index_cast %scan3A_57 : i32 to index
      %swap3A_67 = arith.constant 16 : index
      %swap3A_68 = tpu.vector_load %arg9[%swap3A_66, %swap3A_67] {strides = array<i32>} : memref<128x128xf32, #tpu.memory_space<vmem>>, vector<1x16xf32>,
      %swap3A_69 = vector.shape_cast %swap3A_68 : vector<1x16xf32> to vector<16xf32>
      %swap3A_70 = vector.shape_cast %broadcast_in_dim3A_65 : vector<16xf32> to vector<1x16xf32>
      tpu.vector_store %arg9[%swap3A_66, %swap3A_67], %swap3A_70 {strides = array<i32>} : memref<128x128xf32, #tpu.memory_space<vmem>>, vector<1x16xf32>,
      %broadcast_in_dim3A_71 = arith.constant 0.000000e+00 : f32
      %broadcast_in_dim3A_72 = vector.broadcast %broadcast_in_dim3A_71 : f32 to vector<16xf32>
      %swap3A_73 = arith.index_cast %scan3A_57 : i32 to index
      %swap3A_74 = arith.constant 32 : index
      %swap3A_75 = tpu.vector_load %arg9[%swap3A_73, %swap3A_74] {strides = array<i32>} : memref<128x128xf32, #tpu.memory_space<vmem>>, vector<1x16xf32>,
      %swap3A_76 = vector.shape_cast %swap3A_75 : vector<1x16xf32> to vector<16xf32>
      %swap3A_77 = vector.shape_cast %broadcast_in_dim3A_72 : vector<16xf32> to vector<1x16xf32>
      tpu.vector_store %arg9[%swap3A_73, %swap3A_74], %swap3A_77 {strides = array<i32>} : memref<128x128xf32, #tpu.memory_space<vmem>>, vector<1x16xf32>,
      %broadcast_in_dim3A_78 = arith.constant 0.000000e+00 : f32
      %broadcast_in_dim3A_79 = vector.broadcast %broadcast_in_dim3A_78 : f32 to vector<16xf32>
      %swap3A_80 = arith.index_cast %scan3A_57 : i32 to index
      %swap3A_81 = arith.constant 48 : index
      %swap3A_82 = tpu.vector_load %arg9[%swap3A_80, %swap3A_81] {strides = array<i32>} : memref<128x128xf32, #tpu.memory_space<vmem>>, vector<1x16xf32>,
      %swap3A_83 = vector.shape_cast %swap3A_82 : vector<1x16xf32> to vector<16xf32>
      %swap3A_84 = vector.shape_cast %broadcast_in_dim3A_79 : vector<16xf32> to vector<1x16xf32>
      tpu.vector_store %arg9[%swap3A_80, %swap3A_81], %swap3A_84 {strides = array<i32>} : memref<128x128xf32, #tpu.memory_space<vmem>>, vector<1x16xf32>,
      %broadcast_in_dim3A_85 = arith.constant 0.000000e+00 : f32
      %broadcast_in_dim3A_86 = vector.broadcast %broadcast_in_dim3A_85 : f32 to vector<16xf32>
      %swap3A_87 = arith.index_cast %scan3A_57 : i32 to index
      %swap3A_88 = arith.constant 64 : index
      %swap3A_89 = tpu.vector_load %arg9[%swap3A_87, %swap3A_88] {strides = array<i32>} : memref<128x128xf32, #tpu.memory_space<vmem>>, vector<1x16xf32>,
      %swap3A_90 = vector.shape_cast %swap3A_89 : vector<1x16xf32> to vector<16xf32>
      %swap3A_91 = vector.shape_cast %broadcast_in_dim3A_86 : vector<16xf32> to vector<1x16xf32>
      tpu.vector_store %arg9[%swap3A_87, %swap3A_88], %swap3A_91 {strides = array<i32>} : memref<128x128xf32, #tpu.memory_space<vmem>>, vector<1x16xf32>,
      %broadcast_in_dim3A_92 = arith.constant 0.000000e+00 : f32
      %broadcast_in_dim3A_93 = vector.broadcast %broadcast_in_dim3A_92 : f32 to vector<16xf32>
      %swap3A_94 = arith.index_cast %scan3A_57 : i32 to index
      %swap3A_95 = arith.constant 80 : index
      %swap3A_96 = tpu.vector_load %arg9[%swap3A_94, %swap3A_95] {strides = array<i32>} : memref<128x128xf32, #tpu.memory_space<vmem>>, vector<1x16xf32>,
      %swap3A_97 = vector.shape_cast %swap3A_96 : vector<1x16xf32> to vector<16xf32>
      %swap3A_98 = vector.shape_cast %broadcast_in_dim3A_93 : vector<16xf32> to vector<1x16xf32>
      tpu.vector_store %arg9[%swap3A_94, %swap3A_95], %swap3A_98 {strides = array<i32>} : memref<128x128xf32, #tpu.memory_space<vmem>>, vector<1x16xf32>,
      %broadcast_in_dim3A_99 = arith.constant 0.000000e+00 : f32
      %broadcast_in_dim3A_100 = vector.broadcast %broadcast_in_dim3A_99 : f32 to vector<16xf32>
      %swap3A_101 = arith.index_cast %scan3A_57 : i32 to index
      %swap3A_102 = arith.constant 96 : index
      %swap3A_103 = tpu.vector_load %arg9[%swap3A_101, %swap3A_102] {strides = array<i32>} : memref<128x128xf32, #tpu.memory_space<vmem>>, vector<1x16xf32>,
      %swap3A_104 = vector.shape_cast %swap3A_103 : vector<1x16xf32> to vector<16xf32>
      %swap3A_105 = vector.shape_cast %broadcast_in_dim3A_100 : vector<16xf32> to vector<1x16xf32>
      tpu.vector_store %arg9[%swap3A_101, %swap3A_102], %swap3A_105 {strides = array<i32>} : memref<128x128xf32, #tpu.memory_space<vmem>>, vector<1x16xf32>,
      %broadcast_in_dim3A_106 = arith.constant 0.000000e+00 : f32
      %broadcast_in_dim3A_107 = vector.broadcast %broadcast_in_dim3A_106 : f32 to vector<16xf32>
      %swap3A_108 = arith.index_cast %scan3A_57 : i32 to index
      %swap3A_109 = arith.constant 112 : index
      %swap3A_110 = tpu.vector_load %arg9[%swap3A_108, %swap3A_109] {strides = array<i32>} : memref<128x128xf32, #tpu.memory_space<vmem>>, vector<1x16xf32>,
      %swap3A_111 = vector.shape_cast %swap3A_110 : vector<1x16xf32> to vector<16xf32>
      %swap3A_112 = vector.shape_cast %broadcast_in_dim3A_107 : vector<16xf32> to vector<1x16xf32>
      tpu.vector_store %arg9[%swap3A_108, %swap3A_109], %swap3A_112 {strides = array<i32>} : memref<128x128xf32, #tpu.memory_space<vmem>>, vector<1x16xf32>,
      %scan3A_113 = arith.constant 0 : i32
      scf.yield %scan3A_113 : i32
    }
    %scan3A_6 = arith.constant 128 : i32
    %mul3A_7 = arith.constant 640 : i32
    %mul3A_8 = arith.muli %arg1, %mul3A_7 : i32
    %add3A_9 = arith.constant 0 : i32
    %add3A_10 = arith.addi %mul3A_8, %add3A_9 : i32
    "tpu.region"() ({
      %run_scoped3A = tpu.sem_alloc : memref<!tpu.dma_semaphore, #tpu.memory_space<semaphore_mem>>
      %dma_start3A = arith.constant 0 : i32
      %dma_start3A_57 = tpu.memref_slice %arg10[%add3A_10, %dma_start3A] : memref<10240x128xf32, #tpu.memory_space<vmem_shared>> -> memref<128x128xf32, #tpu.memory_space<vmem_shared>>
      %dma_start3A_58 = arith.constant 0 : i32
      %dma_start3A_59 = tpu.memref_slice %arg10[%add3A_10, %dma_start3A_58] : memref<10240x128xf32, #tpu.memory_space<vmem_shared>> -> memref<128x128xf32, #tpu.memory_space<vmem_shared>>
      tpu.enqueue_dma source(%arg9 : memref<128x128xf32, #tpu.memory_space<vmem>>) target(%dma_start3A_59 : memref<128x128xf32, #tpu.memory_space<vmem_shared>>) target_semaphore(%run_scoped3A : memref<!tpu.dma_semaphore, #tpu.memory_space<semaphore_mem>>)
      %dma_wait3A = arith.constant 0 : i32
      %dma_wait3A_60 = tpu.memref_slice %arg10[%add3A_10, %dma_wait3A] : memref<10240x128xf32, #tpu.memory_space<vmem_shared>> -> memref<128x128xf32, #tpu.memory_space<vmem_shared>>
      %dma_wait3A_61 = arith.constant 0 : i32
      %dma_wait3A_62 = tpu.memref_slice %arg10[%add3A_10, %dma_wait3A_61] : memref<10240x128xf32, #tpu.memory_space<vmem_shared>> -> memref<128x128xf32, #tpu.memory_space<vmem_shared>>
      tpu.wait_dma2 semaphore(%run_scoped3A : memref<!tpu.dma_semaphore, #tpu.memory_space<semaphore_mem>>) src(%arg9 : memref<128x128xf32, #tpu.memory_space<vmem>>) dst(%dma_wait3A_62 : memref<128x128xf32, #tpu.memory_space<vmem_shared>>)
      tpu.yield
    }) : () -> ()
    %mul3A_11 = arith.constant 640 : i32
    %mul3A_12 = arith.muli %arg1, %mul3A_11 : i32
    %add3A_13 = arith.constant 128 : i32
    %add3A_14 = arith.addi %mul3A_12, %add3A_13 : i32
    "tpu.region"() ({
      %run_scoped3A = tpu.sem_alloc : memref<!tpu.dma_semaphore, #tpu.memory_space<semaphore_mem>>
      %dma_start3A = arith.constant 0 : i32
      %dma_start3A_57 = tpu.memref_slice %arg10[%add3A_14, %dma_start3A] : memref<10240x128xf32, #tpu.memory_space<vmem_shared>> -> memref<128x128xf32, #tpu.memory_space<vmem_shared>>
      %dma_start3A_58 = arith.constant 0 : i32
      %dma_start3A_59 = tpu.memref_slice %arg10[%add3A_14, %dma_start3A_58] : memref<10240x128xf32, #tpu.memory_space<vmem_shared>> -> memref<128x128xf32, #tpu.memory_space<vmem_shared>>
      tpu.enqueue_dma source(%arg9 : memref<128x128xf32, #tpu.memory_space<vmem>>) target(%dma_start3A_59 : memref<128x128xf32, #tpu.memory_space<vmem_shared>>) target_semaphore(%run_scoped3A : memref<!tpu.dma_semaphore, #tpu.memory_space<semaphore_mem>>)
      %dma_wait3A = arith.constant 0 : i32
      %dma_wait3A_60 = tpu.memref_slice %arg10[%add3A_14, %dma_wait3A] : memref<10240x128xf32, #tpu.memory_space<vmem_shared>> -> memref<128x128xf32, #tpu.memory_space<vmem_shared>>
      %dma_wait3A_61 = arith.constant 0 : i32
      %dma_wait3A_62 = tpu.memref_slice %arg10[%add3A_14, %dma_wait3A_61] : memref<10240x128xf32, #tpu.memory_space<vmem_shared>> -> memref<128x128xf32, #tpu.memory_space<vmem_shared>>
      tpu.wait_dma2 semaphore(%run_scoped3A : memref<!tpu.dma_semaphore, #tpu.memory_space<semaphore_mem>>) src(%arg9 : memref<128x128xf32, #tpu.memory_space<vmem>>) dst(%dma_wait3A_62 : memref<128x128xf32, #tpu.memory_space<vmem_shared>>)
      tpu.yield
    }) : () -> ()
    %mul3A_15 = arith.constant 640 : i32
    %mul3A_16 = arith.muli %arg1, %mul3A_15 : i32
    %add3A_17 = arith.constant 256 : i32
    %add3A_18 = arith.addi %mul3A_16, %add3A_17 : i32
    "tpu.region"() ({
      %run_scoped3A = tpu.sem_alloc : memref<!tpu.dma_semaphore, #tpu.memory_space<semaphore_mem>>
      %dma_start3A = arith.constant 0 : i32
      %dma_start3A_57 = tpu.memref_slice %arg10[%add3A_18, %dma_start3A] : memref<10240x128xf32, #tpu.memory_space<vmem_shared>> -> memref<128x128xf32, #tpu.memory_space<vmem_shared>>
      %dma_start3A_58 = arith.constant 0 : i32
      %dma_start3A_59 = tpu.memref_slice %arg10[%add3A_18, %dma_start3A_58] : memref<10240x128xf32, #tpu.memory_space<vmem_shared>> -> memref<128x128xf32, #tpu.memory_space<vmem_shared>>
      tpu.enqueue_dma source(%arg9 : memref<128x128xf32, #tpu.memory_space<vmem>>) target(%dma_start3A_59 : memref<128x128xf32, #tpu.memory_space<vmem_shared>>) target_semaphore(%run_scoped3A : memref<!tpu.dma_semaphore, #tpu.memory_space<semaphore_mem>>)
      %dma_wait3A = arith.constant 0 : i32
      %dma_wait3A_60 = tpu.memref_slice %arg10[%add3A_18, %dma_wait3A] : memref<10240x128xf32, #tpu.memory_space<vmem_shared>> -> memref<128x128xf32, #tpu.memory_space<vmem_shared>>
      %dma_wait3A_61 = arith.constant 0 : i32
      %dma_wait3A_62 = tpu.memref_slice %arg10[%add3A_18, %dma_wait3A_61] : memref<10240x128xf32, #tpu.memory_space<vmem_shared>> -> memref<128x128xf32, #tpu.memory_space<vmem_shared>>
      tpu.wait_dma2 semaphore(%run_scoped3A : memref<!tpu.dma_semaphore, #tpu.memory_space<semaphore_mem>>) src(%arg9 : memref<128x128xf32, #tpu.memory_space<vmem>>) dst(%dma_wait3A_62 : memref<128x128xf32, #tpu.memory_space<vmem_shared>>)
      tpu.yield
    }) : () -> ()
    %mul3A_19 = arith.constant 640 : i32
    %mul3A_20 = arith.muli %arg1, %mul3A_19 : i32
    %add3A_21 = arith.constant 384 : i32
    %add3A_22 = arith.addi %mul3A_20, %add3A_21 : i32
    "tpu.region"() ({
      %run_scoped3A = tpu.sem_alloc : memref<!tpu.dma_semaphore, #tpu.memory_space<semaphore_mem>>
      %dma_start3A = arith.constant 0 : i32
      %dma_start3A_57 = tpu.memref_slice %arg10[%add3A_22, %dma_start3A] : memref<10240x128xf32, #tpu.memory_space<vmem_shared>> -> memref<128x128xf32, #tpu.memory_space<vmem_shared>>
      %dma_start3A_58 = arith.constant 0 : i32
      %dma_start3A_59 = tpu.memref_slice %arg10[%add3A_22, %dma_start3A_58] : memref<10240x128xf32, #tpu.memory_space<vmem_shared>> -> memref<128x128xf32, #tpu.memory_space<vmem_shared>>
      tpu.enqueue_dma source(%arg9 : memref<128x128xf32, #tpu.memory_space<vmem>>) target(%dma_start3A_59 : memref<128x128xf32, #tpu.memory_space<vmem_shared>>) target_semaphore(%run_scoped3A : memref<!tpu.dma_semaphore, #tpu.memory_space<semaphore_mem>>)
      %dma_wait3A = arith.constant 0 : i32
      %dma_wait3A_60 = tpu.memref_slice %arg10[%add3A_22, %dma_wait3A] : memref<10240x128xf32, #tpu.memory_space<vmem_shared>> -> memref<128x128xf32, #tpu.memory_space<vmem_shared>>
      %dma_wait3A_61 = arith.constant 0 : i32
      %dma_wait3A_62 = tpu.memref_slice %arg10[%add3A_22, %dma_wait3A_61] : memref<10240x128xf32, #tpu.memory_space<vmem_shared>> -> memref<128x128xf32, #tpu.memory_space<vmem_shared>>
      tpu.wait_dma2 semaphore(%run_scoped3A : memref<!tpu.dma_semaphore, #tpu.memory_space<semaphore_mem>>) src(%arg9 : memref<128x128xf32, #tpu.memory_space<vmem>>) dst(%dma_wait3A_62 : memref<128x128xf32, #tpu.memory_space<vmem_shared>>)
      tpu.yield
    }) : () -> ()
    %mul3A_23 = arith.constant 640 : i32
    %mul3A_24 = arith.muli %arg1, %mul3A_23 : i32
    %add3A_25 = arith.constant 512 : i32
    %add3A_26 = arith.addi %mul3A_24, %add3A_25 : i32
    "tpu.region"() ({
      %run_scoped3A = tpu.sem_alloc : memref<!tpu.dma_semaphore, #tpu.memory_space<semaphore_mem>>
      %dma_start3A = arith.constant 0 : i32
      %dma_start3A_57 = tpu.memref_slice %arg10[%add3A_26, %dma_start3A] : memref<10240x128xf32, #tpu.memory_space<vmem_shared>> -> memref<128x128xf32, #tpu.memory_space<vmem_shared>>
      %dma_start3A_58 = arith.constant 0 : i32
      %dma_start3A_59 = tpu.memref_slice %arg10[%add3A_26, %dma_start3A_58] : memref<10240x128xf32, #tpu.memory_space<vmem_shared>> -> memref<128x128xf32, #tpu.memory_space<vmem_shared>>
      tpu.enqueue_dma source(%arg9 : memref<128x128xf32, #tpu.memory_space<vmem>>) target(%dma_start3A_59 : memref<128x128xf32, #tpu.memory_space<vmem_shared>>) target_semaphore(%run_scoped3A : memref<!tpu.dma_semaphore, #tpu.memory_space<semaphore_mem>>)
      %dma_wait3A = arith.constant 0 : i32
      %dma_wait3A_60 = tpu.memref_slice %arg10[%add3A_26, %dma_wait3A] : memref<10240x128xf32, #tpu.memory_space<vmem_shared>> -> memref<128x128xf32, #tpu.memory_space<vmem_shared>>
      %dma_wait3A_61 = arith.constant 0 : i32
      %dma_wait3A_62 = tpu.memref_slice %arg10[%add3A_26, %dma_wait3A_61] : memref<10240x128xf32, #tpu.memory_space<vmem_shared>> -> memref<128x128xf32, #tpu.memory_space<vmem_shared>>
      tpu.wait_dma2 semaphore(%run_scoped3A : memref<!tpu.dma_semaphore, #tpu.memory_space<semaphore_mem>>) src(%arg9 : memref<128x128xf32, #tpu.memory_space<vmem>>) dst(%dma_wait3A_62 : memref<128x128xf32, #tpu.memory_space<vmem_shared>>)
      tpu.yield
    }) : () -> ()
    %barrier3A = arith.constant 0 : index
    tpu.barrier barrier_id(%barrier3A)
    %mul3A_27 = arith.constant 79 : i32
    %mul3A_28 = arith.muli %add3A, %mul3A_27 : i32
    %scan3A_29 = arith.constant 0 : i32
    %scan3A_30 = arith.constant 0 : i32
    %scan3A_31 = arith.constant 79 : i32
    %scan3A_32 = arith.addi %scan3A_30, %scan3A_31 : i32
    %scan3A_33 = arith.constant 1 : i32
    %scan3A_34 = scf.for %scan3A_57 = %scan3A_30 to %scan3A_32 step %scan3A_33 iter_args(%scan3A_58 = %scan3A_29) -> (i32)  : i32 {
      %add3A_59 = arith.addi %mul3A_28, %scan3A_57 : i32
      %mul3A_60 = arith.constant 128 : i32
      %mul3A_61 = arith.muli %add3A_59, %mul3A_60 : i32
      %multiple_of3A = tpu.assume_multiple %mul3A_61, 128 : i32
      "tpu.region"() ({
        %run_scoped3A = tpu.sem_alloc : memref<!tpu.dma_semaphore, #tpu.memory_space<semaphore_mem>>
        %dma_start3A_67 = tpu.memref_slice %arg4[%multiple_of3A] : memref<323584xi32, #tpu.memory_space<hbm>> -> memref<128xi32, #tpu.memory_space<hbm>>
        %dma_start3A_68 = tpu.memref_slice %arg4[%multiple_of3A] : memref<323584xi32, #tpu.memory_space<hbm>> -> memref<128xi32, #tpu.memory_space<hbm>>
        tpu.enqueue_dma source(%dma_start3A_68 : memref<128xi32, #tpu.memory_space<hbm>>) target(%arg7 : memref<128xi32, #tpu.memory_space<vmem>>) target_semaphore(%run_scoped3A : memref<!tpu.dma_semaphore, #tpu.memory_space<semaphore_mem>>)
        %dma_wait3A_69 = tpu.memref_slice %arg4[%multiple_of3A] : memref<323584xi32, #tpu.memory_space<hbm>> -> memref<128xi32, #tpu.memory_space<hbm>>
        %dma_wait3A_70 = tpu.memref_slice %arg4[%multiple_of3A] : memref<323584xi32, #tpu.memory_space<hbm>> -> memref<128xi32, #tpu.memory_space<hbm>>
        tpu.wait_dma2 semaphore(%run_scoped3A : memref<!tpu.dma_semaphore, #tpu.memory_space<semaphore_mem>>) src(%dma_wait3A_70 : memref<128xi32, #tpu.memory_space<hbm>>) dst(%arg7 : memref<128xi32, #tpu.memory_space<vmem>>)
        tpu.yield
      }) : () -> ()
      "tpu.region"() ({
        %run_scoped3A = tpu.sem_alloc : memref<!tpu.dma_semaphore, #tpu.memory_space<semaphore_mem>>
        %dma_start3A_67 = tpu.memref_slice %arg3[%multiple_of3A] : memref<323584xi32, #tpu.memory_space<hbm>> -> memref<128xi32, #tpu.memory_space<hbm>>
        %dma_start3A_68 = tpu.memref_slice %arg3[%multiple_of3A] : memref<323584xi32, #tpu.memory_space<hbm>> -> memref<128xi32, #tpu.memory_space<hbm>>
        tpu.enqueue_dma source(%dma_start3A_68 : memref<128xi32, #tpu.memory_space<hbm>>) target(%arg6 : memref<128xi32, #tpu.memory_space<vmem>>) target_semaphore(%run_scoped3A : memref<!tpu.dma_semaphore, #tpu.memory_space<semaphore_mem>>)
        %dma_wait3A_69 = tpu.memref_slice %arg3[%multiple_of3A] : memref<323584xi32, #tpu.memory_space<hbm>> -> memref<128xi32, #tpu.memory_space<hbm>>
        %dma_wait3A_70 = tpu.memref_slice %arg3[%multiple_of3A] : memref<323584xi32, #tpu.memory_space<hbm>> -> memref<128xi32, #tpu.memory_space<hbm>>
        tpu.wait_dma2 semaphore(%run_scoped3A : memref<!tpu.dma_semaphore, #tpu.memory_space<semaphore_mem>>) src(%dma_wait3A_70 : memref<128xi32, #tpu.memory_space<hbm>>) dst(%arg6 : memref<128xi32, #tpu.memory_space<vmem>>)
        tpu.yield
      }) : () -> ()
      %dma_start3A = arith.constant 0 : i32
      %dma_start3A_62 = arith.constant 0 : i32
      %dma_start3A_63 = tpu.memref_slice %arg2[%dma_start3A, %dma_start3A_62] : memref<10112x128xf32, #tpu.memory_space<hbm>> -> memref<10112x128xf32, #tpu.memory_space<hbm>>
      tpu.enqueue_indirect_dma source(%dma_start3A_63 : memref<10112x128xf32, #tpu.memory_space<hbm>>) target(%arg8 : memref<128x128xf32, #tpu.memory_space<vmem>>) offsets(%arg6 : memref<128xi32, #tpu.memory_space<vmem>>) semaphore(%arg11 : memref<!tpu.dma_semaphore, #tpu.memory_space<semaphore_mem>>)
      %dma_wait3A = arith.constant 0 : i32
      %dma_wait3A_64 = arith.constant 0 : i32
      %dma_wait3A_65 = tpu.memref_slice %arg2[%dma_wait3A, %dma_wait3A_64] : memref<10112x128xf32, #tpu.memory_space<hbm>> -> memref<10112x128xf32, #tpu.memory_space<hbm>>
      tpu.wait_indirect_dma semaphore(%arg11 : memref<!tpu.dma_semaphore, #tpu.memory_space<semaphore_mem>>) src(%dma_wait3A_65 : memref<10112x128xf32, #tpu.memory_space<hbm>>) dst(%arg8 : memref<128x128xf32, #tpu.memory_space<vmem>>)
      "tpu.region"() ({
        %run_scoped3A = tpu.sem_alloc : memref<!tpu.dma_semaphore, #tpu.memory_space<semaphore_mem>>
        %dma_start3A_67 = arith.constant 0 : i32
        %dma_start3A_68 = arith.constant 0 : i32
        %dma_start3A_69 = tpu.memref_slice %arg10[%dma_start3A_67, %dma_start3A_68] : memref<10240x128xf32, #tpu.memory_space<vmem_shared>> -> memref<10240x128xf32, #tpu.memory_space<vmem_shared>>
        tpu.enqueue_indirect_dma source(%arg8 : memref<128x128xf32, #tpu.memory_space<vmem>>) target(%dma_start3A_69 : memref<10240x128xf32, #tpu.memory_space<vmem_shared>>) offsets(%arg7 : memref<128xi32, #tpu.memory_space<vmem>>) semaphore(%run_scoped3A : memref<!tpu.dma_semaphore, #tpu.memory_space<semaphore_mem>>) {add = true}
        %dma_wait3A_70 = arith.constant 0 : i32
        %dma_wait3A_71 = arith.constant 0 : i32
        %dma_wait3A_72 = tpu.memref_slice %arg10[%dma_wait3A_70, %dma_wait3A_71] : memref<10240x128xf32, #tpu.memory_space<vmem_shared>> -> memref<10240x128xf32, #tpu.memory_space<vmem_shared>>
        tpu.wait_indirect_dma semaphore(%run_scoped3A : memref<!tpu.dma_semaphore, #tpu.memory_space<semaphore_mem>>) src(%arg8 : memref<128x128xf32, #tpu.memory_space<vmem>>) dst(%dma_wait3A_72 : memref<10240x128xf32, #tpu.memory_space<vmem_shared>>)
        tpu.yield
      }) : () -> ()
      %scan3A_66 = arith.constant 0 : i32
      scf.yield %scan3A_66 : i32
    }
    %scan3A_35 = arith.constant 79 : i32
    %barrier3A_36 = arith.constant 0 : index
    tpu.barrier barrier_id(%barrier3A_36)
    %mul3A_37 = arith.constant 632 : i32
    %mul3A_38 = arith.muli %arg1, %mul3A_37 : i32
    %add3A_39 = arith.constant 0 : i32
    %add3A_40 = arith.addi %mul3A_38, %add3A_39 : i32
    "tpu.region"() ({
      %run_scoped3A = tpu.sem_alloc : memref<!tpu.dma_semaphore, #tpu.memory_space<semaphore_mem>>
      %dma_start3A = arith.constant 0 : i32
      %dma_start3A_57 = tpu.memref_slice %arg5[%arg0, %add3A_40, %dma_start3A] : memref<2x10112x128xf32, #tpu.memory_space<hbm>> -> memref<1x128x128xf32, #tpu.memory_space<hbm>>
      %dma_start3A_58 = tpu.memref_squeeze %dma_start3A_57 : memref<1x128x128xf32, #tpu.memory_space<hbm>> -> memref<128x128xf32, #tpu.memory_space<hbm>>
      %dma_start3A_59 = arith.constant 0 : i32
      %dma_start3A_60 = tpu.memref_slice %arg10[%add3A_40, %dma_start3A_59] : memref<10240x128xf32, #tpu.memory_space<vmem_shared>> -> memref<128x128xf32, #tpu.memory_space<vmem_shared>>
      tpu.enqueue_dma source(%dma_start3A_60 : memref<128x128xf32, #tpu.memory_space<vmem_shared>>) target(%dma_start3A_58 : memref<128x128xf32, #tpu.memory_space<hbm>>) target_semaphore(%run_scoped3A : memref<!tpu.dma_semaphore, #tpu.memory_space<semaphore_mem>>)
      %dma_wait3A = arith.constant 0 : i32
      %dma_wait3A_61 = tpu.memref_slice %arg5[%arg0, %add3A_40, %dma_wait3A] : memref<2x10112x128xf32, #tpu.memory_space<hbm>> -> memref<1x128x128xf32, #tpu.memory_space<hbm>>
      %dma_wait3A_62 = tpu.memref_squeeze %dma_wait3A_61 : memref<1x128x128xf32, #tpu.memory_space<hbm>> -> memref<128x128xf32, #tpu.memory_space<hbm>>
      %dma_wait3A_63 = arith.constant 0 : i32
      %dma_wait3A_64 = tpu.memref_slice %arg10[%add3A_40, %dma_wait3A_63] : memref<10240x128xf32, #tpu.memory_space<vmem_shared>> -> memref<128x128xf32, #tpu.memory_space<vmem_shared>>
      tpu.wait_dma2 semaphore(%run_scoped3A : memref<!tpu.dma_semaphore, #tpu.memory_space<semaphore_mem>>) src(%dma_wait3A_64 : memref<128x128xf32, #tpu.memory_space<vmem_shared>>) dst(%dma_wait3A_62 : memref<128x128xf32, #tpu.memory_space<hbm>>)
      tpu.yield
    }) : () -> ()
    %mul3A_41 = arith.constant 632 : i32
    %mul3A_42 = arith.muli %arg1, %mul3A_41 : i32
    %add3A_43 = arith.constant 128 : i32
    %add3A_44 = arith.addi %mul3A_42, %add3A_43 : i32
    "tpu.region"() ({
      %run_scoped3A = tpu.sem_alloc : memref<!tpu.dma_semaphore, #tpu.memory_space<semaphore_mem>>
      %dma_start3A = arith.constant 0 : i32
      %dma_start3A_57 = tpu.memref_slice %arg5[%arg0, %add3A_44, %dma_start3A] : memref<2x10112x128xf32, #tpu.memory_space<hbm>> -> memref<1x128x128xf32, #tpu.memory_space<hbm>>
      %dma_start3A_58 = tpu.memref_squeeze %dma_start3A_57 : memref<1x128x128xf32, #tpu.memory_space<hbm>> -> memref<128x128xf32, #tpu.memory_space<hbm>>
      %dma_start3A_59 = arith.constant 0 : i32
      %dma_start3A_60 = tpu.memref_slice %arg10[%add3A_44, %dma_start3A_59] : memref<10240x128xf32, #tpu.memory_space<vmem_shared>> -> memref<128x128xf32, #tpu.memory_space<vmem_shared>>
      tpu.enqueue_dma source(%dma_start3A_60 : memref<128x128xf32, #tpu.memory_space<vmem_shared>>) target(%dma_start3A_58 : memref<128x128xf32, #tpu.memory_space<hbm>>) target_semaphore(%run_scoped3A : memref<!tpu.dma_semaphore, #tpu.memory_space<semaphore_mem>>)
      %dma_wait3A = arith.constant 0 : i32
      %dma_wait3A_61 = tpu.memref_slice %arg5[%arg0, %add3A_44, %dma_wait3A] : memref<2x10112x128xf32, #tpu.memory_space<hbm>> -> memref<1x128x128xf32, #tpu.memory_space<hbm>>
      %dma_wait3A_62 = tpu.memref_squeeze %dma_wait3A_61 : memref<1x128x128xf32, #tpu.memory_space<hbm>> -> memref<128x128xf32, #tpu.memory_space<hbm>>
      %dma_wait3A_63 = arith.constant 0 : i32
      %dma_wait3A_64 = tpu.memref_slice %arg10[%add3A_44, %dma_wait3A_63] : memref<10240x128xf32, #tpu.memory_space<vmem_shared>> -> memref<128x128xf32, #tpu.memory_space<vmem_shared>>
      tpu.wait_dma2 semaphore(%run_scoped3A : memref<!tpu.dma_semaphore, #tpu.memory_space<semaphore_mem>>) src(%dma_wait3A_64 : memref<128x128xf32, #tpu.memory_space<vmem_shared>>) dst(%dma_wait3A_62 : memref<128x128xf32, #tpu.memory_space<hbm>>)
      tpu.yield
    }) : () -> ()
    %mul3A_45 = arith.constant 632 : i32
    %mul3A_46 = arith.muli %arg1, %mul3A_45 : i32
    %add3A_47 = arith.constant 256 : i32
    %add3A_48 = arith.addi %mul3A_46, %add3A_47 : i32
    "tpu.region"() ({
      %run_scoped3A = tpu.sem_alloc : memref<!tpu.dma_semaphore, #tpu.memory_space<semaphore_mem>>
      %dma_start3A = arith.constant 0 : i32
      %dma_start3A_57 = tpu.memref_slice %arg5[%arg0, %add3A_48, %dma_start3A] : memref<2x10112x128xf32, #tpu.memory_space<hbm>> -> memref<1x128x128xf32, #tpu.memory_space<hbm>>
      %dma_start3A_58 = tpu.memref_squeeze %dma_start3A_57 : memref<1x128x128xf32, #tpu.memory_space<hbm>> -> memref<128x128xf32, #tpu.memory_space<hbm>>
      %dma_start3A_59 = arith.constant 0 : i32
      %dma_start3A_60 = tpu.memref_slice %arg10[%add3A_48, %dma_start3A_59] : memref<10240x128xf32, #tpu.memory_space<vmem_shared>> -> memref<128x128xf32, #tpu.memory_space<vmem_shared>>
      tpu.enqueue_dma source(%dma_start3A_60 : memref<128x128xf32, #tpu.memory_space<vmem_shared>>) target(%dma_start3A_58 : memref<128x128xf32, #tpu.memory_space<hbm>>) target_semaphore(%run_scoped3A : memref<!tpu.dma_semaphore, #tpu.memory_space<semaphore_mem>>)
      %dma_wait3A = arith.constant 0 : i32
      %dma_wait3A_61 = tpu.memref_slice %arg5[%arg0, %add3A_48, %dma_wait3A] : memref<2x10112x128xf32, #tpu.memory_space<hbm>> -> memref<1x128x128xf32, #tpu.memory_space<hbm>>
      %dma_wait3A_62 = tpu.memref_squeeze %dma_wait3A_61 : memref<1x128x128xf32, #tpu.memory_space<hbm>> -> memref<128x128xf32, #tpu.memory_space<hbm>>
      %dma_wait3A_63 = arith.constant 0 : i32
      %dma_wait3A_64 = tpu.memref_slice %arg10[%add3A_48, %dma_wait3A_63] : memref<10240x128xf32, #tpu.memory_space<vmem_shared>> -> memref<128x128xf32, #tpu.memory_space<vmem_shared>>
      tpu.wait_dma2 semaphore(%run_scoped3A : memref<!tpu.dma_semaphore, #tpu.memory_space<semaphore_mem>>) src(%dma_wait3A_64 : memref<128x128xf32, #tpu.memory_space<vmem_shared>>) dst(%dma_wait3A_62 : memref<128x128xf32, #tpu.memory_space<hbm>>)
      tpu.yield
    }) : () -> ()
    %mul3A_49 = arith.constant 632 : i32
    %mul3A_50 = arith.muli %arg1, %mul3A_49 : i32
    %add3A_51 = arith.constant 384 : i32
    %add3A_52 = arith.addi %mul3A_50, %add3A_51 : i32
    "tpu.region"() ({
      %run_scoped3A = tpu.sem_alloc : memref<!tpu.dma_semaphore, #tpu.memory_space<semaphore_mem>>
      %dma_start3A = arith.constant 0 : i32
      %dma_start3A_57 = tpu.memref_slice %arg5[%arg0, %add3A_52, %dma_start3A] : memref<2x10112x128xf32, #tpu.memory_space<hbm>> -> memref<1x128x128xf32, #tpu.memory_space<hbm>>
      %dma_start3A_58 = tpu.memref_squeeze %dma_start3A_57 : memref<1x128x128xf32, #tpu.memory_space<hbm>> -> memref<128x128xf32, #tpu.memory_space<hbm>>
      %dma_start3A_59 = arith.constant 0 : i32
      %dma_start3A_60 = tpu.memref_slice %arg10[%add3A_52, %dma_start3A_59] : memref<10240x128xf32, #tpu.memory_space<vmem_shared>> -> memref<128x128xf32, #tpu.memory_space<vmem_shared>>
      tpu.enqueue_dma source(%dma_start3A_60 : memref<128x128xf32, #tpu.memory_space<vmem_shared>>) target(%dma_start3A_58 : memref<128x128xf32, #tpu.memory_space<hbm>>) target_semaphore(%run_scoped3A : memref<!tpu.dma_semaphore, #tpu.memory_space<semaphore_mem>>)
      %dma_wait3A = arith.constant 0 : i32
      %dma_wait3A_61 = tpu.memref_slice %arg5[%arg0, %add3A_52, %dma_wait3A] : memref<2x10112x128xf32, #tpu.memory_space<hbm>> -> memref<1x128x128xf32, #tpu.memory_space<hbm>>
      %dma_wait3A_62 = tpu.memref_squeeze %dma_wait3A_61 : memref<1x128x128xf32, #tpu.memory_space<hbm>> -> memref<128x128xf32, #tpu.memory_space<hbm>>
      %dma_wait3A_63 = arith.constant 0 : i32
      %dma_wait3A_64 = tpu.memref_slice %arg10[%add3A_52, %dma_wait3A_63] : memref<10240x128xf32, #tpu.memory_space<vmem_shared>> -> memref<128x128xf32, #tpu.memory_space<vmem_shared>>
      tpu.wait_dma2 semaphore(%run_scoped3A : memref<!tpu.dma_semaphore, #tpu.memory_space<semaphore_mem>>) src(%dma_wait3A_64 : memref<128x128xf32, #tpu.memory_space<vmem_shared>>) dst(%dma_wait3A_62 : memref<128x128xf32, #tpu.memory_space<hbm>>)
      tpu.yield
    }) : () -> ()
    %mul3A_53 = arith.constant 632 : i32
    %mul3A_54 = arith.muli %arg1, %mul3A_53 : i32
    %add3A_55 = arith.constant 512 : i32
    %add3A_56 = arith.addi %mul3A_54, %add3A_55 : i32
    "tpu.region"() ({
      %run_scoped3A = tpu.sem_alloc : memref<!tpu.dma_semaphore, #tpu.memory_space<semaphore_mem>>
      %dma_start3A = arith.constant 0 : i32
      %dma_start3A_57 = tpu.memref_slice %arg5[%arg0, %add3A_56, %dma_start3A] : memref<2x10112x128xf32, #tpu.memory_space<hbm>> -> memref<1x120x128xf32, #tpu.memory_space<hbm>>
      %dma_start3A_58 = tpu.memref_squeeze %dma_start3A_57 : memref<1x120x128xf32, #tpu.memory_space<hbm>> -> memref<120x128xf32, #tpu.memory_space<hbm>>
      %dma_start3A_59 = arith.constant 0 : i32
      %dma_start3A_60 = tpu.memref_slice %arg10[%add3A_56, %dma_start3A_59] : memref<10240x128xf32, #tpu.memory_space<vmem_shared>> -> memref<120x128xf32, #tpu.memory_space<vmem_shared>>
      tpu.enqueue_dma source(%dma_start3A_60 : memref<120x128xf32, #tpu.memory_space<vmem_shared>>) target(%dma_start3A_58 : memref<120x128xf32, #tpu.memory_space<hbm>>) target_semaphore(%run_scoped3A : memref<!tpu.dma_semaphore, #tpu.memory_space<semaphore_mem>>)
      %dma_wait3A = arith.constant 0 : i32
      %dma_wait3A_61 = tpu.memref_slice %arg5[%arg0, %add3A_56, %dma_wait3A] : memref<2x10112x128xf32, #tpu.memory_space<hbm>> -> memref<1x120x128xf32, #tpu.memory_space<hbm>>
      %dma_wait3A_62 = tpu.memref_squeeze %dma_wait3A_61 : memref<1x120x128xf32, #tpu.memory_space<hbm>> -> memref<120x128xf32, #tpu.memory_space<hbm>>
      %dma_wait3A_63 = arith.constant 0 : i32
      %dma_wait3A_64 = tpu.memref_slice %arg10[%add3A_56, %dma_wait3A_63] : memref<10240x128xf32, #tpu.memory_space<vmem_shared>> -> memref<120x128xf32, #tpu.memory_space<vmem_shared>>
      tpu.wait_dma2 semaphore(%run_scoped3A : memref<!tpu.dma_semaphore, #tpu.memory_space<semaphore_mem>>) src(%dma_wait3A_64 : memref<120x128xf32, #tpu.memory_space<vmem_shared>>) dst(%dma_wait3A_62 : memref<120x128xf32, #tpu.memory_space<hbm>>)
      tpu.yield
    }) : () -> ()
    return
  }
}

#map = affine_map<(d0, d1) -> (0, 0)>
#map1 = affine_map<(d0, d1) -> (0)>
#map2 = affine_map<(d0, d1) -> (0, 0, 0)>
module attributes {stable_mosaic.version = 14 : i64} {
  func.func @agg_kernel(%arg0: i32, %arg1: i32, %arg2: memref<10112x128xf32, #tpu.memory_space<hbm>>, %arg3: memref<323584xi32, #tpu.memory_space<hbm>>, %arg4: memref<323584xi32, #tpu.memory_space<hbm>>, %arg5: memref<2x10112x128xf32, #tpu.memory_space<hbm>>, %arg6: memref<128xi32, #tpu.memory_space<vmem>>, %arg7: memref<128xi32, #tpu.memory_space<vmem>>, %arg8: memref<128x128xf32, #tpu.memory_space<vmem>>, %arg9: memref<128x128xf32, #tpu.memory_space<vmem>>, %arg10: memref<10240x128xf32, #tpu.memory_space<vmem_shared>>, %arg11: memref<!tpu.dma_semaphore, #tpu.memory_space<semaphore_mem>>) attributes {dimension_semantics = [#tpu.dimension_semantics<core_parallel>, #tpu.dimension_semantics<subcore_parallel>], iteration_bounds = array<i64: 2, 16>, scalar_prefetch = 0 : i64, scratch_operands = 6 : i64, tpu.core_type = #tpu.core_type<sc_vector_subcore>, window_params = [{transform_indices = #map}, {transform_indices = #map1}, {transform_indices = #map1}, {transform_indices = #map2}]} {
    %mul3A = arith.constant 16 : i32
    %mul3A_0 = arith.muli %arg0, %mul3A : i32
    %add3A = arith.addi %mul3A_0, %arg1 : i32
    %scan3A = arith.constant 0 : i32
    %scan3A_1 = arith.constant 0 : i32
    %scan3A_2 = arith.constant 128 : i32
    %scan3A_3 = arith.addi %scan3A_1, %scan3A_2 : i32
    %scan3A_4 = arith.constant 1 : i32
    %scan3A_5 = scf.for %scan3A_57 = %scan3A_1 to %scan3A_3 step %scan3A_4 iter_args(%scan3A_58 = %scan3A) -> (i32)  : i32 {
      %broadcast_in_dim3A = arith.constant 0.000000e+00 : f32
      %broadcast_in_dim3A_59 = vector.broadcast %broadcast_in_dim3A : f32 to vector<16xf32>
      %swap3A = arith.index_cast %scan3A_57 : i32 to index
      %swap3A_60 = arith.constant 0 : index
      %swap3A_61 = tpu.vector_load %arg9[%swap3A, %swap3A_60] {strides = array<i32>} : memref<128x128xf32, #tpu.memory_space<vmem>>, vector<1x16xf32>,
      %swap3A_62 = vector.shape_cast %swap3A_61 : vector<1x16xf32> to vector<16xf32>
      %swap3A_63 = vector.shape_cast %broadcast_in_dim3A_59 : vector<16xf32> to vector<1x16xf32>
      tpu.vector_store %arg9[%swap3A, %swap3A_60], %swap3A_63 {strides = array<i32>} : memref<128x128xf32, #tpu.memory_space<vmem>>, vector<1x16xf32>,
      %broadcast_in_dim3A_64 = arith.constant 0.000000e+00 : f32
      %broadcast_in_dim3A_65 = vector.broadcast %broadcast_in_dim3A_64 : f32 to vector<16xf32>
      %swap3A_66 = arith.index_cast %scan3A_57 : i32 to index
      %swap3A_67 = arith.constant 16 : index
      %swap3A_68 = tpu.vector_load %arg9[%swap3A_66, %swap3A_67] {strides = array<i32>} : memref<128x128xf32, #tpu.memory_space<vmem>>, vector<1x16xf32>,
      %swap3A_69 = vector.shape_cast %swap3A_68 : vector<1x16xf32> to vector<16xf32>
      %swap3A_70 = vector.shape_cast %broadcast_in_dim3A_65 : vector<16xf32> to vector<1x16xf32>
      tpu.vector_store %arg9[%swap3A_66, %swap3A_67], %swap3A_70 {strides = array<i32>} : memref<128x128xf32, #tpu.memory_space<vmem>>, vector<1x16xf32>,
      %broadcast_in_dim3A_71 = arith.constant 0.000000e+00 : f32
      %broadcast_in_dim3A_72 = vector.broadcast %broadcast_in_dim3A_71 : f32 to vector<16xf32>
      %swap3A_73 = arith.index_cast %scan3A_57 : i32 to index
      %swap3A_74 = arith.constant 32 : index
      %swap3A_75 = tpu.vector_load %arg9[%swap3A_73, %swap3A_74] {strides = array<i32>} : memref<128x128xf32, #tpu.memory_space<vmem>>, vector<1x16xf32>,
      %swap3A_76 = vector.shape_cast %swap3A_75 : vector<1x16xf32> to vector<16xf32>
      %swap3A_77 = vector.shape_cast %broadcast_in_dim3A_72 : vector<16xf32> to vector<1x16xf32>
      tpu.vector_store %arg9[%swap3A_73, %swap3A_74], %swap3A_77 {strides = array<i32>} : memref<128x128xf32, #tpu.memory_space<vmem>>, vector<1x16xf32>,
      %broadcast_in_dim3A_78 = arith.constant 0.000000e+00 : f32
      %broadcast_in_dim3A_79 = vector.broadcast %broadcast_in_dim3A_78 : f32 to vector<16xf32>
      %swap3A_80 = arith.index_cast %scan3A_57 : i32 to index
      %swap3A_81 = arith.constant 48 : index
      %swap3A_82 = tpu.vector_load %arg9[%swap3A_80, %swap3A_81] {strides = array<i32>} : memref<128x128xf32, #tpu.memory_space<vmem>>, vector<1x16xf32>,
      %swap3A_83 = vector.shape_cast %swap3A_82 : vector<1x16xf32> to vector<16xf32>
      %swap3A_84 = vector.shape_cast %broadcast_in_dim3A_79 : vector<16xf32> to vector<1x16xf32>
      tpu.vector_store %arg9[%swap3A_80, %swap3A_81], %swap3A_84 {strides = array<i32>} : memref<128x128xf32, #tpu.memory_space<vmem>>, vector<1x16xf32>,
      %broadcast_in_dim3A_85 = arith.constant 0.000000e+00 : f32
      %broadcast_in_dim3A_86 = vector.broadcast %broadcast_in_dim3A_85 : f32 to vector<16xf32>
      %swap3A_87 = arith.index_cast %scan3A_57 : i32 to index
      %swap3A_88 = arith.constant 64 : index
      %swap3A_89 = tpu.vector_load %arg9[%swap3A_87, %swap3A_88] {strides = array<i32>} : memref<128x128xf32, #tpu.memory_space<vmem>>, vector<1x16xf32>,
      %swap3A_90 = vector.shape_cast %swap3A_89 : vector<1x16xf32> to vector<16xf32>
      %swap3A_91 = vector.shape_cast %broadcast_in_dim3A_86 : vector<16xf32> to vector<1x16xf32>
      tpu.vector_store %arg9[%swap3A_87, %swap3A_88], %swap3A_91 {strides = array<i32>} : memref<128x128xf32, #tpu.memory_space<vmem>>, vector<1x16xf32>,
      %broadcast_in_dim3A_92 = arith.constant 0.000000e+00 : f32
      %broadcast_in_dim3A_93 = vector.broadcast %broadcast_in_dim3A_92 : f32 to vector<16xf32>
      %swap3A_94 = arith.index_cast %scan3A_57 : i32 to index
      %swap3A_95 = arith.constant 80 : index
      %swap3A_96 = tpu.vector_load %arg9[%swap3A_94, %swap3A_95] {strides = array<i32>} : memref<128x128xf32, #tpu.memory_space<vmem>>, vector<1x16xf32>,
      %swap3A_97 = vector.shape_cast %swap3A_96 : vector<1x16xf32> to vector<16xf32>
      %swap3A_98 = vector.shape_cast %broadcast_in_dim3A_93 : vector<16xf32> to vector<1x16xf32>
      tpu.vector_store %arg9[%swap3A_94, %swap3A_95], %swap3A_98 {strides = array<i32>} : memref<128x128xf32, #tpu.memory_space<vmem>>, vector<1x16xf32>,
      %broadcast_in_dim3A_99 = arith.constant 0.000000e+00 : f32
      %broadcast_in_dim3A_100 = vector.broadcast %broadcast_in_dim3A_99 : f32 to vector<16xf32>
      %swap3A_101 = arith.index_cast %scan3A_57 : i32 to index
      %swap3A_102 = arith.constant 96 : index
      %swap3A_103 = tpu.vector_load %arg9[%swap3A_101, %swap3A_102] {strides = array<i32>} : memref<128x128xf32, #tpu.memory_space<vmem>>, vector<1x16xf32>,
      %swap3A_104 = vector.shape_cast %swap3A_103 : vector<1x16xf32> to vector<16xf32>
      %swap3A_105 = vector.shape_cast %broadcast_in_dim3A_100 : vector<16xf32> to vector<1x16xf32>
      tpu.vector_store %arg9[%swap3A_101, %swap3A_102], %swap3A_105 {strides = array<i32>} : memref<128x128xf32, #tpu.memory_space<vmem>>, vector<1x16xf32>,
      %broadcast_in_dim3A_106 = arith.constant 0.000000e+00 : f32
      %broadcast_in_dim3A_107 = vector.broadcast %broadcast_in_dim3A_106 : f32 to vector<16xf32>
      %swap3A_108 = arith.index_cast %scan3A_57 : i32 to index
      %swap3A_109 = arith.constant 112 : index
      %swap3A_110 = tpu.vector_load %arg9[%swap3A_108, %swap3A_109] {strides = array<i32>} : memref<128x128xf32, #tpu.memory_space<vmem>>, vector<1x16xf32>,
      %swap3A_111 = vector.shape_cast %swap3A_110 : vector<1x16xf32> to vector<16xf32>
      %swap3A_112 = vector.shape_cast %broadcast_in_dim3A_107 : vector<16xf32> to vector<1x16xf32>
      tpu.vector_store %arg9[%swap3A_108, %swap3A_109], %swap3A_112 {strides = array<i32>} : memref<128x128xf32, #tpu.memory_space<vmem>>, vector<1x16xf32>,
      %scan3A_113 = arith.constant 0 : i32
      scf.yield %scan3A_113 : i32
    }
    %scan3A_6 = arith.constant 128 : i32
    %mul3A_7 = arith.constant 640 : i32
    %mul3A_8 = arith.muli %arg1, %mul3A_7 : i32
    %add3A_9 = arith.constant 0 : i32
    %add3A_10 = arith.addi %mul3A_8, %add3A_9 : i32
    "tpu.region"() ({
      %run_scoped3A = tpu.sem_alloc : memref<!tpu.dma_semaphore, #tpu.memory_space<semaphore_mem>>
      %dma_start3A = arith.constant 0 : i32
      %dma_start3A_57 = tpu.memref_slice %arg10[%add3A_10, %dma_start3A] : memref<10240x128xf32, #tpu.memory_space<vmem_shared>> -> memref<128x128xf32, #tpu.memory_space<vmem_shared>>
      %dma_start3A_58 = arith.constant 0 : i32
      %dma_start3A_59 = tpu.memref_slice %arg10[%add3A_10, %dma_start3A_58] : memref<10240x128xf32, #tpu.memory_space<vmem_shared>> -> memref<128x128xf32, #tpu.memory_space<vmem_shared>>
      tpu.enqueue_dma source(%arg9 : memref<128x128xf32, #tpu.memory_space<vmem>>) target(%dma_start3A_59 : memref<128x128xf32, #tpu.memory_space<vmem_shared>>) target_semaphore(%run_scoped3A : memref<!tpu.dma_semaphore, #tpu.memory_space<semaphore_mem>>)
      %dma_wait3A = arith.constant 0 : i32
      %dma_wait3A_60 = tpu.memref_slice %arg10[%add3A_10, %dma_wait3A] : memref<10240x128xf32, #tpu.memory_space<vmem_shared>> -> memref<128x128xf32, #tpu.memory_space<vmem_shared>>
      %dma_wait3A_61 = arith.constant 0 : i32
      %dma_wait3A_62 = tpu.memref_slice %arg10[%add3A_10, %dma_wait3A_61] : memref<10240x128xf32, #tpu.memory_space<vmem_shared>> -> memref<128x128xf32, #tpu.memory_space<vmem_shared>>
      tpu.wait_dma2 semaphore(%run_scoped3A : memref<!tpu.dma_semaphore, #tpu.memory_space<semaphore_mem>>) src(%arg9 : memref<128x128xf32, #tpu.memory_space<vmem>>) dst(%dma_wait3A_62 : memref<128x128xf32, #tpu.memory_space<vmem_shared>>)
      tpu.yield
    }) : () -> ()
    %mul3A_11 = arith.constant 640 : i32
    %mul3A_12 = arith.muli %arg1, %mul3A_11 : i32
    %add3A_13 = arith.constant 128 : i32
    %add3A_14 = arith.addi %mul3A_12, %add3A_13 : i32
    "tpu.region"() ({
      %run_scoped3A = tpu.sem_alloc : memref<!tpu.dma_semaphore, #tpu.memory_space<semaphore_mem>>
      %dma_start3A = arith.constant 0 : i32
      %dma_start3A_57 = tpu.memref_slice %arg10[%add3A_14, %dma_start3A] : memref<10240x128xf32, #tpu.memory_space<vmem_shared>> -> memref<128x128xf32, #tpu.memory_space<vmem_shared>>
      %dma_start3A_58 = arith.constant 0 : i32
      %dma_start3A_59 = tpu.memref_slice %arg10[%add3A_14, %dma_start3A_58] : memref<10240x128xf32, #tpu.memory_space<vmem_shared>> -> memref<128x128xf32, #tpu.memory_space<vmem_shared>>
      tpu.enqueue_dma source(%arg9 : memref<128x128xf32, #tpu.memory_space<vmem>>) target(%dma_start3A_59 : memref<128x128xf32, #tpu.memory_space<vmem_shared>>) target_semaphore(%run_scoped3A : memref<!tpu.dma_semaphore, #tpu.memory_space<semaphore_mem>>)
      %dma_wait3A = arith.constant 0 : i32
      %dma_wait3A_60 = tpu.memref_slice %arg10[%add3A_14, %dma_wait3A] : memref<10240x128xf32, #tpu.memory_space<vmem_shared>> -> memref<128x128xf32, #tpu.memory_space<vmem_shared>>
      %dma_wait3A_61 = arith.constant 0 : i32
      %dma_wait3A_62 = tpu.memref_slice %arg10[%add3A_14, %dma_wait3A_61] : memref<10240x128xf32, #tpu.memory_space<vmem_shared>> -> memref<128x128xf32, #tpu.memory_space<vmem_shared>>
      tpu.wait_dma2 semaphore(%run_scoped3A : memref<!tpu.dma_semaphore, #tpu.memory_space<semaphore_mem>>) src(%arg9 : memref<128x128xf32, #tpu.memory_space<vmem>>) dst(%dma_wait3A_62 : memref<128x128xf32, #tpu.memory_space<vmem_shared>>)
      tpu.yield
    }) : () -> ()
    %mul3A_15 = arith.constant 640 : i32
    %mul3A_16 = arith.muli %arg1, %mul3A_15 : i32
    %add3A_17 = arith.constant 256 : i32
    %add3A_18 = arith.addi %mul3A_16, %add3A_17 : i32
    "tpu.region"() ({
      %run_scoped3A = tpu.sem_alloc : memref<!tpu.dma_semaphore, #tpu.memory_space<semaphore_mem>>
      %dma_start3A = arith.constant 0 : i32
      %dma_start3A_57 = tpu.memref_slice %arg10[%add3A_18, %dma_start3A] : memref<10240x128xf32, #tpu.memory_space<vmem_shared>> -> memref<128x128xf32, #tpu.memory_space<vmem_shared>>
      %dma_start3A_58 = arith.constant 0 : i32
      %dma_start3A_59 = tpu.memref_slice %arg10[%add3A_18, %dma_start3A_58] : memref<10240x128xf32, #tpu.memory_space<vmem_shared>> -> memref<128x128xf32, #tpu.memory_space<vmem_shared>>
      tpu.enqueue_dma source(%arg9 : memref<128x128xf32, #tpu.memory_space<vmem>>) target(%dma_start3A_59 : memref<128x128xf32, #tpu.memory_space<vmem_shared>>) target_semaphore(%run_scoped3A : memref<!tpu.dma_semaphore, #tpu.memory_space<semaphore_mem>>)
      %dma_wait3A = arith.constant 0 : i32
      %dma_wait3A_60 = tpu.memref_slice %arg10[%add3A_18, %dma_wait3A] : memref<10240x128xf32, #tpu.memory_space<vmem_shared>> -> memref<128x128xf32, #tpu.memory_space<vmem_shared>>
      %dma_wait3A_61 = arith.constant 0 : i32
      %dma_wait3A_62 = tpu.memref_slice %arg10[%add3A_18, %dma_wait3A_61] : memref<10240x128xf32, #tpu.memory_space<vmem_shared>> -> memref<128x128xf32, #tpu.memory_space<vmem_shared>>
      tpu.wait_dma2 semaphore(%run_scoped3A : memref<!tpu.dma_semaphore, #tpu.memory_space<semaphore_mem>>) src(%arg9 : memref<128x128xf32, #tpu.memory_space<vmem>>) dst(%dma_wait3A_62 : memref<128x128xf32, #tpu.memory_space<vmem_shared>>)
      tpu.yield
    }) : () -> ()
    %mul3A_19 = arith.constant 640 : i32
    %mul3A_20 = arith.muli %arg1, %mul3A_19 : i32
    %add3A_21 = arith.constant 384 : i32
    %add3A_22 = arith.addi %mul3A_20, %add3A_21 : i32
    "tpu.region"() ({
      %run_scoped3A = tpu.sem_alloc : memref<!tpu.dma_semaphore, #tpu.memory_space<semaphore_mem>>
      %dma_start3A = arith.constant 0 : i32
      %dma_start3A_57 = tpu.memref_slice %arg10[%add3A_22, %dma_start3A] : memref<10240x128xf32, #tpu.memory_space<vmem_shared>> -> memref<128x128xf32, #tpu.memory_space<vmem_shared>>
      %dma_start3A_58 = arith.constant 0 : i32
      %dma_start3A_59 = tpu.memref_slice %arg10[%add3A_22, %dma_start3A_58] : memref<10240x128xf32, #tpu.memory_space<vmem_shared>> -> memref<128x128xf32, #tpu.memory_space<vmem_shared>>
      tpu.enqueue_dma source(%arg9 : memref<128x128xf32, #tpu.memory_space<vmem>>) target(%dma_start3A_59 : memref<128x128xf32, #tpu.memory_space<vmem_shared>>) target_semaphore(%run_scoped3A : memref<!tpu.dma_semaphore, #tpu.memory_space<semaphore_mem>>)
      %dma_wait3A = arith.constant 0 : i32
      %dma_wait3A_60 = tpu.memref_slice %arg10[%add3A_22, %dma_wait3A] : memref<10240x128xf32, #tpu.memory_space<vmem_shared>> -> memref<128x128xf32, #tpu.memory_space<vmem_shared>>
      %dma_wait3A_61 = arith.constant 0 : i32
      %dma_wait3A_62 = tpu.memref_slice %arg10[%add3A_22, %dma_wait3A_61] : memref<10240x128xf32, #tpu.memory_space<vmem_shared>> -> memref<128x128xf32, #tpu.memory_space<vmem_shared>>
      tpu.wait_dma2 semaphore(%run_scoped3A : memref<!tpu.dma_semaphore, #tpu.memory_space<semaphore_mem>>) src(%arg9 : memref<128x128xf32, #tpu.memory_space<vmem>>) dst(%dma_wait3A_62 : memref<128x128xf32, #tpu.memory_space<vmem_shared>>)
      tpu.yield
    }) : () -> ()
    %mul3A_23 = arith.constant 640 : i32
    %mul3A_24 = arith.muli %arg1, %mul3A_23 : i32
    %add3A_25 = arith.constant 512 : i32
    %add3A_26 = arith.addi %mul3A_24, %add3A_25 : i32
    "tpu.region"() ({
      %run_scoped3A = tpu.sem_alloc : memref<!tpu.dma_semaphore, #tpu.memory_space<semaphore_mem>>
      %dma_start3A = arith.constant 0 : i32
      %dma_start3A_57 = tpu.memref_slice %arg10[%add3A_26, %dma_start3A] : memref<10240x128xf32, #tpu.memory_space<vmem_shared>> -> memref<128x128xf32, #tpu.memory_space<vmem_shared>>
      %dma_start3A_58 = arith.constant 0 : i32
      %dma_start3A_59 = tpu.memref_slice %arg10[%add3A_26, %dma_start3A_58] : memref<10240x128xf32, #tpu.memory_space<vmem_shared>> -> memref<128x128xf32, #tpu.memory_space<vmem_shared>>
      tpu.enqueue_dma source(%arg9 : memref<128x128xf32, #tpu.memory_space<vmem>>) target(%dma_start3A_59 : memref<128x128xf32, #tpu.memory_space<vmem_shared>>) target_semaphore(%run_scoped3A : memref<!tpu.dma_semaphore, #tpu.memory_space<semaphore_mem>>)
      %dma_wait3A = arith.constant 0 : i32
      %dma_wait3A_60 = tpu.memref_slice %arg10[%add3A_26, %dma_wait3A] : memref<10240x128xf32, #tpu.memory_space<vmem_shared>> -> memref<128x128xf32, #tpu.memory_space<vmem_shared>>
      %dma_wait3A_61 = arith.constant 0 : i32
      %dma_wait3A_62 = tpu.memref_slice %arg10[%add3A_26, %dma_wait3A_61] : memref<10240x128xf32, #tpu.memory_space<vmem_shared>> -> memref<128x128xf32, #tpu.memory_space<vmem_shared>>
      tpu.wait_dma2 semaphore(%run_scoped3A : memref<!tpu.dma_semaphore, #tpu.memory_space<semaphore_mem>>) src(%arg9 : memref<128x128xf32, #tpu.memory_space<vmem>>) dst(%dma_wait3A_62 : memref<128x128xf32, #tpu.memory_space<vmem_shared>>)
      tpu.yield
    }) : () -> ()
    %barrier3A = arith.constant 0 : index
    tpu.barrier barrier_id(%barrier3A)
    %mul3A_27 = arith.constant 79 : i32
    %mul3A_28 = arith.muli %add3A, %mul3A_27 : i32
    %scan3A_29 = arith.constant 0 : i32
    %scan3A_30 = arith.constant 0 : i32
    %scan3A_31 = arith.constant 79 : i32
    %scan3A_32 = arith.addi %scan3A_30, %scan3A_31 : i32
    %scan3A_33 = arith.constant 1 : i32
    %scan3A_34 = scf.for %scan3A_57 = %scan3A_30 to %scan3A_32 step %scan3A_33 iter_args(%scan3A_58 = %scan3A_29) -> (i32)  : i32 {
      %add3A_59 = arith.addi %mul3A_28, %scan3A_57 : i32
      %mul3A_60 = arith.constant 128 : i32
      %mul3A_61 = arith.muli %add3A_59, %mul3A_60 : i32
      %multiple_of3A = tpu.assume_multiple %mul3A_61, 128 : i32
      "tpu.region"() ({
        %run_scoped3A = tpu.sem_alloc : memref<!tpu.dma_semaphore, #tpu.memory_space<semaphore_mem>>
        %dma_start3A_67 = tpu.memref_slice %arg4[%multiple_of3A] : memref<323584xi32, #tpu.memory_space<hbm>> -> memref<128xi32, #tpu.memory_space<hbm>>
        %dma_start3A_68 = tpu.memref_slice %arg4[%multiple_of3A] : memref<323584xi32, #tpu.memory_space<hbm>> -> memref<128xi32, #tpu.memory_space<hbm>>
        tpu.enqueue_dma source(%dma_start3A_68 : memref<128xi32, #tpu.memory_space<hbm>>) target(%arg7 : memref<128xi32, #tpu.memory_space<vmem>>) target_semaphore(%run_scoped3A : memref<!tpu.dma_semaphore, #tpu.memory_space<semaphore_mem>>)
        %dma_wait3A_69 = tpu.memref_slice %arg4[%multiple_of3A] : memref<323584xi32, #tpu.memory_space<hbm>> -> memref<128xi32, #tpu.memory_space<hbm>>
        %dma_wait3A_70 = tpu.memref_slice %arg4[%multiple_of3A] : memref<323584xi32, #tpu.memory_space<hbm>> -> memref<128xi32, #tpu.memory_space<hbm>>
        tpu.wait_dma2 semaphore(%run_scoped3A : memref<!tpu.dma_semaphore, #tpu.memory_space<semaphore_mem>>) src(%dma_wait3A_70 : memref<128xi32, #tpu.memory_space<hbm>>) dst(%arg7 : memref<128xi32, #tpu.memory_space<vmem>>)
        tpu.yield
      }) : () -> ()
      "tpu.region"() ({
        %run_scoped3A = tpu.sem_alloc : memref<!tpu.dma_semaphore, #tpu.memory_space<semaphore_mem>>
        %dma_start3A_67 = tpu.memref_slice %arg3[%multiple_of3A] : memref<323584xi32, #tpu.memory_space<hbm>> -> memref<128xi32, #tpu.memory_space<hbm>>
        %dma_start3A_68 = tpu.memref_slice %arg3[%multiple_of3A] : memref<323584xi32, #tpu.memory_space<hbm>> -> memref<128xi32, #tpu.memory_space<hbm>>
        tpu.enqueue_dma source(%dma_start3A_68 : memref<128xi32, #tpu.memory_space<hbm>>) target(%arg6 : memref<128xi32, #tpu.memory_space<vmem>>) target_semaphore(%run_scoped3A : memref<!tpu.dma_semaphore, #tpu.memory_space<semaphore_mem>>)
        %dma_wait3A_69 = tpu.memref_slice %arg3[%multiple_of3A] : memref<323584xi32, #tpu.memory_space<hbm>> -> memref<128xi32, #tpu.memory_space<hbm>>
        %dma_wait3A_70 = tpu.memref_slice %arg3[%multiple_of3A] : memref<323584xi32, #tpu.memory_space<hbm>> -> memref<128xi32, #tpu.memory_space<hbm>>
        tpu.wait_dma2 semaphore(%run_scoped3A : memref<!tpu.dma_semaphore, #tpu.memory_space<semaphore_mem>>) src(%dma_wait3A_70 : memref<128xi32, #tpu.memory_space<hbm>>) dst(%arg6 : memref<128xi32, #tpu.memory_space<vmem>>)
        tpu.yield
      }) : () -> ()
      %dma_start3A = arith.constant 0 : i32
      %dma_start3A_62 = arith.constant 0 : i32
      %dma_start3A_63 = tpu.memref_slice %arg2[%dma_start3A, %dma_start3A_62] : memref<10112x128xf32, #tpu.memory_space<hbm>> -> memref<10112x128xf32, #tpu.memory_space<hbm>>
      tpu.enqueue_indirect_dma source(%dma_start3A_63 : memref<10112x128xf32, #tpu.memory_space<hbm>>) target(%arg8 : memref<128x128xf32, #tpu.memory_space<vmem>>) offsets(%arg6 : memref<128xi32, #tpu.memory_space<vmem>>) semaphore(%arg11 : memref<!tpu.dma_semaphore, #tpu.memory_space<semaphore_mem>>)
      %dma_wait3A = arith.constant 0 : i32
      %dma_wait3A_64 = arith.constant 0 : i32
      %dma_wait3A_65 = tpu.memref_slice %arg2[%dma_wait3A, %dma_wait3A_64] : memref<10112x128xf32, #tpu.memory_space<hbm>> -> memref<10112x128xf32, #tpu.memory_space<hbm>>
      tpu.wait_indirect_dma semaphore(%arg11 : memref<!tpu.dma_semaphore, #tpu.memory_space<semaphore_mem>>) src(%dma_wait3A_65 : memref<10112x128xf32, #tpu.memory_space<hbm>>) dst(%arg8 : memref<128x128xf32, #tpu.memory_space<vmem>>)
      "tpu.region"() ({
        %run_scoped3A = tpu.sem_alloc : memref<!tpu.dma_semaphore, #tpu.memory_space<semaphore_mem>>
        %dma_start3A_67 = arith.constant 0 : i32
        %dma_start3A_68 = arith.constant 0 : i32
        %dma_start3A_69 = tpu.memref_slice %arg10[%dma_start3A_67, %dma_start3A_68] : memref<10240x128xf32, #tpu.memory_space<vmem_shared>> -> memref<10240x128xf32, #tpu.memory_space<vmem_shared>>
        tpu.enqueue_indirect_dma source(%arg8 : memref<128x128xf32, #tpu.memory_space<vmem>>) target(%dma_start3A_69 : memref<10240x128xf32, #tpu.memory_space<vmem_shared>>) offsets(%arg7 : memref<128xi32, #tpu.memory_space<vmem>>) semaphore(%run_scoped3A : memref<!tpu.dma_semaphore, #tpu.memory_space<semaphore_mem>>) {add = true}
        %dma_wait3A_70 = arith.constant 0 : i32
        %dma_wait3A_71 = arith.constant 0 : i32
        %dma_wait3A_72 = tpu.memref_slice %arg10[%dma_wait3A_70, %dma_wait3A_71] : memref<10240x128xf32, #tpu.memory_space<vmem_shared>> -> memref<10240x128xf32, #tpu.memory_space<vmem_shared>>
        tpu.wait_indirect_dma semaphore(%run_scoped3A : memref<!tpu.dma_semaphore, #tpu.memory_space<semaphore_mem>>) src(%arg8 : memref<128x128xf32, #tpu.memory_space<vmem>>) dst(%dma_wait3A_72 : memref<10240x128xf32, #tpu.memory_space<vmem_shared>>)
        tpu.yield
      }) : () -> ()
      %scan3A_66 = arith.constant 0 : i32
      scf.yield %scan3A_66 : i32
    }
    %scan3A_35 = arith.constant 79 : i32
    %barrier3A_36 = arith.constant 0 : index
    tpu.barrier barrier_id(%barrier3A_36)
    %mul3A_37 = arith.constant 632 : i32
    %mul3A_38 = arith.muli %arg1, %mul3A_37 : i32
    %add3A_39 = arith.constant 0 : i32
    %add3A_40 = arith.addi %mul3A_38, %add3A_39 : i32
    "tpu.region"() ({
      %run_scoped3A = tpu.sem_alloc : memref<!tpu.dma_semaphore, #tpu.memory_space<semaphore_mem>>
      %dma_start3A = arith.constant 0 : i32
      %dma_start3A_57 = tpu.memref_slice %arg5[%arg0, %add3A_40, %dma_start3A] : memref<2x10112x128xf32, #tpu.memory_space<hbm>> -> memref<1x128x128xf32, #tpu.memory_space<hbm>>
      %dma_start3A_58 = tpu.memref_squeeze %dma_start3A_57 : memref<1x128x128xf32, #tpu.memory_space<hbm>> -> memref<128x128xf32, #tpu.memory_space<hbm>>
      %dma_start3A_59 = arith.constant 0 : i32
      %dma_start3A_60 = tpu.memref_slice %arg10[%add3A_40, %dma_start3A_59] : memref<10240x128xf32, #tpu.memory_space<vmem_shared>> -> memref<128x128xf32, #tpu.memory_space<vmem_shared>>
      tpu.enqueue_dma source(%dma_start3A_60 : memref<128x128xf32, #tpu.memory_space<vmem_shared>>) target(%dma_start3A_58 : memref<128x128xf32, #tpu.memory_space<hbm>>) target_semaphore(%run_scoped3A : memref<!tpu.dma_semaphore, #tpu.memory_space<semaphore_mem>>)
      %dma_wait3A = arith.constant 0 : i32
      %dma_wait3A_61 = tpu.memref_slice %arg5[%arg0, %add3A_40, %dma_wait3A] : memref<2x10112x128xf32, #tpu.memory_space<hbm>> -> memref<1x128x128xf32, #tpu.memory_space<hbm>>
      %dma_wait3A_62 = tpu.memref_squeeze %dma_wait3A_61 : memref<1x128x128xf32, #tpu.memory_space<hbm>> -> memref<128x128xf32, #tpu.memory_space<hbm>>
      %dma_wait3A_63 = arith.constant 0 : i32
      %dma_wait3A_64 = tpu.memref_slice %arg10[%add3A_40, %dma_wait3A_63] : memref<10240x128xf32, #tpu.memory_space<vmem_shared>> -> memref<128x128xf32, #tpu.memory_space<vmem_shared>>
      tpu.wait_dma2 semaphore(%run_scoped3A : memref<!tpu.dma_semaphore, #tpu.memory_space<semaphore_mem>>) src(%dma_wait3A_64 : memref<128x128xf32, #tpu.memory_space<vmem_shared>>) dst(%dma_wait3A_62 : memref<128x128xf32, #tpu.memory_space<hbm>>)
      tpu.yield
    }) : () -> ()
    %mul3A_41 = arith.constant 632 : i32
    %mul3A_42 = arith.muli %arg1, %mul3A_41 : i32
    %add3A_43 = arith.constant 128 : i32
    %add3A_44 = arith.addi %mul3A_42, %add3A_43 : i32
    "tpu.region"() ({
      %run_scoped3A = tpu.sem_alloc : memref<!tpu.dma_semaphore, #tpu.memory_space<semaphore_mem>>
      %dma_start3A = arith.constant 0 : i32
      %dma_start3A_57 = tpu.memref_slice %arg5[%arg0, %add3A_44, %dma_start3A] : memref<2x10112x128xf32, #tpu.memory_space<hbm>> -> memref<1x128x128xf32, #tpu.memory_space<hbm>>
      %dma_start3A_58 = tpu.memref_squeeze %dma_start3A_57 : memref<1x128x128xf32, #tpu.memory_space<hbm>> -> memref<128x128xf32, #tpu.memory_space<hbm>>
      %dma_start3A_59 = arith.constant 0 : i32
      %dma_start3A_60 = tpu.memref_slice %arg10[%add3A_44, %dma_start3A_59] : memref<10240x128xf32, #tpu.memory_space<vmem_shared>> -> memref<128x128xf32, #tpu.memory_space<vmem_shared>>
      tpu.enqueue_dma source(%dma_start3A_60 : memref<128x128xf32, #tpu.memory_space<vmem_shared>>) target(%dma_start3A_58 : memref<128x128xf32, #tpu.memory_space<hbm>>) target_semaphore(%run_scoped3A : memref<!tpu.dma_semaphore, #tpu.memory_space<semaphore_mem>>)
      %dma_wait3A = arith.constant 0 : i32
      %dma_wait3A_61 = tpu.memref_slice %arg5[%arg0, %add3A_44, %dma_wait3A] : memref<2x10112x128xf32, #tpu.memory_space<hbm>> -> memref<1x128x128xf32, #tpu.memory_space<hbm>>
      %dma_wait3A_62 = tpu.memref_squeeze %dma_wait3A_61 : memref<1x128x128xf32, #tpu.memory_space<hbm>> -> memref<128x128xf32, #tpu.memory_space<hbm>>
      %dma_wait3A_63 = arith.constant 0 : i32
      %dma_wait3A_64 = tpu.memref_slice %arg10[%add3A_44, %dma_wait3A_63] : memref<10240x128xf32, #tpu.memory_space<vmem_shared>> -> memref<128x128xf32, #tpu.memory_space<vmem_shared>>
      tpu.wait_dma2 semaphore(%run_scoped3A : memref<!tpu.dma_semaphore, #tpu.memory_space<semaphore_mem>>) src(%dma_wait3A_64 : memref<128x128xf32, #tpu.memory_space<vmem_shared>>) dst(%dma_wait3A_62 : memref<128x128xf32, #tpu.memory_space<hbm>>)
      tpu.yield
    }) : () -> ()
    %mul3A_45 = arith.constant 632 : i32
    %mul3A_46 = arith.muli %arg1, %mul3A_45 : i32
    %add3A_47 = arith.constant 256 : i32
    %add3A_48 = arith.addi %mul3A_46, %add3A_47 : i32
    "tpu.region"() ({
      %run_scoped3A = tpu.sem_alloc : memref<!tpu.dma_semaphore, #tpu.memory_space<semaphore_mem>>
      %dma_start3A = arith.constant 0 : i32
      %dma_start3A_57 = tpu.memref_slice %arg5[%arg0, %add3A_48, %dma_start3A] : memref<2x10112x128xf32, #tpu.memory_space<hbm>> -> memref<1x128x128xf32, #tpu.memory_space<hbm>>
      %dma_start3A_58 = tpu.memref_squeeze %dma_start3A_57 : memref<1x128x128xf32, #tpu.memory_space<hbm>> -> memref<128x128xf32, #tpu.memory_space<hbm>>
      %dma_start3A_59 = arith.constant 0 : i32
      %dma_start3A_60 = tpu.memref_slice %arg10[%add3A_48, %dma_start3A_59] : memref<10240x128xf32, #tpu.memory_space<vmem_shared>> -> memref<128x128xf32, #tpu.memory_space<vmem_shared>>
      tpu.enqueue_dma source(%dma_start3A_60 : memref<128x128xf32, #tpu.memory_space<vmem_shared>>) target(%dma_start3A_58 : memref<128x128xf32, #tpu.memory_space<hbm>>) target_semaphore(%run_scoped3A : memref<!tpu.dma_semaphore, #tpu.memory_space<semaphore_mem>>)
      %dma_wait3A = arith.constant 0 : i32
      %dma_wait3A_61 = tpu.memref_slice %arg5[%arg0, %add3A_48, %dma_wait3A] : memref<2x10112x128xf32, #tpu.memory_space<hbm>> -> memref<1x128x128xf32, #tpu.memory_space<hbm>>
      %dma_wait3A_62 = tpu.memref_squeeze %dma_wait3A_61 : memref<1x128x128xf32, #tpu.memory_space<hbm>> -> memref<128x128xf32, #tpu.memory_space<hbm>>
      %dma_wait3A_63 = arith.constant 0 : i32
      %dma_wait3A_64 = tpu.memref_slice %arg10[%add3A_48, %dma_wait3A_63] : memref<10240x128xf32, #tpu.memory_space<vmem_shared>> -> memref<128x128xf32, #tpu.memory_space<vmem_shared>>
      tpu.wait_dma2 semaphore(%run_scoped3A : memref<!tpu.dma_semaphore, #tpu.memory_space<semaphore_mem>>) src(%dma_wait3A_64 : memref<128x128xf32, #tpu.memory_space<vmem_shared>>) dst(%dma_wait3A_62 : memref<128x128xf32, #tpu.memory_space<hbm>>)
      tpu.yield
    }) : () -> ()
    %mul3A_49 = arith.constant 632 : i32
    %mul3A_50 = arith.muli %arg1, %mul3A_49 : i32
    %add3A_51 = arith.constant 384 : i32
    %add3A_52 = arith.addi %mul3A_50, %add3A_51 : i32
    "tpu.region"() ({
      %run_scoped3A = tpu.sem_alloc : memref<!tpu.dma_semaphore, #tpu.memory_space<semaphore_mem>>
      %dma_start3A = arith.constant 0 : i32
      %dma_start3A_57 = tpu.memref_slice %arg5[%arg0, %add3A_52, %dma_start3A] : memref<2x10112x128xf32, #tpu.memory_space<hbm>> -> memref<1x128x128xf32, #tpu.memory_space<hbm>>
      %dma_start3A_58 = tpu.memref_squeeze %dma_start3A_57 : memref<1x128x128xf32, #tpu.memory_space<hbm>> -> memref<128x128xf32, #tpu.memory_space<hbm>>
      %dma_start3A_59 = arith.constant 0 : i32
      %dma_start3A_60 = tpu.memref_slice %arg10[%add3A_52, %dma_start3A_59] : memref<10240x128xf32, #tpu.memory_space<vmem_shared>> -> memref<128x128xf32, #tpu.memory_space<vmem_shared>>
      tpu.enqueue_dma source(%dma_start3A_60 : memref<128x128xf32, #tpu.memory_space<vmem_shared>>) target(%dma_start3A_58 : memref<128x128xf32, #tpu.memory_space<hbm>>) target_semaphore(%run_scoped3A : memref<!tpu.dma_semaphore, #tpu.memory_space<semaphore_mem>>)
      %dma_wait3A = arith.constant 0 : i32
      %dma_wait3A_61 = tpu.memref_slice %arg5[%arg0, %add3A_52, %dma_wait3A] : memref<2x10112x128xf32, #tpu.memory_space<hbm>> -> memref<1x128x128xf32, #tpu.memory_space<hbm>>
      %dma_wait3A_62 = tpu.memref_squeeze %dma_wait3A_61 : memref<1x128x128xf32, #tpu.memory_space<hbm>> -> memref<128x128xf32, #tpu.memory_space<hbm>>
      %dma_wait3A_63 = arith.constant 0 : i32
      %dma_wait3A_64 = tpu.memref_slice %arg10[%add3A_52, %dma_wait3A_63] : memref<10240x128xf32, #tpu.memory_space<vmem_shared>> -> memref<128x128xf32, #tpu.memory_space<vmem_shared>>
      tpu.wait_dma2 semaphore(%run_scoped3A : memref<!tpu.dma_semaphore, #tpu.memory_space<semaphore_mem>>) src(%dma_wait3A_64 : memref<128x128xf32, #tpu.memory_space<vmem_shared>>) dst(%dma_wait3A_62 : memref<128x128xf32, #tpu.memory_space<hbm>>)
      tpu.yield
    }) : () -> ()
    %mul3A_53 = arith.constant 632 : i32
    %mul3A_54 = arith.muli %arg1, %mul3A_53 : i32
    %add3A_55 = arith.constant 512 : i32
    %add3A_56 = arith.addi %mul3A_54, %add3A_55 : i32
    "tpu.region"() ({
      %run_scoped3A = tpu.sem_alloc : memref<!tpu.dma_semaphore, #tpu.memory_space<semaphore_mem>>
      %dma_start3A = arith.constant 0 : i32
      %dma_start3A_57 = tpu.memref_slice %arg5[%arg0, %add3A_56, %dma_start3A] : memref<2x10112x128xf32, #tpu.memory_space<hbm>> -> memref<1x120x128xf32, #tpu.memory_space<hbm>>
      %dma_start3A_58 = tpu.memref_squeeze %dma_start3A_57 : memref<1x120x128xf32, #tpu.memory_space<hbm>> -> memref<120x128xf32, #tpu.memory_space<hbm>>
      %dma_start3A_59 = arith.constant 0 : i32
      %dma_start3A_60 = tpu.memref_slice %arg10[%add3A_56, %dma_start3A_59] : memref<10240x128xf32, #tpu.memory_space<vmem_shared>> -> memref<120x128xf32, #tpu.memory_space<vmem_shared>>
      tpu.enqueue_dma source(%dma_start3A_60 : memref<120x128xf32, #tpu.memory_space<vmem_shared>>) target(%dma_start3A_58 : memref<120x128xf32, #tpu.memory_space<hbm>>) target_semaphore(%run_scoped3A : memref<!tpu.dma_semaphore, #tpu.memory_space<semaphore_mem>>)
      %dma_wait3A = arith.constant 0 : i32
      %dma_wait3A_61 = tpu.memref_slice %arg5[%arg0, %add3A_56, %dma_wait3A] : memref<2x10112x128xf32, #tpu.memory_space<hbm>> -> memref<1x120x128xf32, #tpu.memory_space<hbm>>
      %dma_wait3A_62 = tpu.memref_squeeze %dma_wait3A_61 : memref<1x120x128xf32, #tpu.memory_space<hbm>> -> memref<120x128xf32, #tpu.memory_space<hbm>>
      %dma_wait3A_63 = arith.constant 0 : i32
      %dma_wait3A_64 = tpu.memref_slice %arg10[%add3A_56, %dma_wait3A_63] : memref<10240x128xf32, #tpu.memory_space<vmem_shared>> -> memref<120x128xf32, #tpu.memory_space<vmem_shared>>
      tpu.wait_dma2 semaphore(%run_scoped3A : memref<!tpu.dma_semaphore, #tpu.memory_space<semaphore_mem>>) src(%dma_wait3A_64 : memref<120x128xf32, #tpu.memory_space<vmem_shared>>) dst(%dma_wait3A_62 : memref<120x128xf32, #tpu.memory_space<hbm>>)
      tpu.yield
    }) : () -> ()
    return
  }
}

module attributes {stable_mosaic.version = 14 : i64} {
  func.func @tc_first_body(%arg0: memref<10112x128xf32, #tpu.memory_space<vmem>>, %arg1: memref<128x128xf32, #tpu.memory_space<vmem>>, %arg2: memref<2x10112x128xf32, #tpu.memory_space<vmem>>, %arg3: memref<10112x128xf32, #tpu.memory_space<vmem>>) attributes {dimension_semantics = [], scalar_prefetch = 0 : i64, scratch_operands = 0 : i64, tpu.core_type = #tpu.core_type<tc>} {
    %get3A = arith.constant 0 : index
    %get3A_0 = arith.constant 0 : index
    %get3A_1 = arith.constant 0 : index
    %get3A_2 = vector.load %arg2[%get3A, %get3A_0, %get3A_1] : memref<2x10112x128xf32, #tpu.memory_space<vmem>>, vector<2x10112x128xf32>
    %slice3A = vector.extract_strided_slice %get3A_2 {offsets = [0, 0, 0], sizes = [1, 10112, 1], strides = [1, 1, 1]} : vector<2x10112x128xf32> to vector<1x10112x1xf32>
    %squeeze3A = vector.shape_cast %slice3A : vector<1x10112x1xf32> to vector<10112x1xf32>
    %add3A = arith.constant 1.000000e+00 : f32
    %add3A_3 = vector.broadcast %add3A : f32 to vector<10112x1xf32>
    %add3A_4 = arith.addf %add3A_3, %squeeze3A : vector<10112x1xf32>
    %slice3A_5 = vector.extract_strided_slice %get3A_2 {offsets = [1, 0, 0], sizes = [1, 10112, 1], strides = [1, 1, 1]} : vector<2x10112x128xf32> to vector<1x10112x1xf32>
    %squeeze3A_6 = vector.shape_cast %slice3A_5 : vector<1x10112x1xf32> to vector<10112x1xf32>
    %add3A_7 = arith.addf %add3A_4, %squeeze3A_6 : vector<10112x1xf32>
    %iota3A = tpu.iota {dimensions = array<i32: 0>} : vector<10112x1xi32>
    %lt3A = arith.constant 10000 : i32
    %lt3A_8 = vector.broadcast %lt3A : i32 to vector<10112x1xi32>
    %lt3A_9 = arith.cmpi slt, %iota3A, %lt3A_8 : vector<10112x1xi32>
    %rsqrt3A = math.rsqrt %add3A_7 : vector<10112x1xf32>
    %jit3A = arith.constant 0.000000e+00 : f32
    %broadcast_in_dim3A = vector.broadcast %jit3A : f32 to vector<10112x1xf32>
    %select_n3A = arith.select %lt3A_9, %rsqrt3A, %broadcast_in_dim3A : vector<10112x1xi1>, vector<10112x1xf32>
    %get3A_10 = arith.constant 0 : index
    %get3A_11 = arith.constant 0 : index
    %get3A_12 = vector.load %arg0[%get3A_10, %get3A_11] : memref<10112x128xf32, #tpu.memory_space<vmem>>, vector<10112x128xf32>
    %get3A_13 = arith.constant 0 : index
    %get3A_14 = arith.constant 0 : index
    %get3A_15 = vector.load %arg1[%get3A_13, %get3A_14] : memref<128x128xf32, #tpu.memory_space<vmem>>, vector<128x128xf32>
    %dot_general3A = arith.constant dense<0.000000e+00> : vector<10112x128xf32>
    %dot_general3A_16 = tpu.matmul %get3A_12, %get3A_15, %dot_general3A {dimension_numbers = #tpu.dot_dimension_numbers<[1], [0], [0], [1], [0, 0, 1, 1], [], []>, transpose_lhs_hint = false} : vector<10112x128xf32>, vector<128x128xf32>, vector<10112x128xf32> -> vector<10112x128xf32>
    %mul3A = vector.broadcast %select_n3A : vector<10112x1xf32> to vector<10112x128xf32>
    %mul3A_17 = arith.mulf %mul3A, %dot_general3A_16 : vector<10112x128xf32>
    %swap3A = arith.constant 0 : index
    %swap3A_18 = arith.constant 0 : index
    %swap3A_19 = vector.load %arg3[%swap3A, %swap3A_18] : memref<10112x128xf32, #tpu.memory_space<vmem>>, vector<10112x128xf32>
    tpu.vector_store %arg3[%swap3A, %swap3A_18], %mul3A_17 {strides = array<i32>} : memref<10112x128xf32, #tpu.memory_space<vmem>>, vector<10112x128xf32>,
    return
  }
}

module attributes {stable_mosaic.version = 14 : i64} {
  func.func @tc_mid_body(%arg0: memref<2x10112x128xf32, #tpu.memory_space<vmem>>, %arg1: memref<10112x128xf32, #tpu.memory_space<vmem>>, %arg2: memref<2x10112x128xf32, #tpu.memory_space<vmem>>, %arg3: memref<1x128xf32, #tpu.memory_space<vmem>>, %arg4: memref<128x128xf32, #tpu.memory_space<vmem>>, %arg5: memref<10112x128xf32, #tpu.memory_space<vmem>>) attributes {dimension_semantics = [], scalar_prefetch = 0 : i64, scratch_operands = 0 : i64, tpu.core_type = #tpu.core_type<tc>} {
    %get3A = arith.constant 0 : index
    %get3A_0 = arith.constant 0 : index
    %get3A_1 = arith.constant 0 : index
    %get3A_2 = vector.load %arg2[%get3A, %get3A_0, %get3A_1] : memref<2x10112x128xf32, #tpu.memory_space<vmem>>, vector<2x10112x128xf32>
    %slice3A = vector.extract_strided_slice %get3A_2 {offsets = [0, 0, 0], sizes = [1, 10112, 1], strides = [1, 1, 1]} : vector<2x10112x128xf32> to vector<1x10112x1xf32>
    %squeeze3A = vector.shape_cast %slice3A : vector<1x10112x1xf32> to vector<10112x1xf32>
    %add3A = arith.constant 1.000000e+00 : f32
    %add3A_3 = vector.broadcast %add3A : f32 to vector<10112x1xf32>
    %add3A_4 = arith.addf %add3A_3, %squeeze3A : vector<10112x1xf32>
    %slice3A_5 = vector.extract_strided_slice %get3A_2 {offsets = [1, 0, 0], sizes = [1, 10112, 1], strides = [1, 1, 1]} : vector<2x10112x128xf32> to vector<1x10112x1xf32>
    %squeeze3A_6 = vector.shape_cast %slice3A_5 : vector<1x10112x1xf32> to vector<10112x1xf32>
    %add3A_7 = arith.addf %add3A_4, %squeeze3A_6 : vector<10112x1xf32>
    %iota3A = tpu.iota {dimensions = array<i32: 0>} : vector<10112x1xi32>
    %lt3A = arith.constant 10000 : i32
    %lt3A_8 = vector.broadcast %lt3A : i32 to vector<10112x1xi32>
    %lt3A_9 = arith.cmpi slt, %iota3A, %lt3A_8 : vector<10112x1xi32>
    %rsqrt3A = math.rsqrt %add3A_7 : vector<10112x1xf32>
    %jit3A = arith.constant 0.000000e+00 : f32
    %broadcast_in_dim3A = vector.broadcast %jit3A : f32 to vector<10112x1xf32>
    %select_n3A = arith.select %lt3A_9, %rsqrt3A, %broadcast_in_dim3A : vector<10112x1xi1>, vector<10112x1xf32>
    %get3A_10 = arith.constant 0 : index
    %get3A_11 = arith.constant 0 : index
    %get3A_12 = arith.constant 0 : index
    %get3A_13 = vector.load %arg0[%get3A_10, %get3A_11, %get3A_12] : memref<2x10112x128xf32, #tpu.memory_space<vmem>>, vector<1x10112x128xf32>
    %get3A_14 = vector.shape_cast %get3A_13 : vector<1x10112x128xf32> to vector<10112x128xf32>
    %get3A_15 = arith.constant 1 : index
    %get3A_16 = arith.constant 0 : index
    %get3A_17 = arith.constant 0 : index
    %get3A_18 = vector.load %arg0[%get3A_15, %get3A_16, %get3A_17] : memref<2x10112x128xf32, #tpu.memory_space<vmem>>, vector<1x10112x128xf32>
    %get3A_19 = vector.shape_cast %get3A_18 : vector<1x10112x128xf32> to vector<10112x128xf32>
    %add3A_20 = arith.addf %get3A_14, %get3A_19 : vector<10112x128xf32>
    %get3A_21 = arith.constant 0 : index
    %get3A_22 = arith.constant 0 : index
    %get3A_23 = vector.load %arg1[%get3A_21, %get3A_22] : memref<10112x128xf32, #tpu.memory_space<vmem>>, vector<10112x128xf32>
    %add3A_24 = arith.addf %add3A_20, %get3A_23 : vector<10112x128xf32>
    %mul3A = vector.broadcast %select_n3A : vector<10112x1xf32> to vector<10112x128xf32>
    %mul3A_25 = arith.mulf %mul3A, %add3A_24 : vector<10112x128xf32>
    %get3A_26 = arith.constant 0 : index
    %get3A_27 = arith.constant 0 : index
    %get3A_28 = vector.load %arg3[%get3A_26, %get3A_27] : memref<1x128xf32, #tpu.memory_space<vmem>>, vector<1x128xf32>
    %add3A_29 = vector.broadcast %get3A_28 : vector<1x128xf32> to vector<10112x128xf32>
    %add3A_30 = arith.addf %mul3A_25, %add3A_29 : vector<10112x128xf32>
    %max3A = arith.constant 0.000000e+00 : f32
    %max3A_31 = vector.broadcast %max3A : f32 to vector<10112x128xf32>
    %max3A_32 = arith.maximumf %add3A_30, %max3A_31 : vector<10112x128xf32>
    %get3A_33 = arith.constant 0 : index
    %get3A_34 = arith.constant 0 : index
    %get3A_35 = vector.load %arg4[%get3A_33, %get3A_34] : memref<128x128xf32, #tpu.memory_space<vmem>>, vector<128x128xf32>
    %dot_general3A = arith.constant dense<0.000000e+00> : vector<10112x128xf32>
    %dot_general3A_36 = tpu.matmul %max3A_32, %get3A_35, %dot_general3A {dimension_numbers = #tpu.dot_dimension_numbers<[1], [0], [0], [1], [0, 0, 1, 1], [], []>, transpose_lhs_hint = false} : vector<10112x128xf32>, vector<128x128xf32>, vector<10112x128xf32> -> vector<10112x128xf32>
    %mul3A_37 = vector.broadcast %select_n3A : vector<10112x1xf32> to vector<10112x128xf32>
    %mul3A_38 = arith.mulf %mul3A_37, %dot_general3A_36 : vector<10112x128xf32>
    %swap3A = arith.constant 0 : index
    %swap3A_39 = arith.constant 0 : index
    %swap3A_40 = vector.load %arg5[%swap3A, %swap3A_39] : memref<10112x128xf32, #tpu.memory_space<vmem>>, vector<10112x128xf32>
    tpu.vector_store %arg5[%swap3A, %swap3A_39], %mul3A_38 {strides = array<i32>} : memref<10112x128xf32, #tpu.memory_space<vmem>>, vector<10112x128xf32>,
    return
  }
}

module attributes {stable_mosaic.version = 14 : i64} {
  func.func @tc_last_body(%arg0: memref<2x10112x128xf32, #tpu.memory_space<vmem>>, %arg1: memref<10112x128xf32, #tpu.memory_space<vmem>>, %arg2: memref<2x10112x128xf32, #tpu.memory_space<vmem>>, %arg3: memref<1x128xf32, #tpu.memory_space<vmem>>, %arg4: memref<128x128xf32, #tpu.memory_space<vmem>>, %arg5: memref<1x128xf32, #tpu.memory_space<vmem>>, %arg6: memref<128x1xf32, #tpu.memory_space<vmem>>, %arg7: memref<1x1xf32, #tpu.memory_space<vmem>>, %arg8: memref<10112x128xf32, #tpu.memory_space<vmem>>) attributes {dimension_semantics = [], scalar_prefetch = 0 : i64, scratch_operands = 0 : i64, tpu.core_type = #tpu.core_type<tc>} {
    %get3A = arith.constant 0 : index
    %get3A_0 = arith.constant 0 : index
    %get3A_1 = arith.constant 0 : index
    %get3A_2 = vector.load %arg2[%get3A, %get3A_0, %get3A_1] : memref<2x10112x128xf32, #tpu.memory_space<vmem>>, vector<2x10112x128xf32>
    %slice3A = vector.extract_strided_slice %get3A_2 {offsets = [0, 0, 0], sizes = [1, 10112, 1], strides = [1, 1, 1]} : vector<2x10112x128xf32> to vector<1x10112x1xf32>
    %squeeze3A = vector.shape_cast %slice3A : vector<1x10112x1xf32> to vector<10112x1xf32>
    %add3A = arith.constant 1.000000e+00 : f32
    %add3A_3 = vector.broadcast %add3A : f32 to vector<10112x1xf32>
    %add3A_4 = arith.addf %add3A_3, %squeeze3A : vector<10112x1xf32>
    %slice3A_5 = vector.extract_strided_slice %get3A_2 {offsets = [1, 0, 0], sizes = [1, 10112, 1], strides = [1, 1, 1]} : vector<2x10112x128xf32> to vector<1x10112x1xf32>
    %squeeze3A_6 = vector.shape_cast %slice3A_5 : vector<1x10112x1xf32> to vector<10112x1xf32>
    %add3A_7 = arith.addf %add3A_4, %squeeze3A_6 : vector<10112x1xf32>
    %iota3A = tpu.iota {dimensions = array<i32: 0>} : vector<10112x1xi32>
    %lt3A = arith.constant 10000 : i32
    %lt3A_8 = vector.broadcast %lt3A : i32 to vector<10112x1xi32>
    %lt3A_9 = arith.cmpi slt, %iota3A, %lt3A_8 : vector<10112x1xi32>
    %rsqrt3A = math.rsqrt %add3A_7 : vector<10112x1xf32>
    %jit3A = arith.constant 0.000000e+00 : f32
    %broadcast_in_dim3A = vector.broadcast %jit3A : f32 to vector<10112x1xf32>
    %select_n3A = arith.select %lt3A_9, %rsqrt3A, %broadcast_in_dim3A : vector<10112x1xi1>, vector<10112x1xf32>
    %get3A_10 = arith.constant 0 : index
    %get3A_11 = arith.constant 0 : index
    %get3A_12 = arith.constant 0 : index
    %get3A_13 = vector.load %arg0[%get3A_10, %get3A_11, %get3A_12] : memref<2x10112x128xf32, #tpu.memory_space<vmem>>, vector<1x10112x128xf32>
    %get3A_14 = vector.shape_cast %get3A_13 : vector<1x10112x128xf32> to vector<10112x128xf32>
    %get3A_15 = arith.constant 1 : index
    %get3A_16 = arith.constant 0 : index
    %get3A_17 = arith.constant 0 : index
    %get3A_18 = vector.load %arg0[%get3A_15, %get3A_16, %get3A_17] : memref<2x10112x128xf32, #tpu.memory_space<vmem>>, vector<1x10112x128xf32>
    %get3A_19 = vector.shape_cast %get3A_18 : vector<1x10112x128xf32> to vector<10112x128xf32>
    %add3A_20 = arith.addf %get3A_14, %get3A_19 : vector<10112x128xf32>
    %get3A_21 = arith.constant 0 : index
    %get3A_22 = arith.constant 0 : index
    %get3A_23 = vector.load %arg1[%get3A_21, %get3A_22] : memref<10112x128xf32, #tpu.memory_space<vmem>>, vector<10112x128xf32>
    %add3A_24 = arith.addf %add3A_20, %get3A_23 : vector<10112x128xf32>
    %mul3A = vector.broadcast %select_n3A : vector<10112x1xf32> to vector<10112x128xf32>
    %mul3A_25 = arith.mulf %mul3A, %add3A_24 : vector<10112x128xf32>
    %get3A_26 = arith.constant 0 : index
    %get3A_27 = arith.constant 0 : index
    %get3A_28 = vector.load %arg3[%get3A_26, %get3A_27] : memref<1x128xf32, #tpu.memory_space<vmem>>, vector<1x128xf32>
    %add3A_29 = vector.broadcast %get3A_28 : vector<1x128xf32> to vector<10112x128xf32>
    %add3A_30 = arith.addf %mul3A_25, %add3A_29 : vector<10112x128xf32>
    %max3A = arith.constant 0.000000e+00 : f32
    %max3A_31 = vector.broadcast %max3A : f32 to vector<10112x128xf32>
    %max3A_32 = arith.maximumf %add3A_30, %max3A_31 : vector<10112x128xf32>
    %get3A_33 = arith.constant 0 : index
    %get3A_34 = arith.constant 0 : index
    %get3A_35 = vector.load %arg4[%get3A_33, %get3A_34] : memref<128x128xf32, #tpu.memory_space<vmem>>, vector<128x128xf32>
    %dot_general3A = arith.constant dense<0.000000e+00> : vector<10112x128xf32>
    %dot_general3A_36 = tpu.matmul %max3A_32, %get3A_35, %dot_general3A {dimension_numbers = #tpu.dot_dimension_numbers<[1], [0], [0], [1], [0, 0, 1, 1], [], []>, transpose_lhs_hint = false} : vector<10112x128xf32>, vector<128x128xf32>, vector<10112x128xf32> -> vector<10112x128xf32>
    %get3A_37 = arith.constant 0 : index
    %get3A_38 = arith.constant 0 : index
    %get3A_39 = vector.load %arg5[%get3A_37, %get3A_38] : memref<1x128xf32, #tpu.memory_space<vmem>>, vector<1x128xf32>
    %add3A_40 = vector.broadcast %get3A_39 : vector<1x128xf32> to vector<10112x128xf32>
    %add3A_41 = arith.addf %dot_general3A_36, %add3A_40 : vector<10112x128xf32>
    %max3A_42 = arith.constant 0.000000e+00 : f32
    %max3A_43 = vector.broadcast %max3A_42 : f32 to vector<10112x128xf32>
    %max3A_44 = arith.maximumf %add3A_41, %max3A_43 : vector<10112x128xf32>
    %get3A_45 = arith.constant 0 : index
    %get3A_46 = arith.constant 0 : index
    %get3A_47 = vector.load %arg6[%get3A_45, %get3A_46] : memref<128x1xf32, #tpu.memory_space<vmem>>, vector<128x1xf32>
    %dot_general3A_48 = arith.constant dense<0.000000e+00> : vector<10112x1xf32>
    %dot_general3A_49 = tpu.matmul %max3A_44, %get3A_47, %dot_general3A_48 {dimension_numbers = #tpu.dot_dimension_numbers<[1], [0], [0], [1], [0, 0, 1, 1], [], []>, transpose_lhs_hint = false} : vector<10112x128xf32>, vector<128x1xf32>, vector<10112x1xf32> -> vector<10112x1xf32>
    %get3A_50 = arith.constant 0 : index
    %get3A_51 = arith.constant 0 : index
    %get3A_52 = vector.load %arg7[%get3A_50, %get3A_51] : memref<1x1xf32, #tpu.memory_space<vmem>>, vector<1x1xf32>
    %add3A_53 = vector.broadcast %get3A_52 : vector<1x1xf32> to vector<10112x1xf32>
    %add3A_54 = arith.addf %dot_general3A_49, %add3A_53 : vector<10112x1xf32>
    %broadcast_in_dim3A_55 = vector.shape_cast %add3A_54 : vector<10112x1xf32> to vector<10112x1xf32>
    %broadcast_in_dim3A_56 = vector.broadcast %broadcast_in_dim3A_55 : vector<10112x1xf32> to vector<10112x128xf32>
    %swap3A = arith.constant 0 : index
    %swap3A_57 = arith.constant 0 : index
    %swap3A_58 = vector.load %arg8[%swap3A, %swap3A_57] : memref<10112x128xf32, #tpu.memory_space<vmem>>, vector<10112x128xf32>
    tpu.vector_store %arg8[%swap3A, %swap3A_57], %broadcast_in_dim3A_56 {strides = array<i32>} : memref<10112x128xf32, #tpu.memory_space<vmem>>, vector<10112x128xf32>,
    return
  }
}

</mosaic_0001>

<sc_bundles>
// kernel: kernel.10.cloned.1.call-start
scs
__scs_entry_jumppad:
0x0: {  	(pc) =	sbr.rel $0x88, $3  }
0x1: {  	(tag) =	ssettag $0x0;
	lr =	simm.s32 $0x1  }
0x2: {  	[smem:$0x3F95] =	sst lr;
	_ =	strace $0xD0000000  }
0x3: {  	_ = 	snop  }
0x4: {  	_ = 	snop  }
0x5: {  	_ = 	snop  }
0x6: {  	_ = 	snop  }
0x7: {  	_ = 	snop  }
__scs_overlays_trampoline_lowered:
0x8: {  	[smem:$0x3FA4] =	sst s0  }
0x9: {  	[smem:$0x3FA5] =	sst s1  }
0xa: {  	[smem:$0x3FA6] =	sst s2  }
0xb: {  	[smem:$0x3FA7] =	sst s3  }
0xc: {  	[smem:$0x3FA8] =	sst s4  }
0xd: {  	[smem:$0x3FA9] =	sst s5  }
0xe: {  	[smem:$0x3FAA] =	sst s6  }
0xf: {  	[smem:$0x3FAB] =	sst s7  }
0x10: {  	[smem:$0x3FAC] =	sst s8  }
0x11: {  	[smem:$0x3FAD] =	sst s9;
	s0 =	simm.s32 @!p0 $0x0  }
0x12: {  	s1 =	sld [smem:$0x3F93];
	s0 =	simm.s32 @p0 $0x1  }
0x13: {  	[smem:$0x3FAE] =	sst s0;
	s0 =	simm.s32 @!p1 $0x0  }
0x14: {  	s2 =	sld [smem:$0x3F92];
	s0 =	simm.s32 @p1 $0x1  }
0x15: {  	[smem:$0x3FAF] =	sst s0;
	s0 =	simm.s32 @!p2 $0x0  }
0x16: {  	s3 =	sld [smem:$0x3FDB];
	s0 =	simm.s32 @p2 $0x1  }
0x17: {  	s4 =	simm.s32 $0x1BF5;
	[smem:$0x3FB1] =	sst s0  }
0x18: {  	s0 =	sld [smem:$0x3F94];
	_ =	swait.ge [sflag:s4], $0x0  }
0x19: {  	s7 =	sld [smem:$0x3F95]  }
0x1a: {  	s8 =	sadd.s32 $0xFFFFE003, lr  }
0x1b: {  	s9 =	sadd.s32 $0xFFFFFEF7, lr;
	s5 =	simm.s32 $0xFFFFFFFF;
	p2 =	slt.u32 s8, $0xFFFFF086  }
0x1c: {  	p1 =	slt.u32 s9, $0xF7A;
	s5 =	simm.s32 @!p2 $0x0  }
0x1d: {  	s5 =	simm.s32 @p1 $0x1;
	p0 =	seq.s32 s7, s2  }
0x1e: {  	s7 =	smul.u32 @!p0 $0xF7A, s2;
	p2 =	seq.s32 @!p0 s5, $0x0  }
0x1f: {  	s9 =	smul.u32 $0xF7A, s1;
	s8 =	simm.s32 @!p0 $0x1BF5;
	p2 =	por !p2, p0  }
0x20: {  	[sflag:s8] =	ssyncset.s32 @!p0 $0xFFFFF086;
	s6 =	sadd.s32 @!p0 s3, s7;
	s7 =	simm.s32 @!p0 $0x108  }
0x21: {  	s3 =	sadd.s32 s3, s9;
	s6 =	sadd.s32 @!p0 $0x88, s6;
	s7 =	simm.s32 @p2 $0x1082  }
0x22: {  	[simem:s7], [sflag:s8] =	dma.local @!p0 [hbm:s6], $0xF7A  }
0x23: {  	s9 =	sor.u32 $0xD0000000, s2;
	s6 =	simm.s32 $0x108;
	_ =	swait.ge @!p0 [sflag:s8], $0x0  }
0x24: {  	s3 =	sadd.s32 $0x88, s3;
	s6 =	simm.s32 @!p1 $0x1082;
	[sflag:s4] =	ssyncset.s32 $0xFFFFF086  }
0x25: {  	[simem:s6], [sflag:s4] =	dma.local [hbm:s3], $0xF7A  }
0x26: {  	[smem:$0x3F95] =	sst s1;
	(tag) =	ssettag s2;
	_ =	strace s9  }
0x27: {  	s1 =	sld [smem:$0x3FA5]  }
0x28: {  	s2 =	sld [smem:$0x3FA6]  }
0x29: {  	s4 =	sld [smem:$0x3FA8]  }
0x2a: {  	p0 =	seq.s32 s5, $0x0;
	s5 =	sld [smem:$0x3FA9]  }
0x2b: {  	s6 =	sld [smem:$0x3FAA]  }
0x2c: {  	s7 =	sld [smem:$0x3FAB]  }
0x2d: {  	s3 =	simm.s32 $0x108;
	s8 =	sld [smem:$0x3FAC]  }
0x2e: {  	s3 =	simm.s32 @!p0 $0x1082;
	s9 =	sld [smem:$0x3FAD]  }
0x2f: {  	lr =	sadd.s32 s0, s3;
	s0 =	sld [smem:$0x3FA4]  }
0x30: {  	s3 =	sld [smem:$0x3FA7]  }
0x31: {  	[smem:$0x3FB0] =	sst s10  }
0x32: {  	s10 =	sld [smem:$0x3FAE];
	_ =	sdelay $0x3  }
0x33: {  	p0 =	seq.s32 s10, $0x1;
	s10 =	sld [smem:$0x3FB0];
	_ =	sdelay $0x3  }
0x34: {  	[smem:$0x3FB0] =	sst s10  }
0x35: {  	s10 =	sld [smem:$0x3FAF];
	_ =	sdelay $0x3  }
0x36: {  	p1 =	seq.s32 s10, $0x1;
	s10 =	sld [smem:$0x3FB0];
	_ =	sdelay $0x3  }
0x37: {  	[smem:$0x3FB0] =	sst s10  }
0x38: {  	s10 =	sld [smem:$0x3FB1]  }
0x39: {  	_ = 	snop;
	(pc) =	sbr.ind lr, $3  }
0x3a: {  	_ = 	snop  }
0x3b: {  	_ = 	snop  }
0x3c: {  	p2 =	seq.s32 s10, $0x1;
	s10 =	sld [smem:$0x3FB0]  }
0x3d: {  	_ =	shalt  }
0x3e: {  	_ =	shalt  }
0x3f: {  	_ =	shalt  }
0x40: {  	_ =	shalt  }
0x41: {  	_ =	shalt  }
0x42: {  	_ =	shalt  }
0x43: {  	_ =	shalt  }
0x44: {  	_ =	shalt  }
0x45: {  	_ =	shalt  }
0x46: {  	_ =	shalt  }
0x47: {  	_ =	shalt  }
0x48: {  	_ =	shalt  }
0x49: {  	_ =	shalt  }
0x4a: {  	_ =	shalt  }
0x4b: {  	_ =	shalt  }
0x4c: {  	_ =	shalt  }
0x4d: {  	_ =	shalt  }
0x4e: {  	_ =	shalt  }
0x4f: {  	_ =	shalt  }
0x50: {  	_ =	shalt  }
0x51: {  	_ =	shalt  }
0x52: {  	_ =	shalt  }
0x53: {  	_ =	shalt  }
0x54: {  	_ =	shalt  }
0x55: {  	_ =	shalt  }
0x56: {  	_ =	shalt  }
0x57: {  	_ =	shalt  }
0x58: {  	_ =	shalt  }
0x59: {  	_ =	shalt  }
0x5a: {  	_ =	shalt  }
0x5b: {  	_ =	shalt  }
0x5c: {  	_ =	shalt  }
0x5d: {  	_ =	shalt  }
0x5e: {  	_ =	shalt  }
0x5f: {  	_ =	shalt  }
0x60: {  	_ =	shalt  }
0x61: {  	_ =	shalt  }
0x62: {  	_ =	shalt  }
0x63: {  	_ =	shalt  }
0x64: {  	_ =	shalt  }
0x65: {  	_ =	shalt  }
0x66: {  	_ =	shalt  }
0x67: {  	_ =	shalt  }
0x68: {  	_ =	shalt  }
0x69: {  	_ =	shalt  }
0x6a: {  	_ =	shalt  }
0x6b: {  	_ =	shalt  }
0x6c: {  	_ =	shalt  }
0x6d: {  	_ =	shalt  }
0x6e: {  	_ =	shalt  }
0x6f: {  	_ =	shalt  }
0x70: {  	_ =	shalt  }
0x71: {  	_ =	shalt  }
0x72: {  	_ =	shalt  }
0x73: {  	_ =	shalt  }
0x74: {  	_ =	shalt  }
0x75: {  	_ =	shalt  }
0x76: {  	_ =	shalt  }
0x77: {  	_ =	shalt  }
0x78: {  	_ =	shalt  }
0x79: {  	_ =	shalt  }
0x7a: {  	_ =	shalt  }
0x7b: {  	_ =	shalt  }
0x7c: {  	_ =	shalt  }
0x7d: {  	_ =	shalt  }
0x7e: {  	_ =	shalt  }
0x7f: {  	_ =	shalt  }
0x80: {  	_ =	shalt  }
0x81: {  	_ =	shalt  }
0x82: {  	_ =	shalt  }
0x83: {  	_ =	shalt  }
0x84: {  	_ =	shalt  }
0x85: {  	_ =	shalt  }
0x86: {  	_ =	shalt  }
0x87: {  	_ =	shalt  }
.Lfunc_end0:
.L_simem_size_0:
called_computation_lowered:
.L_overlay_start_0:
0x88: {  	s2 =	sld [smem:$0x3FD9]  }
0x89: {  	s3 =	sld [smem:$0x3FFE];
	_ =	sdelay $0x1  }
0x8a: {  	s1 =	srdreg.scid  }
0x8b: {  	s0 =	sand.u32 $0x1, s1  }
0x8c: {  	s16 =	sshll.u32 s0, $0xA;
	s2 =	sadd.s32 s3, s2  }
0x8d: {  	s2 =	sadd.s32 s2, s16  }
0x8e: {  	[smem:$0x3FBC] =	sst s2  }
0x8f: {  	_ = 	snop  }
0x90: {  	(tm) =	ssettm $0x1  }
0x91: {  	s17 =	sld [smem:$0x3FFB];
	_ =	sdelay $0x3  }
0x92: {  	_ =	strace s17  }
0x93: {  	s2 =	sld [smem:$0x3FFC];
	_ =	sdelay $0x3  }
0x94: {  	_ =	strace s2  }
0x95: {  	s2 =	sld [smem:$0x3FFD];
	_ =	sdelay $0x3  }
0x96: {  	_ =	strace s2  }
0x97: {  	_ =	strace $0x8FFFFFFF  }
0x98: {  	s18 =	sld [smem:$0x3FDB];
	_ =	sdelay $0x1  }
0x99: {  	s19 =	simm.s32 $_scs_section_size  }
0x9a: {  	s4 =	simm.s32 $_size__tile_overlayer_lowered;
	s5 =	simm.s32 $_tile_overlayer_lowered  }
0x9b: {  	s22 =	simm.s32 $0x1BFF;
	s21 =	sshll.u32 s5, $0x1;
	s2 =	sadd.s32 s19, s18  }
0x9c: {  	s6 =	simm.s32 $0x0;
	s20 =	sshll.u32 s4, $0x1;
	s4 =	sadd.s32 s21, s2  }
0x9d: {  	[timem:s6], [sflag:s22] =	dma.local [hbm:s4], s20  }
0x9e: {  	_ =	swait.ge [sflag:s22], s20  }
0x9f: {  	s3 =	ssub.s32 $0x0, s20;
	[sflag:s22] =	ssyncset.done $0x0  }
0xa0: {  	[sflag:s22] =	ssyncadd.s32 s3;
	_ =	sdelay $0x1  }
0xa1: {  	s23 =	simm.s32 $0x1B8B  }
0xa2: {  	_ =	swait.ge [sflag:s23], $0x1  }
0xa3: {  	[sflag:s23] =	ssyncset.done $0x0  }
0xa4: {  	s25 =	simm.s32 $0x1B8E;
	s24 =	sld [smem:$0x3FFE];
	[sflag:s23] =	ssyncadd.s32 $0xFFFFFFFF  }
0xa5: {  	s26 =	simm.s32 $execute0_lowered;
	[smem:$0x3FD2] =	sst s25  }
0xa6: {  	s4 =	sshll.u32 s26, $0x1;
	_ =	strace $0x80000046;
	[dreg:$0x1] =	wrdreg $0xFFFFFFFF  }
0xa7: {  	s28 =	simm.s32 $_size_execute0_lowered;
	s2 =	sadd.s32 s2, s4;
	[dreg:$0x0] =	wrdreg $0x0  }
0xa8: {  	s4 =	sshll.u32 s28, $0x1;
	[dreg:$0x2] =	wrdreg s2  }
0xa9: {  	[dreg:$0x3] =	wrdreg s4  }
0xaa: {  	[dreg:$0x4] =	wrdreg $0xC0  }
0xab: {  	_ =	task [dreg:s6], $0x5FFFF  }
0xac: {  	[dreg:$0x1] =	wrdreg $0xFFFFFFFF  }
0xad: {  	[dreg:$0x0] =	wrdreg $0x60  }
0xae: {  	[dreg:$0x2] =	wrdreg s24  }
0xaf: {  	[dreg:$0x3] =	wrdreg $0x81000  }
0xb0: {  	[dreg:$0x4] =	wrdreg $0x9  }
0xb1: {  	_ =	task.clear_ibuf [dreg:s6], $0x5FFFF;
	_ =	strace $0x90000046  }
0xb2: {  	s29 =	simm.s32 $0x9;
	_ =	strace $0x80000048  }
0xb3: {  	_ =	swait.ge [sflag:s29], $0x1  }
0xb4: {  	[sflag:s29] =	ssyncadd.s32 $0xFFFFFFFF  }
0xb5: {  	_ =	strace $0x90000048  }
0xb6: {  	_ =	sfence  }
0xb7: {  	s30 =	sld [smem:$0x0];
	_ =	sdelay $0x2  }
0xb8: {  	s31 =	sshll.u32 s1, $0xD;
	s1 =	sshrl.u32 s1, $0x2  }
0xb9: {  	s3 =	sand.u32 $0x4000, s31;
	s1 =	sadd.s32 s1, s30  }
0xba: {  	s0 =	sor.u32 s3, s0;
	s1 =	sshll.u32 s1, $0x11  }
0xbb: {  	s0 =	sor.u32 s1, s0  }
0xbc: {  	s0 =	sadd.s32 $0x8F2B, s0  }
0xbd: {  	[sflag:s0] =	ssyncadd.remote.s32 $0x1  }
0xbe: {  	_ =	sfence.sel $0xFFFF  }
0xbf: {  	[dreg:$0x0] =	wrdreg $0xFFFFFFFF;
	(pc) =	sbr.abs _section_cstart, $3  }
0xc0: {  	[dreg:$0x1] =	wrdreg $0xFFFFFFFF  }
0xc1: {  	_ =	task.clear_ibuf [dreg:s6], $0x2FFFF;
	_ =	strace $0x9FFFFFFF  }
0xc2: {  	(tm) =	ssettm $0x7FFFFFFF  }
0xc3: {  	_ =	shalt  }
tec
execute0_lowered:
.L_overlay_start_1:
0x0: {  	(tag) =	ssettag $0x1  }
0x1: {  	s6 =	rddreg [dreg:$0x0];
	s0 =	stileid.u32  }
0x2: {  	s1 =	rddreg [dreg:$0x1];
	s8 =	smul.u32 $0x50000, s0  }
0x3: {  	s2 =	srdreg.scid;
	s3 =	simm.s32 $0x0;
	s14 =	smul.u32 $0x13C00, s0  }
0x4: {  	s29 =	simm.s32 $0x0;
	s5 =	sand.u32 $0x1, s2;
	s11 =	smul.u32 $0x4F000, s0  }
0x5: {  	[smem:$0x7FF] =	sst s3;
	s4 =	sadd.s32 $0x16400, s6;
	s24 =	smul.u32 $0x4F0, s0  }
0x6: {  	s16 =	sadd.s32 $0x17400, s6;
	s7 =	smul.u32 $0x4F00, s5;
	_ =	strace $0x80000047  }
0x7: {  	s25 =	ssub.s32 $0x2, s5;
	s13 =	smul.u32 $0x13C000, s5;
	s8 =	sshrl.u32 s8, $0x2  }
0x8: {  	s9 =	sshrl.u32 s25, $0x1;
	s12 =	sadd.s32 $0x4000, s14;
	s11 =	sshrl.u32 s11, $0x2  }
0x9: {  	s19 =	sadd.s32 $0x8000, s14;
	s23 =	sadd.s32 $0x10000, s14;
	s15 =	sadd.s32 s7, s6  }
0xa: {  	s5 =	sadd.s32 s8, s1;
	s17 =	ssub.s32 s25, s9;
	s30 =	sadd.s32 s14, s13  }
0xb: {  	s18 =	sadd.s32 s13, s12;
	s21 =	sadd.s32 s11, s1;
	s31 =	sadd.s32 s13, s19  }
0xc: {  	s22 =	sadd.s32 s12, s1;
	s6 =	sadd.s32 $0xC000, s14;
	s25 =	sadd.s32 s19, s1  }
0xd: {  	s28 =	sadd.s32 s23, s1;
	s19 =	simm.s32 $0x2;
	s26 =	sadd.s32 $0x4000, s5  }
0xe: {  	s7 =	sadd.s32 $0x8000, s5;
	s8 =	sadd.s32 $0xC000, s5;
	s10 =	sshrl.u32 s30, $0x3  }
0xf: {  	s9 =	sadd.s32 $0x10000, s5;
	s18 =	sshrl.u32 s18, $0x3;
	s2 =	sshrl.u32 s31, $0x3  }
0x10: {  	s20 =	sadd.s32 s13, s6;
	s31 =	sadd.s32 s24, s15;
	s15 =	smax.u32 s17, $0x1  }
0x11: {  	s21 =	sshrl.u32 s21, $0x3;
	s22 =	sshrl.u32 s22, $0x3;
	[dreg:$0x3] =	wrdreg s26  }
0x12: {  	s10 =	sadd.s32 s16, s10;
	s11 =	sadd.s32 s16, s18;
	s12 =	sadd.s32 s16, s2  }
0x13: {  	s20 =	sshrl.u32 s20, $0x3;
	s26 =	sadd.s32 s13, s23;
	s17 =	sadd.s32 $0xC600, s31  }
0x14: {  	s18 =	simm.s32 $0x4100;
	s23 =	sshrl.u32 s25, $0x3;
	s25 =	sshrl.u32 s28, $0x3  }
0x15: {  	s28 =	simm.s32 $0x1;
	s13 =	sadd.s32 s16, s20;
	s30 =	sshrl.u32 s26, $0x3  }
0x16: {  	s26 =	sadd.s32 s6, s1;
	s20 =	simm.s32 $0x80;
	s14 =	sadd.s32 s16, s30  }
0x17: {  	v0 =	vimm.f32 $0.0e+00;
	s16 =	sadd.s32 $0x2800, s31;
	s24 =	sshrl.u32 s26, $0x3;
	s26 =	simm.s32 $0x100  }
.LBB2_1:
0x18: {  	s30 =	simm.s32 $0x0;
	s31 =	simm.s32 $0x200  }
.LBB2_2:
0x19: {  	p0 =	sne.s32 s31, $0xFE00;
	[tilespmem:s30+$0x4170] =	vst v0  }
0x1a: {  	[tilespmem:s30+$0x4100] =	vst v0  }
0x1b: {  	[tilespmem:s30+$0x4110] =	vst v0  }
.Ltmp0:
0x1c: {  	[tilespmem:s30+$0x4120] =	vst v0;
	(pc) =	sbr.rel @p0 .LBB2_2-.Ltmp0, $4  }
0x1d: {  	[tilespmem:s30+$0x4130] =	vst v0  }
0x1e: {  	[tilespmem:s30+$0x4140] =	vst v0  }
0x1f: {  	[tilespmem:s30+$0x4150] =	vst v0  }
0x20: {  	[tilespmem:s30+$0x4160] =	vst v0;
	s30 =	sshra.s32 s31, $0x2;
	s31 =	sadd.s32 $0x200, s31  }
0x21: {  	[tilespmem:s30+$0x4170] =	vst v0  }
0x22: {  	[tilespmem:s30+$0x4100] =	vst v0  }
0x23: {  	[tilespmem:s30+$0x4110] =	vst v0  }
0x24: {  	[tilespmem:s30+$0x4120] =	vst v0  }
0x25: {  	[tilespmem:s30+$0x4130] =	vst v0  }
0x26: {  	[tilespmem:s30+$0x4140] =	vst v0  }
0x27: {  	[tilespmem:s30+$0x4150] =	vst v0  }
0x28: {  	[tilespmem:s30+$0x4160] =	vst v0  }
0x29: {  	[spmem:s5] =	stream.linear.scatter [tilespmem:s18], [sflag:$0x2], $0x4000, $0x38;
	[tilespmem:$0x1C100] =	vst v63  }
0x2a: {  	_ =	swait.ge [sflag:s19], $0x4000  }
0x2b: {  	[sflag:s19] =	ssyncset.done $0x0  }
0x2c: {  	s0 =	rddreg [dreg:$0x3];
	[sflag:s19] =	ssyncadd.s32 $0xFFFFC000  }
0x2d: {  	[spmem:s0] =	stream.linear.scatter [tilespmem:s18], [sflag:$0x2], $0x4000, $0x38;
	[tilespmem:$0x1C100] =	vst v63  }
0x2e: {  	_ =	swait.ge [sflag:s19], $0x4000  }
0x2f: {  	[sflag:s19] =	ssyncset.done $0x0  }
0x30: {  	[sflag:s19] =	ssyncadd.s32 $0xFFFFC000  }
0x31: {  	[spmem:s7] =	stream.linear.scatter [tilespmem:s18], [sflag:$0x2], $0x4000, $0x38;
	[tilespmem:$0x1C100] =	vst v63  }
0x32: {  	_ =	swait.ge [sflag:s19], $0x4000  }
0x33: {  	[sflag:s19] =	ssyncset.done $0x0  }
0x34: {  	[sflag:s19] =	ssyncadd.s32 $0xFFFFC000  }
0x35: {  	[spmem:s8] =	stream.linear.scatter [tilespmem:s18], [sflag:$0x2], $0x4000, $0x38;
	[tilespmem:$0x1C100] =	vst v63  }
0x36: {  	_ =	swait.ge [sflag:s19], $0x4000  }
0x37: {  	[sflag:s19] =	ssyncset.done $0x0  }
0x38: {  	[sflag:s19] =	ssyncadd.s32 $0xFFFFC000  }
0x39: {  	[spmem:s9] =	stream.linear.scatter [tilespmem:s18], [sflag:$0x2], $0x4000, $0x38;
	[tilespmem:$0x1C100] =	vst v63  }
0x3a: {  	_ =	swait.ge [sflag:s19], $0x4000  }
0x3b: {  	[sflag:s19] =	ssyncset.done $0x0  }
0x3c: {  	[sflag:s19] =	ssyncadd.s32 $0xFFFFC000  }
0x3d: {  	s30 =	sadd.s32 $0x0, s17;
	[bflag:$0x0] =	sbarrier.arrive $0xFFFF  }
0x3e: {  	[tilespmem:s20], [sflag:$0x2] =	stream.linear.gather [hbm4b:s30+s3], $0x80, $0x38;
	[tilespmem:$0x1C100] =	vst v63  }
0x3f: {  	_ =	swait.ge [sflag:s19], $0x80  }
0x40: {  	[sflag:s19] =	ssyncset.done $0x0  }
0x41: {  	s30 =	sadd.s32 $0x0, s16;
	[sflag:s19] =	ssyncadd.s32 $0xFFFFFF80  }
0x42: {  	[tilespmem:s3], [sflag:$0x2] =	stream.linear.gather [hbm4b:s30+s3], $0x80, $0x38;
	[tilespmem:$0x1C100] =	vst v63  }
0x43: {  	_ =	swait.ge [sflag:s19], $0x80  }
0x44: {  	[sflag:s19] =	ssyncset.done $0x0  }
0x45: {  	[sflag:s19] =	ssyncadd.s32 $0xFFFFFF80  }
0x46: {  	[tilespmem:s26], [sflag:$0x1] =	stream.indirect.gather [hbm4b:s4+s20], $0x80, s3, s20, $0xb8;
	[tilespmem:$0x1C100] =	vst v63  }
0x47: {  	_ =	swait.ge [sflag:s28], $0x4000  }
0x48: {  	[sflag:s28] =	ssyncset.done $0x0  }
0x49: {  	[sflag:s28] =	ssyncadd.s32 $0xFFFFC000  }
0x4a: {  	[spmem:s1] =	stream.indirect.scatter.add.f32 [tilespmem:s26], [sflag:$0x2], $0x80, s20, s20, $0xb8;
	[tilespmem:$0x1C100] =	vst v63  }
0x4b: {  	_ =	swait.ge [sflag:s19], $0x4000  }
0x4c: {  	s31 =	simm.s32 $0x20;
	s30 =	simm.s32 $0x10;
	[sflag:s19] =	ssyncset.done $0x0  }
.LBB2_4:
0x4d: {  	s0 =	sadd.s32 s30, s17  }
0x4e: {  	[sflag:s19] =	ssyncadd.s32 $0xFFFFC000;
	s2 =	smov.u32 s31;
	s6 =	sadd.s32 $0x10, s31  }
0x4f: {  	[tilespmem:s20], [sflag:$0x2] =	stream.linear.gather [hbm4b:s0+s3], $0x80, $0x38;
	[tilespmem:$0x1C100] =	vst v63  }
0x50: {  	p0 =	sne.s32 s31, $0x4E0;
	_ =	swait.ge [sflag:s19], $0x80  }
0x51: {  	[sflag:s19] =	ssyncset.done $0x0  }
0x52: {  	s0 =	sadd.s32 s30, s16;
	s30 =	smov.u32 s2;
	[sflag:s19] =	ssyncadd.s32 $0xFFFFFF80  }
0x53: {  	[tilespmem:s3], [sflag:$0x2] =	stream.linear.gather [hbm4b:s0+s3], $0x80, $0x38;
	[tilespmem:$0x1C100] =	vst v63  }
0x54: {  	_ =	swait.ge [sflag:s19], $0x80  }
0x55: {  	[sflag:s19] =	ssyncset.done $0x0  }
0x56: {  	[sflag:s19] =	ssyncadd.s32 $0xFFFFFF80  }
0x57: {  	[tilespmem:s26], [sflag:$0x1] =	stream.indirect.gather [hbm4b:s4+s20], $0x80, s3, s20, $0xb8;
	[tilespmem:$0x1C100] =	vst v63  }
0x58: {  	_ =	swait.ge [sflag:s28], $0x4000  }
.Ltmp1:
0x59: {  	[sflag:s28] =	ssyncset.done $0x0;
	(pc) =	sbr.rel @p0 .LBB2_4-.Ltmp1, $4  }
0x5a: {  	[sflag:s28] =	ssyncadd.s32 $0xFFFFC000  }
0x5b: {  	[spmem:s1] =	stream.indirect.scatter.add.f32 [tilespmem:s26], [sflag:$0x2], $0x80, s20, s20, $0xb8;
	[tilespmem:$0x1C100] =	vst v63  }
0x5c: {  	_ =	swait.ge [sflag:s19], $0x4000  }
0x5d: {  	s31 =	smov.u32 s6;
	[sflag:s19] =	ssyncset.done $0x0  }
0x5e: {  	s0 =	sadd.s32 s30, s17;
	[sflag:s19] =	ssyncadd.s32 $0xFFFFC000  }
0x5f: {  	[tilespmem:s20], [sflag:$0x2] =	stream.linear.gather [hbm4b:s0+s3], $0x80, $0x38;
	[tilespmem:$0x1C100] =	vst v63  }
0x60: {  	_ =	swait.ge [sflag:s19], $0x80  }
0x61: {  	[sflag:s19] =	ssyncset.done $0x0  }
0x62: {  	s30 =	sadd.s32 s30, s16;
	[sflag:s19] =	ssyncadd.s32 $0xFFFFFF80  }
0x63: {  	[tilespmem:s3], [sflag:$0x2] =	stream.linear.gather [hbm4b:s30+s3], $0x80, $0x38;
	[tilespmem:$0x1C100] =	vst v63  }
0x64: {  	_ =	swait.ge [sflag:s19], $0x80  }
0x65: {  	[sflag:s19] =	ssyncset.done $0x0  }
0x66: {  	[sflag:s19] =	ssyncadd.s32 $0xFFFFFF80  }
0x67: {  	[tilespmem:s26], [sflag:$0x1] =	stream.indirect.gather [hbm4b:s4+s20], $0x80, s3, s20, $0xb8;
	[tilespmem:$0x1C100] =	vst v63  }
0x68: {  	_ =	swait.ge [sflag:s28], $0x4000  }
0x69: {  	[sflag:s28] =	ssyncset.done $0x0  }
0x6a: {  	[sflag:s28] =	ssyncadd.s32 $0xFFFFC000  }
0x6b: {  	[spmem:s1] =	stream.indirect.scatter.add.f32 [tilespmem:s26], [sflag:$0x2], $0x80, s20, s20, $0xb8;
	[tilespmem:$0x1C100] =	vst v63  }
0x6c: {  	_ =	swait.ge [sflag:s19], $0x4000  }
0x6d: {  	s31 =	stileid.u32;
	[sflag:s19] =	ssyncset.done $0x0  }
0x6e: {  	s0 =	sshll.u32 s31, $0x6;
	[sflag:s19] =	ssyncadd.s32 $0xFFFFC000  }
0x6f: {  	s0 =	sor.u32 $0x1C02, s0;
	[bflag:$0x0] =	sbarrier.arrive $0xFFFF  }
0x70: {  	[hbm:s10], [sflag:s0] =	dma.local [spmem:s21], $0x800  }
0x71: {  	_ =	swait.ge [sflag:s19], $0x800  }
0x72: {  	[sflag:s19] =	ssyncset.done $0x0  }
0x73: {  	[sflag:s19] =	ssyncadd.s32 $0xFFFFF800  }
0x74: {  	[hbm:s11], [sflag:s0] =	dma.local [spmem:s22], $0x800  }
0x75: {  	_ =	swait.ge [sflag:s19], $0x800  }
0x76: {  	[sflag:s19] =	ssyncset.done $0x0  }
0x77: {  	[sflag:s19] =	ssyncadd.s32 $0xFFFFF800  }
0x78: {  	[hbm:s12], [sflag:s0] =	dma.local [spmem:s23], $0x800  }
0x79: {  	_ =	swait.ge [sflag:s19], $0x800  }
0x7a: {  	[sflag:s19] =	ssyncset.done $0x0  }
0x7b: {  	[sflag:s19] =	ssyncadd.s32 $0xFFFFF800  }
0x7c: {  	[hbm:s13], [sflag:s0] =	dma.local [spmem:s24], $0x800  }
0x7d: {  	s29 =	sadd.s32 $0x1, s29;
	_ =	swait.ge [sflag:s19], $0x800  }
0x7e: {  	p0 =	sne.s32 s29, s15;
	[sflag:s19] =	ssyncset.done $0x0  }
.Ltmp2:
0x7f: {  	[sflag:s19] =	ssyncadd.s32 $0xFFFFF800;
	(pc) =	sbr.rel @p0 .LBB2_1-.Ltmp2, $4  }
0x80: {  	[hbm:s14], [sflag:s0] =	dma.local [spmem:s25], $0x780  }
0x81: {  	_ =	swait.ge [sflag:s19], $0x780  }
0x82: {  	[sflag:s19] =	ssyncset.done $0x0  }
0x83: {  	[sflag:s19] =	ssyncadd.s32 $0xFFFFF880  }
0x84: {  	_ =	sfence.sel $0x180000  }
0x85: {  	[bflag:$0x0] =	sbarrier.arrive $0xFFFF  }
0x86: {  	_ =	strace $0x90000047  }
0x87: {  	s0 =	stileid.u32;
	[bflag:$0x2] =	sbarrier.arrive $0xFFFF  }
0x88: {  	p0 =	sne.s32 s0, $0x0;
	s0 =	rddreg [dreg:$0x2]  }
0x89: {  	s0 =	sadd.s32 @!p0 $0x100000, s0  }
0x8a: {  	[sflag:s0] =	ssyncadd.tile.s32 @!p0 $0x1;
	_ =	shalt  }
.Lfunc_end2:
_tile_overlayer_lowered:
.L_overlay_start_2:
0x8b: {  	(tag) =	ssettag $0x2  }
0x8c: {  	s0 =	rddreg [dreg:$0x0];
	s2 =	stileid.u32  }
0x8d: {  	s1 =	rddreg [dreg:$0x1];
	p0 =	sne.s32 s2, $0x0  }
0x8e: {  	s3 =	rddreg [dreg:$0x2];
	[bflag:$0x3] =	sbarrier.arrive $0xFFFF;
	s2 =	simm.s32 @!p0 $0x1C02  }
0x8f: {  	[timem:s3], [sflag:s2] =	dma.local @!p0 [hbm:s0], s1  }
0x90: {  	s0 =	simm.s32 @!p0 $0x2  }
0x91: {  	_ =	swait.ge @!p0 [sflag:s0], s1  }
0x92: {  	s1 =	ssub.s32 @!p0 $0x0, s1;
	[sflag:s0] =	ssyncset.done @!p0 $0x0  }
0x93: {  	[sflag:s0] =	ssyncadd.s32 @!p0 s1  }
0x94: {  	[bflag:$0x3] =	sbarrier.arrive $0xFFFF  }
0x95: {  	_ =	shalt  }

// kernel: kernel.13.cloned.1.call-start
scs
__scs_entry_jumppad:
0x0: {  	(pc) =	sbr.rel $0x88, $3  }
0x1: {  	(tag) =	ssettag $0x0;
	lr =	simm.s32 $0x1  }
0x2: {  	[smem:$0x3F95] =	sst lr;
	_ =	strace $0xD0000000  }
0x3: {  	_ = 	snop  }
0x4: {  	_ = 	snop  }
0x5: {  	_ = 	snop  }
0x6: {  	_ = 	snop  }
0x7: {  	_ = 	snop  }
__scs_overlays_trampoline_lowered:
0x8: {  	[smem:$0x3FA4] =	sst s0  }
0x9: {  	[smem:$0x3FA5] =	sst s1  }
0xa: {  	[smem:$0x3FA6] =	sst s2  }
0xb: {  	[smem:$0x3FA7] =	sst s3  }
0xc: {  	[smem:$0x3FA8] =	sst s4  }
0xd: {  	[smem:$0x3FA9] =	sst s5  }
0xe: {  	[smem:$0x3FAA] =	sst s6  }
0xf: {  	[smem:$0x3FAB] =	sst s7  }
0x10: {  	[smem:$0x3FAC] =	sst s8  }
0x11: {  	[smem:$0x3FAD] =	sst s9;
	s0 =	simm.s32 @!p0 $0x0  }
0x12: {  	s1 =	sld [smem:$0x3F93];
	s0 =	simm.s32 @p0 $0x1  }
0x13: {  	[smem:$0x3FAE] =	sst s0;
	s0 =	simm.s32 @!p1 $0x0  }
0x14: {  	s2 =	sld [smem:$0x3F92];
	s0 =	simm.s32 @p1 $0x1  }
0x15: {  	[smem:$0x3FAF] =	sst s0;
	s0 =	simm.s32 @!p2 $0x0  }
0x16: {  	s3 =	sld [smem:$0x3FDB];
	s0 =	simm.s32 @p2 $0x1  }
0x17: {  	s4 =	simm.s32 $0x1BF5;
	[smem:$0x3FB1] =	sst s0  }
0x18: {  	s0 =	sld [smem:$0x3F94];
	_ =	swait.ge [sflag:s4], $0x0  }
0x19: {  	s7 =	sld [smem:$0x3F95]  }
0x1a: {  	s8 =	sadd.s32 $0xFFFFE003, lr  }
0x1b: {  	s9 =	sadd.s32 $0xFFFFFEF7, lr;
	s5 =	simm.s32 $0xFFFFFFFF;
	p2 =	slt.u32 s8, $0xFFFFF086  }
0x1c: {  	p1 =	slt.u32 s9, $0xF7A;
	s5 =	simm.s32 @!p2 $0x0  }
0x1d: {  	s5 =	simm.s32 @p1 $0x1;
	p0 =	seq.s32 s7, s2  }
0x1e: {  	s7 =	smul.u32 @!p0 $0xF7A, s2;
	p2 =	seq.s32 @!p0 s5, $0x0  }
0x1f: {  	s9 =	smul.u32 $0xF7A, s1;
	s8 =	simm.s32 @!p0 $0x1BF5;
	p2 =	por !p2, p0  }
0x20: {  	[sflag:s8] =	ssyncset.s32 @!p0 $0xFFFFF086;
	s6 =	sadd.s32 @!p0 s3, s7;
	s7 =	simm.s32 @!p0 $0x108  }
0x21: {  	s3 =	sadd.s32 s3, s9;
	s6 =	sadd.s32 @!p0 $0x88, s6;
	s7 =	simm.s32 @p2 $0x1082  }
0x22: {  	[simem:s7], [sflag:s8] =	dma.local @!p0 [hbm:s6], $0xF7A  }
0x23: {  	s9 =	sor.u32 $0xD0000000, s2;
	s6 =	simm.s32 $0x108;
	_ =	swait.ge @!p0 [sflag:s8], $0x0  }
0x24: {  	s3 =	sadd.s32 $0x88, s3;
	s6 =	simm.s32 @!p1 $0x1082;
	[sflag:s4] =	ssyncset.s32 $0xFFFFF086  }
0x25: {  	[simem:s6], [sflag:s4] =	dma.local [hbm:s3], $0xF7A  }
0x26: {  	[smem:$0x3F95] =	sst s1;
	(tag) =	ssettag s2;
	_ =	strace s9  }
0x27: {  	s1 =	sld [smem:$0x3FA5]  }
0x28: {  	s2 =	sld [smem:$0x3FA6]  }
0x29: {  	s4 =	sld [smem:$0x3FA8]  }
0x2a: {  	p0 =	seq.s32 s5, $0x0;
	s5 =	sld [smem:$0x3FA9]  }
0x2b: {  	s6 =	sld [smem:$0x3FAA]  }
0x2c: {  	s7 =	sld [smem:$0x3FAB]  }
0x2d: {  	s3 =	simm.s32 $0x108;
	s8 =	sld [smem:$0x3FAC]  }
0x2e: {  	s3 =	simm.s32 @!p0 $0x1082;
	s9 =	sld [smem:$0x3FAD]  }
0x2f: {  	lr =	sadd.s32 s0, s3;
	s0 =	sld [smem:$0x3FA4]  }
0x30: {  	s3 =	sld [smem:$0x3FA7]  }
0x31: {  	[smem:$0x3FB0] =	sst s10  }
0x32: {  	s10 =	sld [smem:$0x3FAE];
	_ =	sdelay $0x3  }
0x33: {  	p0 =	seq.s32 s10, $0x1;
	s10 =	sld [smem:$0x3FB0];
	_ =	sdelay $0x3  }
0x34: {  	[smem:$0x3FB0] =	sst s10  }
0x35: {  	s10 =	sld [smem:$0x3FAF];
	_ =	sdelay $0x3  }
0x36: {  	p1 =	seq.s32 s10, $0x1;
	s10 =	sld [smem:$0x3FB0];
	_ =	sdelay $0x3  }
0x37: {  	[smem:$0x3FB0] =	sst s10  }
0x38: {  	s10 =	sld [smem:$0x3FB1]  }
0x39: {  	_ = 	snop;
	(pc) =	sbr.ind lr, $3  }
0x3a: {  	_ = 	snop  }
0x3b: {  	_ = 	snop  }
0x3c: {  	p2 =	seq.s32 s10, $0x1;
	s10 =	sld [smem:$0x3FB0]  }
0x3d: {  	_ =	shalt  }
0x3e: {  	_ =	shalt  }
0x3f: {  	_ =	shalt  }
0x40: {  	_ =	shalt  }
0x41: {  	_ =	shalt  }
0x42: {  	_ =	shalt  }
0x43: {  	_ =	shalt  }
0x44: {  	_ =	shalt  }
0x45: {  	_ =	shalt  }
0x46: {  	_ =	shalt  }
0x47: {  	_ =	shalt  }
0x48: {  	_ =	shalt  }
0x49: {  	_ =	shalt  }
0x4a: {  	_ =	shalt  }
0x4b: {  	_ =	shalt  }
0x4c: {  	_ =	shalt  }
0x4d: {  	_ =	shalt  }
0x4e: {  	_ =	shalt  }
0x4f: {  	_ =	shalt  }
0x50: {  	_ =	shalt  }
0x51: {  	_ =	shalt  }
0x52: {  	_ =	shalt  }
0x53: {  	_ =	shalt  }
0x54: {  	_ =	shalt  }
0x55: {  	_ =	shalt  }
0x56: {  	_ =	shalt  }
0x57: {  	_ =	shalt  }
0x58: {  	_ =	shalt  }
0x59: {  	_ =	shalt  }
0x5a: {  	_ =	shalt  }
0x5b: {  	_ =	shalt  }
0x5c: {  	_ =	shalt  }
0x5d: {  	_ =	shalt  }
0x5e: {  	_ =	shalt  }
0x5f: {  	_ =	shalt  }
0x60: {  	_ =	shalt  }
0x61: {  	_ =	shalt  }
0x62: {  	_ =	shalt  }
0x63: {  	_ =	shalt  }
0x64: {  	_ =	shalt  }
0x65: {  	_ =	shalt  }
0x66: {  	_ =	shalt  }
0x67: {  	_ =	shalt  }
0x68: {  	_ =	shalt  }
0x69: {  	_ =	shalt  }
0x6a: {  	_ =	shalt  }
0x6b: {  	_ =	shalt  }
0x6c: {  	_ =	shalt  }
0x6d: {  	_ =	shalt  }
0x6e: {  	_ =	shalt  }
0x6f: {  	_ =	shalt  }
0x70: {  	_ =	shalt  }
0x71: {  	_ =	shalt  }
0x72: {  	_ =	shalt  }
0x73: {  	_ =	shalt  }
0x74: {  	_ =	shalt  }
0x75: {  	_ =	shalt  }
0x76: {  	_ =	shalt  }
0x77: {  	_ =	shalt  }
0x78: {  	_ =	shalt  }
0x79: {  	_ =	shalt  }
0x7a: {  	_ =	shalt  }
0x7b: {  	_ =	shalt  }
0x7c: {  	_ =	shalt  }
0x7d: {  	_ =	shalt  }
0x7e: {  	_ =	shalt  }
0x7f: {  	_ =	shalt  }
0x80: {  	_ =	shalt  }
0x81: {  	_ =	shalt  }
0x82: {  	_ =	shalt  }
0x83: {  	_ =	shalt  }
0x84: {  	_ =	shalt  }
0x85: {  	_ =	shalt  }
0x86: {  	_ =	shalt  }
0x87: {  	_ =	shalt  }
.Lfunc_end0:
.L_simem_size_0:
called_computation.1_lowered:
.L_overlay_start_0:
0x88: {  	s2 =	sld [smem:$0x3FD9]  }
0x89: {  	s3 =	sld [smem:$0x3FFE];
	_ =	sdelay $0x1  }
0x8a: {  	s1 =	srdreg.scid  }
0x8b: {  	s0 =	sand.u32 $0x1, s1  }
0x8c: {  	s16 =	sshll.u32 s0, $0xA;
	s2 =	sadd.s32 s3, s2  }
0x8d: {  	s2 =	sadd.s32 s2, s16  }
0x8e: {  	[smem:$0x3FBC] =	sst s2  }
0x8f: {  	_ = 	snop  }
0x90: {  	(tm) =	ssettm $0x1  }
0x91: {  	s17 =	sld [smem:$0x3FFB];
	_ =	sdelay $0x3  }
0x92: {  	_ =	strace s17  }
0x93: {  	s2 =	sld [smem:$0x3FFC];
	_ =	sdelay $0x3  }
0x94: {  	_ =	strace s2  }
0x95: {  	s2 =	sld [smem:$0x3FFD];
	_ =	sdelay $0x3  }
0x96: {  	_ =	strace s2  }
0x97: {  	_ =	strace $0x8FFFFFFF  }
0x98: {  	s18 =	sld [smem:$0x3FDB];
	_ =	sdelay $0x1  }
0x99: {  	s19 =	simm.s32 $_scs_section_size  }
0x9a: {  	s4 =	simm.s32 $_size__tile_overlayer_lowered;
	s5 =	simm.s32 $_tile_overlayer_lowered  }
0x9b: {  	s22 =	simm.s32 $0x1BFF;
	s21 =	sshll.u32 s5, $0x1;
	s2 =	sadd.s32 s19, s18  }
0x9c: {  	s6 =	simm.s32 $0x0;
	s20 =	sshll.u32 s4, $0x1;
	s4 =	sadd.s32 s21, s2  }
0x9d: {  	[timem:s6], [sflag:s22] =	dma.local [hbm:s4], s20  }
0x9e: {  	_ =	swait.ge [sflag:s22], s20  }
0x9f: {  	s3 =	ssub.s32 $0x0, s20;
	[sflag:s22] =	ssyncset.done $0x0  }
0xa0: {  	[sflag:s22] =	ssyncadd.s32 s3;
	_ =	sdelay $0x1  }
0xa1: {  	s23 =	simm.s32 $0x1B8B  }
0xa2: {  	_ =	swait.ge [sflag:s23], $0x1  }
0xa3: {  	[sflag:s23] =	ssyncset.done $0x0  }
0xa4: {  	s25 =	simm.s32 $0x1B8E;
	s24 =	sld [smem:$0x3FFE];
	[sflag:s23] =	ssyncadd.s32 $0xFFFFFFFF  }
0xa5: {  	s26 =	simm.s32 $execute0_lowered;
	[smem:$0x3FD2] =	sst s25  }
0xa6: {  	s4 =	sshll.u32 s26, $0x1;
	_ =	strace $0x80000049;
	[dreg:$0x1] =	wrdreg $0xFFFFFFFF  }
0xa7: {  	s28 =	simm.s32 $_size_execute0_lowered;
	s2 =	sadd.s32 s2, s4;
	[dreg:$0x0] =	wrdreg $0x0  }
0xa8: {  	s4 =	sshll.u32 s28, $0x1;
	[dreg:$0x2] =	wrdreg s2  }
0xa9: {  	[dreg:$0x3] =	wrdreg s4  }
0xaa: {  	[dreg:$0x4] =	wrdreg $0xC0  }
0xab: {  	_ =	task [dreg:s6], $0x5FFFF  }
0xac: {  	[dreg:$0x1] =	wrdreg $0xFFFFFFFF  }
0xad: {  	[dreg:$0x0] =	wrdreg $0x60  }
0xae: {  	[dreg:$0x2] =	wrdreg s24  }
0xaf: {  	[dreg:$0x3] =	wrdreg $0x81000  }
0xb0: {  	[dreg:$0x4] =	wrdreg $0x9  }
0xb1: {  	_ =	task.clear_ibuf [dreg:s6], $0x5FFFF;
	_ =	strace $0x90000049  }
0xb2: {  	s29 =	simm.s32 $0x9;
	_ =	strace $0x8000004B  }
0xb3: {  	_ =	swait.ge [sflag:s29], $0x1  }
0xb4: {  	[sflag:s29] =	ssyncadd.s32 $0xFFFFFFFF  }
0xb5: {  	_ =	strace $0x9000004B  }
0xb6: {  	_ =	sfence  }
0xb7: {  	s30 =	sld [smem:$0x0];
	_ =	sdelay $0x2  }
0xb8: {  	s31 =	sshll.u32 s1, $0xD;
	s1 =	sshrl.u32 s1, $0x2  }
0xb9: {  	s3 =	sand.u32 $0x4000, s31;
	s1 =	sadd.s32 s1, s30  }
0xba: {  	s0 =	sor.u32 s3, s0;
	s1 =	sshll.u32 s1, $0x11  }
0xbb: {  	s0 =	sor.u32 s1, s0  }
0xbc: {  	s0 =	sadd.s32 $0x8F2B, s0  }
0xbd: {  	[sflag:s0] =	ssyncadd.remote.s32 $0x1  }
0xbe: {  	_ =	sfence.sel $0xFFFF  }
0xbf: {  	[dreg:$0x0] =	wrdreg $0xFFFFFFFF;
	(pc) =	sbr.abs _section_cstart, $3  }
0xc0: {  	[dreg:$0x1] =	wrdreg $0xFFFFFFFF  }
0xc1: {  	_ =	task.clear_ibuf [dreg:s6], $0x2FFFF;
	_ =	strace $0x9FFFFFFF  }
0xc2: {  	(tm) =	ssettm $0x7FFFFFFF  }
0xc3: {  	_ =	shalt  }
tec
execute0_lowered:
.L_overlay_start_1:
0x0: {  	(tag) =	ssettag $0x1  }
0x1: {  	s6 =	rddreg [dreg:$0x0];
	s0 =	stileid.u32  }
0x2: {  	s1 =	rddreg [dreg:$0x1];
	s8 =	smul.u32 $0x50000, s0  }
0x3: {  	s2 =	srdreg.scid;
	s3 =	simm.s32 $0x0;
	s14 =	smul.u32 $0x13C00, s0  }
0x4: {  	s29 =	simm.s32 $0x0;
	s5 =	sand.u32 $0x1, s2;
	s11 =	smul.u32 $0x4F000, s0  }
0x5: {  	[smem:$0x7FF] =	sst s3;
	s4 =	sadd.s32 $0x70200, s6;
	s24 =	smul.u32 $0x4F0, s0  }
0x6: {  	s16 =	sadd.s32 $0x97A00, s6;
	s7 =	smul.u32 $0x4F00, s5;
	_ =	strace $0x8000004A  }
0x7: {  	s25 =	ssub.s32 $0x2, s5;
	s13 =	smul.u32 $0x13C000, s5;
	s8 =	sshrl.u32 s8, $0x2  }
0x8: {  	s9 =	sshrl.u32 s25, $0x1;
	s12 =	sadd.s32 $0x4000, s14;
	s11 =	sshrl.u32 s11, $0x2  }
0x9: {  	s19 =	sadd.s32 $0x8000, s14;
	s23 =	sadd.s32 $0x10000, s14;
	s15 =	sadd.s32 s7, s6  }
0xa: {  	s5 =	sadd.s32 s8, s1;
	s17 =	ssub.s32 s25, s9;
	s30 =	sadd.s32 s14, s13  }
0xb: {  	s18 =	sadd.s32 s13, s12;
	s21 =	sadd.s32 s11, s1;
	s31 =	sadd.s32 s13, s19  }
0xc: {  	s22 =	sadd.s32 s12, s1;
	s6 =	sadd.s32 $0xC000, s14;
	s25 =	sadd.s32 s19, s1  }
0xd: {  	s28 =	sadd.s32 s23, s1;
	s19 =	simm.s32 $0x2;
	s26 =	sadd.s32 $0x4000, s5  }
0xe: {  	s7 =	sadd.s32 $0x8000, s5;
	s8 =	sadd.s32 $0xC000, s5;
	s10 =	sshrl.u32 s30, $0x3  }
0xf: {  	s9 =	sadd.s32 $0x10000, s5;
	s18 =	sshrl.u32 s18, $0x3;
	s2 =	sshrl.u32 s31, $0x3  }
0x10: {  	s20 =	sadd.s32 s13, s6;
	s31 =	sadd.s32 s24, s15;
	s15 =	smax.u32 s17, $0x1  }
0x11: {  	s21 =	sshrl.u32 s21, $0x3;
	s22 =	sshrl.u32 s22, $0x3;
	[dreg:$0x3] =	wrdreg s26  }
0x12: {  	s10 =	sadd.s32 s16, s10;
	s11 =	sadd.s32 s16, s18;
	s12 =	sadd.s32 s16, s2  }
0x13: {  	s20 =	sshrl.u32 s20, $0x3;
	s26 =	sadd.s32 s13, s23;
	s17 =	sadd.s32 $0xC600, s31  }
0x14: {  	s18 =	simm.s32 $0x4100;
	s23 =	sshrl.u32 s25, $0x3;
	s25 =	sshrl.u32 s28, $0x3  }
0x15: {  	s28 =	simm.s32 $0x1;
	s13 =	sadd.s32 s16, s20;
	s30 =	sshrl.u32 s26, $0x3  }
0x16: {  	s26 =	sadd.s32 s6, s1;
	s20 =	simm.s32 $0x80;
	s14 =	sadd.s32 s16, s30  }
0x17: {  	v0 =	vimm.f32 $0.0e+00;
	s16 =	sadd.s32 $0x66400, s31;
	s24 =	sshrl.u32 s26, $0x3;
	s26 =	simm.s32 $0x100  }
.LBB2_1:
0x18: {  	s30 =	simm.s32 $0x0;
	s31 =	simm.s32 $0x200  }
.LBB2_2:
0x19: {  	p0 =	sne.s32 s31, $0xFE00;
	[tilespmem:s30+$0x4170] =	vst v0  }
0x1a: {  	[tilespmem:s30+$0x4100] =	vst v0  }
0x1b: {  	[tilespmem:s30+$0x4110] =	vst v0  }
.Ltmp0:
0x1c: {  	[tilespmem:s30+$0x4120] =	vst v0;
	(pc) =	sbr.rel @p0 .LBB2_2-.Ltmp0, $4  }
0x1d: {  	[tilespmem:s30+$0x4130] =	vst v0  }
0x1e: {  	[tilespmem:s30+$0x4140] =	vst v0  }
0x1f: {  	[tilespmem:s30+$0x4150] =	vst v0  }
0x20: {  	[tilespmem:s30+$0x4160] =	vst v0;
	s30 =	sshra.s32 s31, $0x2;
	s31 =	sadd.s32 $0x200, s31  }
0x21: {  	[tilespmem:s30+$0x4170] =	vst v0  }
0x22: {  	[tilespmem:s30+$0x4100] =	vst v0  }
0x23: {  	[tilespmem:s30+$0x4110] =	vst v0  }
0x24: {  	[tilespmem:s30+$0x4120] =	vst v0  }
0x25: {  	[tilespmem:s30+$0x4130] =	vst v0  }
0x26: {  	[tilespmem:s30+$0x4140] =	vst v0  }
0x27: {  	[tilespmem:s30+$0x4150] =	vst v0  }
0x28: {  	[tilespmem:s30+$0x4160] =	vst v0  }
0x29: {  	[spmem:s5] =	stream.linear.scatter [tilespmem:s18], [sflag:$0x2], $0x4000, $0x38;
	[tilespmem:$0x1C100] =	vst v63  }
0x2a: {  	_ =	swait.ge [sflag:s19], $0x4000  }
0x2b: {  	[sflag:s19] =	ssyncset.done $0x0  }
0x2c: {  	s0 =	rddreg [dreg:$0x3];
	[sflag:s19] =	ssyncadd.s32 $0xFFFFC000  }
0x2d: {  	[spmem:s0] =	stream.linear.scatter [tilespmem:s18], [sflag:$0x2], $0x4000, $0x38;
	[tilespmem:$0x1C100] =	vst v63  }
0x2e: {  	_ =	swait.ge [sflag:s19], $0x4000  }
0x2f: {  	[sflag:s19] =	ssyncset.done $0x0  }
0x30: {  	[sflag:s19] =	ssyncadd.s32 $0xFFFFC000  }
0x31: {  	[spmem:s7] =	stream.linear.scatter [tilespmem:s18], [sflag:$0x2], $0x4000, $0x38;
	[tilespmem:$0x1C100] =	vst v63  }
0x32: {  	_ =	swait.ge [sflag:s19], $0x4000  }
0x33: {  	[sflag:s19] =	ssyncset.done $0x0  }
0x34: {  	[sflag:s19] =	ssyncadd.s32 $0xFFFFC000  }
0x35: {  	[spmem:s8] =	stream.linear.scatter [tilespmem:s18], [sflag:$0x2], $0x4000, $0x38;
	[tilespmem:$0x1C100] =	vst v63  }
0x36: {  	_ =	swait.ge [sflag:s19], $0x4000  }
0x37: {  	[sflag:s19] =	ssyncset.done $0x0  }
0x38: {  	[sflag:s19] =	ssyncadd.s32 $0xFFFFC000  }
0x39: {  	[spmem:s9] =	stream.linear.scatter [tilespmem:s18], [sflag:$0x2], $0x4000, $0x38;
	[tilespmem:$0x1C100] =	vst v63  }
0x3a: {  	_ =	swait.ge [sflag:s19], $0x4000  }
0x3b: {  	[sflag:s19] =	ssyncset.done $0x0  }
0x3c: {  	[sflag:s19] =	ssyncadd.s32 $0xFFFFC000  }
0x3d: {  	s30 =	sadd.s32 $0x0, s17;
	[bflag:$0x0] =	sbarrier.arrive $0xFFFF  }
0x3e: {  	[tilespmem:s20], [sflag:$0x2] =	stream.linear.gather [hbm4b:s30+s3], $0x80, $0x38;
	[tilespmem:$0x1C100] =	vst v63  }
0x3f: {  	_ =	swait.ge [sflag:s19], $0x80  }
0x40: {  	[sflag:s19] =	ssyncset.done $0x0  }
0x41: {  	s30 =	sadd.s32 $0x0, s16;
	[sflag:s19] =	ssyncadd.s32 $0xFFFFFF80  }
0x42: {  	[tilespmem:s3], [sflag:$0x2] =	stream.linear.gather [hbm4b:s30+s3], $0x80, $0x38;
	[tilespmem:$0x1C100] =	vst v63  }
0x43: {  	_ =	swait.ge [sflag:s19], $0x80  }
0x44: {  	[sflag:s19] =	ssyncset.done $0x0  }
0x45: {  	[sflag:s19] =	ssyncadd.s32 $0xFFFFFF80  }
0x46: {  	[tilespmem:s26], [sflag:$0x1] =	stream.indirect.gather [hbm4b:s4+s20], $0x80, s3, s20, $0xb8;
	[tilespmem:$0x1C100] =	vst v63  }
0x47: {  	_ =	swait.ge [sflag:s28], $0x4000  }
0x48: {  	[sflag:s28] =	ssyncset.done $0x0  }
0x49: {  	[sflag:s28] =	ssyncadd.s32 $0xFFFFC000  }
0x4a: {  	[spmem:s1] =	stream.indirect.scatter.add.f32 [tilespmem:s26], [sflag:$0x2], $0x80, s20, s20, $0xb8;
	[tilespmem:$0x1C100] =	vst v63  }
0x4b: {  	_ =	swait.ge [sflag:s19], $0x4000  }
0x4c: {  	s31 =	simm.s32 $0x20;
	s30 =	simm.s32 $0x10;
	[sflag:s19] =	ssyncset.done $0x0  }
.LBB2_4:
0x4d: {  	s0 =	sadd.s32 s30, s17  }
0x4e: {  	[sflag:s19] =	ssyncadd.s32 $0xFFFFC000;
	s2 =	smov.u32 s31;
	s6 =	sadd.s32 $0x10, s31  }
0x4f: {  	[tilespmem:s20], [sflag:$0x2] =	stream.linear.gather [hbm4b:s0+s3], $0x80, $0x38;
	[tilespmem:$0x1C100] =	vst v63  }
0x50: {  	p0 =	sne.s32 s31, $0x4E0;
	_ =	swait.ge [sflag:s19], $0x80  }
0x51: {  	[sflag:s19] =	ssyncset.done $0x0  }
0x52: {  	s0 =	sadd.s32 s30, s16;
	s30 =	smov.u32 s2;
	[sflag:s19] =	ssyncadd.s32 $0xFFFFFF80  }
0x53: {  	[tilespmem:s3], [sflag:$0x2] =	stream.linear.gather [hbm4b:s0+s3], $0x80, $0x38;
	[tilespmem:$0x1C100] =	vst v63  }
0x54: {  	_ =	swait.ge [sflag:s19], $0x80  }
0x55: {  	[sflag:s19] =	ssyncset.done $0x0  }
0x56: {  	[sflag:s19] =	ssyncadd.s32 $0xFFFFFF80  }
0x57: {  	[tilespmem:s26], [sflag:$0x1] =	stream.indirect.gather [hbm4b:s4+s20], $0x80, s3, s20, $0xb8;
	[tilespmem:$0x1C100] =	vst v63  }
0x58: {  	_ =	swait.ge [sflag:s28], $0x4000  }
.Ltmp1:
0x59: {  	[sflag:s28] =	ssyncset.done $0x0;
	(pc) =	sbr.rel @p0 .LBB2_4-.Ltmp1, $4  }
0x5a: {  	[sflag:s28] =	ssyncadd.s32 $0xFFFFC000  }
0x5b: {  	[spmem:s1] =	stream.indirect.scatter.add.f32 [tilespmem:s26], [sflag:$0x2], $0x80, s20, s20, $0xb8;
	[tilespmem:$0x1C100] =	vst v63  }
0x5c: {  	_ =	swait.ge [sflag:s19], $0x4000  }
0x5d: {  	s31 =	smov.u32 s6;
	[sflag:s19] =	ssyncset.done $0x0  }
0x5e: {  	s0 =	sadd.s32 s30, s17;
	[sflag:s19] =	ssyncadd.s32 $0xFFFFC000  }
0x5f: {  	[tilespmem:s20], [sflag:$0x2] =	stream.linear.gather [hbm4b:s0+s3], $0x80, $0x38;
	[tilespmem:$0x1C100] =	vst v63  }
0x60: {  	_ =	swait.ge [sflag:s19], $0x80  }
0x61: {  	[sflag:s19] =	ssyncset.done $0x0  }
0x62: {  	s30 =	sadd.s32 s30, s16;
	[sflag:s19] =	ssyncadd.s32 $0xFFFFFF80  }
0x63: {  	[tilespmem:s3], [sflag:$0x2] =	stream.linear.gather [hbm4b:s30+s3], $0x80, $0x38;
	[tilespmem:$0x1C100] =	vst v63  }
0x64: {  	_ =	swait.ge [sflag:s19], $0x80  }
0x65: {  	[sflag:s19] =	ssyncset.done $0x0  }
0x66: {  	[sflag:s19] =	ssyncadd.s32 $0xFFFFFF80  }
0x67: {  	[tilespmem:s26], [sflag:$0x1] =	stream.indirect.gather [hbm4b:s4+s20], $0x80, s3, s20, $0xb8;
	[tilespmem:$0x1C100] =	vst v63  }
0x68: {  	_ =	swait.ge [sflag:s28], $0x4000  }
0x69: {  	[sflag:s28] =	ssyncset.done $0x0  }
0x6a: {  	[sflag:s28] =	ssyncadd.s32 $0xFFFFC000  }
0x6b: {  	[spmem:s1] =	stream.indirect.scatter.add.f32 [tilespmem:s26], [sflag:$0x2], $0x80, s20, s20, $0xb8;
	[tilespmem:$0x1C100] =	vst v63  }
0x6c: {  	_ =	swait.ge [sflag:s19], $0x4000  }
0x6d: {  	s31 =	stileid.u32;
	[sflag:s19] =	ssyncset.done $0x0  }
0x6e: {  	s0 =	sshll.u32 s31, $0x6;
	[sflag:s19] =	ssyncadd.s32 $0xFFFFC000  }
0x6f: {  	s0 =	sor.u32 $0x1C02, s0;
	[bflag:$0x0] =	sbarrier.arrive $0xFFFF  }
0x70: {  	[hbm:s10], [sflag:s0] =	dma.local [spmem:s21], $0x800  }
0x71: {  	_ =	swait.ge [sflag:s19], $0x800  }
0x72: {  	[sflag:s19] =	ssyncset.done $0x0  }
0x73: {  	[sflag:s19] =	ssyncadd.s32 $0xFFFFF800  }
0x74: {  	[hbm:s11], [sflag:s0] =	dma.local [spmem:s22], $0x800  }
0x75: {  	_ =	swait.ge [sflag:s19], $0x800  }
0x76: {  	[sflag:s19] =	ssyncset.done $0x0  }
0x77: {  	[sflag:s19] =	ssyncadd.s32 $0xFFFFF800  }
0x78: {  	[hbm:s12], [sflag:s0] =	dma.local [spmem:s23], $0x800  }
0x79: {  	_ =	swait.ge [sflag:s19], $0x800  }
0x7a: {  	[sflag:s19] =	ssyncset.done $0x0  }
0x7b: {  	[sflag:s19] =	ssyncadd.s32 $0xFFFFF800  }
0x7c: {  	[hbm:s13], [sflag:s0] =	dma.local [spmem:s24], $0x800  }
0x7d: {  	s29 =	sadd.s32 $0x1, s29;
	_ =	swait.ge [sflag:s19], $0x800  }
0x7e: {  	p0 =	sne.s32 s29, s15;
	[sflag:s19] =	ssyncset.done $0x0  }
.Ltmp2:
0x7f: {  	[sflag:s19] =	ssyncadd.s32 $0xFFFFF800;
	(pc) =	sbr.rel @p0 .LBB2_1-.Ltmp2, $4  }
0x80: {  	[hbm:s14], [sflag:s0] =	dma.local [spmem:s25], $0x780  }
0x81: {  	_ =	swait.ge [sflag:s19], $0x780  }
0x82: {  	[sflag:s19] =	ssyncset.done $0x0  }
0x83: {  	[sflag:s19] =	ssyncadd.s32 $0xFFFFF880  }
0x84: {  	_ =	sfence.sel $0x180000  }
0x85: {  	[bflag:$0x0] =	sbarrier.arrive $0xFFFF  }
0x86: {  	_ =	strace $0x9000004A  }
0x87: {  	s0 =	stileid.u32;
	[bflag:$0x2] =	sbarrier.arrive $0xFFFF  }
0x88: {  	p0 =	sne.s32 s0, $0x0;
	s0 =	rddreg [dreg:$0x2]  }
0x89: {  	s0 =	sadd.s32 @!p0 $0x100000, s0  }
0x8a: {  	[sflag:s0] =	ssyncadd.tile.s32 @!p0 $0x1;
	_ =	shalt  }
.Lfunc_end2:
_tile_overlayer_lowered:
.L_overlay_start_2:
0x8b: {  	(tag) =	ssettag $0x2  }
0x8c: {  	s0 =	rddreg [dreg:$0x0];
	s2 =	stileid.u32  }
0x8d: {  	s1 =	rddreg [dreg:$0x1];
	p0 =	sne.s32 s2, $0x0  }
0x8e: {  	s3 =	rddreg [dreg:$0x2];
	[bflag:$0x3] =	sbarrier.arrive $0xFFFF;
	s2 =	simm.s32 @!p0 $0x1C02  }
0x8f: {  	[timem:s3], [sflag:s2] =	dma.local @!p0 [hbm:s0], s1  }
0x90: {  	s0 =	simm.s32 @!p0 $0x2  }
0x91: {  	_ =	swait.ge @!p0 [sflag:s0], s1  }
0x92: {  	s1 =	ssub.s32 @!p0 $0x0, s1;
	[sflag:s0] =	ssyncset.done @!p0 $0x0  }
0x93: {  	[sflag:s0] =	ssyncadd.s32 @!p0 s1  }
0x94: {  	[bflag:$0x3] =	sbarrier.arrive $0xFFFF  }
0x95: {  	_ =	shalt  }

// kernel: kernel.16.cloned.1.call-start
scs
__scs_entry_jumppad:
0x0: {  	(pc) =	sbr.rel $0x88, $3  }
0x1: {  	(tag) =	ssettag $0x0;
	lr =	simm.s32 $0x1  }
0x2: {  	[smem:$0x3F95] =	sst lr;
	_ =	strace $0xD0000000  }
0x3: {  	_ = 	snop  }
0x4: {  	_ = 	snop  }
0x5: {  	_ = 	snop  }
0x6: {  	_ = 	snop  }
0x7: {  	_ = 	snop  }
__scs_overlays_trampoline_lowered:
0x8: {  	[smem:$0x3FA4] =	sst s0  }
0x9: {  	[smem:$0x3FA5] =	sst s1  }
0xa: {  	[smem:$0x3FA6] =	sst s2  }
0xb: {  	[smem:$0x3FA7] =	sst s3  }
0xc: {  	[smem:$0x3FA8] =	sst s4  }
0xd: {  	[smem:$0x3FA9] =	sst s5  }
0xe: {  	[smem:$0x3FAA] =	sst s6  }
0xf: {  	[smem:$0x3FAB] =	sst s7  }
0x10: {  	[smem:$0x3FAC] =	sst s8  }
0x11: {  	[smem:$0x3FAD] =	sst s9;
	s0 =	simm.s32 @!p0 $0x0  }
0x12: {  	s1 =	sld [smem:$0x3F93];
	s0 =	simm.s32 @p0 $0x1  }
0x13: {  	[smem:$0x3FAE] =	sst s0;
	s0 =	simm.s32 @!p1 $0x0  }
0x14: {  	s2 =	sld [smem:$0x3F92];
	s0 =	simm.s32 @p1 $0x1  }
0x15: {  	[smem:$0x3FAF] =	sst s0;
	s0 =	simm.s32 @!p2 $0x0  }
0x16: {  	s3 =	sld [smem:$0x3FDB];
	s0 =	simm.s32 @p2 $0x1  }
0x17: {  	s4 =	simm.s32 $0x1BF5;
	[smem:$0x3FB1] =	sst s0  }
0x18: {  	s0 =	sld [smem:$0x3F94];
	_ =	swait.ge [sflag:s4], $0x0  }
0x19: {  	s7 =	sld [smem:$0x3F95]  }
0x1a: {  	s8 =	sadd.s32 $0xFFFFE003, lr  }
0x1b: {  	s9 =	sadd.s32 $0xFFFFFEF7, lr;
	s5 =	simm.s32 $0xFFFFFFFF;
	p2 =	slt.u32 s8, $0xFFFFF086  }
0x1c: {  	p1 =	slt.u32 s9, $0xF7A;
	s5 =	simm.s32 @!p2 $0x0  }
0x1d: {  	s5 =	simm.s32 @p1 $0x1;
	p0 =	seq.s32 s7, s2  }
0x1e: {  	s7 =	smul.u32 @!p0 $0xF7A, s2;
	p2 =	seq.s32 @!p0 s5, $0x0  }
0x1f: {  	s9 =	smul.u32 $0xF7A, s1;
	s8 =	simm.s32 @!p0 $0x1BF5;
	p2 =	por !p2, p0  }
0x20: {  	[sflag:s8] =	ssyncset.s32 @!p0 $0xFFFFF086;
	s6 =	sadd.s32 @!p0 s3, s7;
	s7 =	simm.s32 @!p0 $0x108  }
0x21: {  	s3 =	sadd.s32 s3, s9;
	s6 =	sadd.s32 @!p0 $0x88, s6;
	s7 =	simm.s32 @p2 $0x1082  }
0x22: {  	[simem:s7], [sflag:s8] =	dma.local @!p0 [hbm:s6], $0xF7A  }
0x23: {  	s9 =	sor.u32 $0xD0000000, s2;
	s6 =	simm.s32 $0x108;
	_ =	swait.ge @!p0 [sflag:s8], $0x0  }
0x24: {  	s3 =	sadd.s32 $0x88, s3;
	s6 =	simm.s32 @!p1 $0x1082;
	[sflag:s4] =	ssyncset.s32 $0xFFFFF086  }
0x25: {  	[simem:s6], [sflag:s4] =	dma.local [hbm:s3], $0xF7A  }
0x26: {  	[smem:$0x3F95] =	sst s1;
	(tag) =	ssettag s2;
	_ =	strace s9  }
0x27: {  	s1 =	sld [smem:$0x3FA5]  }
0x28: {  	s2 =	sld [smem:$0x3FA6]  }
0x29: {  	s4 =	sld [smem:$0x3FA8]  }
0x2a: {  	p0 =	seq.s32 s5, $0x0;
	s5 =	sld [smem:$0x3FA9]  }
0x2b: {  	s6 =	sld [smem:$0x3FAA]  }
0x2c: {  	s7 =	sld [smem:$0x3FAB]  }
0x2d: {  	s3 =	simm.s32 $0x108;
	s8 =	sld [smem:$0x3FAC]  }
0x2e: {  	s3 =	simm.s32 @!p0 $0x1082;
	s9 =	sld [smem:$0x3FAD]  }
0x2f: {  	lr =	sadd.s32 s0, s3;
	s0 =	sld [smem:$0x3FA4]  }
0x30: {  	s3 =	sld [smem:$0x3FA7]  }
0x31: {  	[smem:$0x3FB0] =	sst s10  }
0x32: {  	s10 =	sld [smem:$0x3FAE];
	_ =	sdelay $0x3  }
0x33: {  	p0 =	seq.s32 s10, $0x1;
	s10 =	sld [smem:$0x3FB0];
	_ =	sdelay $0x3  }
0x34: {  	[smem:$0x3FB0] =	sst s10  }
0x35: {  	s10 =	sld [smem:$0x3FAF];
	_ =	sdelay $0x3  }
0x36: {  	p1 =	seq.s32 s10, $0x1;
	s10 =	sld [smem:$0x3FB0];
	_ =	sdelay $0x3  }
0x37: {  	[smem:$0x3FB0] =	sst s10  }
0x38: {  	s10 =	sld [smem:$0x3FB1]  }
0x39: {  	_ = 	snop;
	(pc) =	sbr.ind lr, $3  }
0x3a: {  	_ = 	snop  }
0x3b: {  	_ = 	snop  }
0x3c: {  	p2 =	seq.s32 s10, $0x1;
	s10 =	sld [smem:$0x3FB0]  }
0x3d: {  	_ =	shalt  }
0x3e: {  	_ =	shalt  }
0x3f: {  	_ =	shalt  }
0x40: {  	_ =	shalt  }
0x41: {  	_ =	shalt  }
0x42: {  	_ =	shalt  }
0x43: {  	_ =	shalt  }
0x44: {  	_ =	shalt  }
0x45: {  	_ =	shalt  }
0x46: {  	_ =	shalt  }
0x47: {  	_ =	shalt  }
0x48: {  	_ =	shalt  }
0x49: {  	_ =	shalt  }
0x4a: {  	_ =	shalt  }
0x4b: {  	_ =	shalt  }
0x4c: {  	_ =	shalt  }
0x4d: {  	_ =	shalt  }
0x4e: {  	_ =	shalt  }
0x4f: {  	_ =	shalt  }
0x50: {  	_ =	shalt  }
0x51: {  	_ =	shalt  }
0x52: {  	_ =	shalt  }
0x53: {  	_ =	shalt  }
0x54: {  	_ =	shalt  }
0x55: {  	_ =	shalt  }
0x56: {  	_ =	shalt  }
0x57: {  	_ =	shalt  }
0x58: {  	_ =	shalt  }
0x59: {  	_ =	shalt  }
0x5a: {  	_ =	shalt  }
0x5b: {  	_ =	shalt  }
0x5c: {  	_ =	shalt  }
0x5d: {  	_ =	shalt  }
0x5e: {  	_ =	shalt  }
0x5f: {  	_ =	shalt  }
0x60: {  	_ =	shalt  }
0x61: {  	_ =	shalt  }
0x62: {  	_ =	shalt  }
0x63: {  	_ =	shalt  }
0x64: {  	_ =	shalt  }
0x65: {  	_ =	shalt  }
0x66: {  	_ =	shalt  }
0x67: {  	_ =	shalt  }
0x68: {  	_ =	shalt  }
0x69: {  	_ =	shalt  }
0x6a: {  	_ =	shalt  }
0x6b: {  	_ =	shalt  }
0x6c: {  	_ =	shalt  }
0x6d: {  	_ =	shalt  }
0x6e: {  	_ =	shalt  }
0x6f: {  	_ =	shalt  }
0x70: {  	_ =	shalt  }
0x71: {  	_ =	shalt  }
0x72: {  	_ =	shalt  }
0x73: {  	_ =	shalt  }
0x74: {  	_ =	shalt  }
0x75: {  	_ =	shalt  }
0x76: {  	_ =	shalt  }
0x77: {  	_ =	shalt  }
0x78: {  	_ =	shalt  }
0x79: {  	_ =	shalt  }
0x7a: {  	_ =	shalt  }
0x7b: {  	_ =	shalt  }
0x7c: {  	_ =	shalt  }
0x7d: {  	_ =	shalt  }
0x7e: {  	_ =	shalt  }
0x7f: {  	_ =	shalt  }
0x80: {  	_ =	shalt  }
0x81: {  	_ =	shalt  }
0x82: {  	_ =	shalt  }
0x83: {  	_ =	shalt  }
0x84: {  	_ =	shalt  }
0x85: {  	_ =	shalt  }
0x86: {  	_ =	shalt  }
0x87: {  	_ =	shalt  }
.Lfunc_end0:
.L_simem_size_0:
called_computation.2_lowered:
.L_overlay_start_0:
0x88: {  	s2 =	sld [smem:$0x3FD9]  }
0x89: {  	s3 =	sld [smem:$0x3FFE];
	_ =	sdelay $0x1  }
0x8a: {  	s1 =	srdreg.scid  }
0x8b: {  	s0 =	sand.u32 $0x1, s1  }
0x8c: {  	s16 =	sshll.u32 s0, $0xA;
	s2 =	sadd.s32 s3, s2  }
0x8d: {  	s2 =	sadd.s32 s2, s16  }
0x8e: {  	[smem:$0x3FBC] =	sst s2  }
0x8f: {  	_ = 	snop  }
0x90: {  	(tm) =	ssettm $0x1  }
0x91: {  	s17 =	sld [smem:$0x3FFB];
	_ =	sdelay $0x3  }
0x92: {  	_ =	strace s17  }
0x93: {  	s2 =	sld [smem:$0x3FFC];
	_ =	sdelay $0x3  }
0x94: {  	_ =	strace s2  }
0x95: {  	s2 =	sld [smem:$0x3FFD];
	_ =	sdelay $0x3  }
0x96: {  	_ =	strace s2  }
0x97: {  	_ =	strace $0x8FFFFFFF  }
0x98: {  	s18 =	sld [smem:$0x3FDB];
	_ =	sdelay $0x1  }
0x99: {  	s19 =	simm.s32 $_scs_section_size  }
0x9a: {  	s4 =	simm.s32 $_size__tile_overlayer_lowered;
	s5 =	simm.s32 $_tile_overlayer_lowered  }
0x9b: {  	s22 =	simm.s32 $0x1BFF;
	s21 =	sshll.u32 s5, $0x1;
	s2 =	sadd.s32 s19, s18  }
0x9c: {  	s6 =	simm.s32 $0x0;
	s20 =	sshll.u32 s4, $0x1;
	s4 =	sadd.s32 s21, s2  }
0x9d: {  	[timem:s6], [sflag:s22] =	dma.local [hbm:s4], s20  }
0x9e: {  	_ =	swait.ge [sflag:s22], s20  }
0x9f: {  	s3 =	ssub.s32 $0x0, s20;
	[sflag:s22] =	ssyncset.done $0x0  }
0xa0: {  	[sflag:s22] =	ssyncadd.s32 s3;
	_ =	sdelay $0x1  }
0xa1: {  	s23 =	simm.s32 $0x1B8B  }
0xa2: {  	_ =	swait.ge [sflag:s23], $0x1  }
0xa3: {  	[sflag:s23] =	ssyncset.done $0x0  }
0xa4: {  	s25 =	simm.s32 $0x1B8E;
	s24 =	sld [smem:$0x3FFE];
	[sflag:s23] =	ssyncadd.s32 $0xFFFFFFFF  }
0xa5: {  	s26 =	simm.s32 $execute0_lowered;
	[smem:$0x3FD2] =	sst s25  }
0xa6: {  	s4 =	sshll.u32 s26, $0x1;
	_ =	strace $0x8000004C;
	[dreg:$0x1] =	wrdreg $0xFFFFFFFF  }
0xa7: {  	s28 =	simm.s32 $_size_execute0_lowered;
	s2 =	sadd.s32 s2, s4;
	[dreg:$0x0] =	wrdreg $0x0  }
0xa8: {  	s4 =	sshll.u32 s28, $0x1;
	[dreg:$0x2] =	wrdreg s2  }
0xa9: {  	[dreg:$0x3] =	wrdreg s4  }
0xaa: {  	[dreg:$0x4] =	wrdreg $0xC0  }
0xab: {  	_ =	task [dreg:s6], $0x5FFFF  }
0xac: {  	[dreg:$0x1] =	wrdreg $0xFFFFFFFF  }
0xad: {  	[dreg:$0x0] =	wrdreg $0x60  }
0xae: {  	[dreg:$0x2] =	wrdreg s24  }
0xaf: {  	[dreg:$0x3] =	wrdreg $0x81000  }
0xb0: {  	[dreg:$0x4] =	wrdreg $0x9  }
0xb1: {  	_ =	task.clear_ibuf [dreg:s6], $0x5FFFF;
	_ =	strace $0x9000004C  }
0xb2: {  	s29 =	simm.s32 $0x9;
	_ =	strace $0x8000004E  }
0xb3: {  	_ =	swait.ge [sflag:s29], $0x1  }
0xb4: {  	[sflag:s29] =	ssyncadd.s32 $0xFFFFFFFF  }
0xb5: {  	_ =	strace $0x9000004E  }
0xb6: {  	_ =	sfence  }
0xb7: {  	s30 =	sld [smem:$0x0];
	_ =	sdelay $0x2  }
0xb8: {  	s31 =	sshll.u32 s1, $0xD;
	s1 =	sshrl.u32 s1, $0x2  }
0xb9: {  	s3 =	sand.u32 $0x4000, s31;
	s1 =	sadd.s32 s1, s30  }
0xba: {  	s0 =	sor.u32 s3, s0;
	s1 =	sshll.u32 s1, $0x11  }
0xbb: {  	s0 =	sor.u32 s1, s0  }
0xbc: {  	s0 =	sadd.s32 $0x8F2B, s0  }
0xbd: {  	[sflag:s0] =	ssyncadd.remote.s32 $0x1  }
0xbe: {  	_ =	sfence.sel $0xFFFF  }
0xbf: {  	[dreg:$0x0] =	wrdreg $0xFFFFFFFF;
	(pc) =	sbr.abs _section_cstart, $3  }
0xc0: {  	[dreg:$0x1] =	wrdreg $0xFFFFFFFF  }
0xc1: {  	_ =	task.clear_ibuf [dreg:s6], $0x2FFFF;
	_ =	strace $0x9FFFFFFF  }
0xc2: {  	(tm) =	ssettm $0x7FFFFFFF  }
0xc3: {  	_ =	shalt  }
tec
execute0_lowered:
.L_overlay_start_1:
0x0: {  	(tag) =	ssettag $0x1  }
0x1: {  	s6 =	rddreg [dreg:$0x0];
	s0 =	stileid.u32  }
0x2: {  	s1 =	rddreg [dreg:$0x1];
	s8 =	smul.u32 $0x50000, s0  }
0x3: {  	s2 =	srdreg.scid;
	s3 =	simm.s32 $0x0;
	s14 =	smul.u32 $0x13C00, s0  }
0x4: {  	s29 =	simm.s32 $0x0;
	s5 =	sand.u32 $0x1, s2;
	s11 =	smul.u32 $0x4F000, s0  }
0x5: {  	[smem:$0x7FF] =	sst s3;
	s4 =	sadd.s32 $0x70200, s6;
	s24 =	smul.u32 $0x4F0, s0  }
0x6: {  	s16 =	sadd.s32 $0x97A00, s6;
	s7 =	smul.u32 $0x4F00, s5;
	_ =	strace $0x8000004D  }
0x7: {  	s25 =	ssub.s32 $0x2, s5;
	s13 =	smul.u32 $0x13C000, s5;
	s8 =	sshrl.u32 s8, $0x2  }
0x8: {  	s9 =	sshrl.u32 s25, $0x1;
	s12 =	sadd.s32 $0x4000, s14;
	s11 =	sshrl.u32 s11, $0x2  }
0x9: {  	s19 =	sadd.s32 $0x8000, s14;
	s23 =	sadd.s32 $0x10000, s14;
	s15 =	sadd.s32 s7, s6  }
0xa: {  	s5 =	sadd.s32 s8, s1;
	s17 =	ssub.s32 s25, s9;
	s30 =	sadd.s32 s14, s13  }
0xb: {  	s18 =	sadd.s32 s13, s12;
	s21 =	sadd.s32 s11, s1;
	s31 =	sadd.s32 s13, s19  }
0xc: {  	s22 =	sadd.s32 s12, s1;
	s6 =	sadd.s32 $0xC000, s14;
	s25 =	sadd.s32 s19, s1  }
0xd: {  	s28 =	sadd.s32 s23, s1;
	s19 =	simm.s32 $0x2;
	s26 =	sadd.s32 $0x4000, s5  }
0xe: {  	s7 =	sadd.s32 $0x8000, s5;
	s8 =	sadd.s32 $0xC000, s5;
	s10 =	sshrl.u32 s30, $0x3  }
0xf: {  	s9 =	sadd.s32 $0x10000, s5;
	s18 =	sshrl.u32 s18, $0x3;
	s2 =	sshrl.u32 s31, $0x3  }
0x10: {  	s20 =	sadd.s32 s13, s6;
	s31 =	sadd.s32 s24, s15;
	s15 =	smax.u32 s17, $0x1  }
0x11: {  	s21 =	sshrl.u32 s21, $0x3;
	s22 =	sshrl.u32 s22, $0x3;
	[dreg:$0x3] =	wrdreg s26  }
0x12: {  	s10 =	sadd.s32 s16, s10;
	s11 =	sadd.s32 s16, s18;
	s12 =	sadd.s32 s16, s2  }
0x13: {  	s20 =	sshrl.u32 s20, $0x3;
	s26 =	sadd.s32 s13, s23;
	s17 =	sadd.s32 $0xC600, s31  }
0x14: {  	s18 =	simm.s32 $0x4100;
	s23 =	sshrl.u32 s25, $0x3;
	s25 =	sshrl.u32 s28, $0x3  }
0x15: {  	s28 =	simm.s32 $0x1;
	s13 =	sadd.s32 s16, s20;
	s30 =	sshrl.u32 s26, $0x3  }
0x16: {  	s26 =	sadd.s32 s6, s1;
	s20 =	simm.s32 $0x80;
	s14 =	sadd.s32 s16, s30  }
0x17: {  	v0 =	vimm.f32 $0.0e+00;
	s16 =	sadd.s32 $0x66400, s31;
	s24 =	sshrl.u32 s26, $0x3;
	s26 =	simm.s32 $0x100  }
.LBB2_1:
0x18: {  	s30 =	simm.s32 $0x0;
	s31 =	simm.s32 $0x200  }
.LBB2_2:
0x19: {  	p0 =	sne.s32 s31, $0xFE00;
	[tilespmem:s30+$0x4170] =	vst v0  }
0x1a: {  	[tilespmem:s30+$0x4100] =	vst v0  }
0x1b: {  	[tilespmem:s30+$0x4110] =	vst v0  }
.Ltmp0:
0x1c: {  	[tilespmem:s30+$0x4120] =	vst v0;
	(pc) =	sbr.rel @p0 .LBB2_2-.Ltmp0, $4  }
0x1d: {  	[tilespmem:s30+$0x4130] =	vst v0  }
0x1e: {  	[tilespmem:s30+$0x4140] =	vst v0  }
0x1f: {  	[tilespmem:s30+$0x4150] =	vst v0  }
0x20: {  	[tilespmem:s30+$0x4160] =	vst v0;
	s30 =	sshra.s32 s31, $0x2;
	s31 =	sadd.s32 $0x200, s31  }
0x21: {  	[tilespmem:s30+$0x4170] =	vst v0  }
0x22: {  	[tilespmem:s30+$0x4100] =	vst v0  }
0x23: {  	[tilespmem:s30+$0x4110] =	vst v0  }
0x24: {  	[tilespmem:s30+$0x4120] =	vst v0  }
0x25: {  	[tilespmem:s30+$0x4130] =	vst v0  }
0x26: {  	[tilespmem:s30+$0x4140] =	vst v0  }
0x27: {  	[tilespmem:s30+$0x4150] =	vst v0  }
0x28: {  	[tilespmem:s30+$0x4160] =	vst v0  }
0x29: {  	[spmem:s5] =	stream.linear.scatter [tilespmem:s18], [sflag:$0x2], $0x4000, $0x38;
	[tilespmem:$0x1C100] =	vst v63  }
0x2a: {  	_ =	swait.ge [sflag:s19], $0x4000  }
0x2b: {  	[sflag:s19] =	ssyncset.done $0x0  }
0x2c: {  	s0 =	rddreg [dreg:$0x3];
	[sflag:s19] =	ssyncadd.s32 $0xFFFFC000  }
0x2d: {  	[spmem:s0] =	stream.linear.scatter [tilespmem:s18], [sflag:$0x2], $0x4000, $0x38;
	[tilespmem:$0x1C100] =	vst v63  }
0x2e: {  	_ =	swait.ge [sflag:s19], $0x4000  }
0x2f: {  	[sflag:s19] =	ssyncset.done $0x0  }
0x30: {  	[sflag:s19] =	ssyncadd.s32 $0xFFFFC000  }
0x31: {  	[spmem:s7] =	stream.linear.scatter [tilespmem:s18], [sflag:$0x2], $0x4000, $0x38;
	[tilespmem:$0x1C100] =	vst v63  }
0x32: {  	_ =	swait.ge [sflag:s19], $0x4000  }
0x33: {  	[sflag:s19] =	ssyncset.done $0x0  }
0x34: {  	[sflag:s19] =	ssyncadd.s32 $0xFFFFC000  }
0x35: {  	[spmem:s8] =	stream.linear.scatter [tilespmem:s18], [sflag:$0x2], $0x4000, $0x38;
	[tilespmem:$0x1C100] =	vst v63  }
0x36: {  	_ =	swait.ge [sflag:s19], $0x4000  }
0x37: {  	[sflag:s19] =	ssyncset.done $0x0  }
0x38: {  	[sflag:s19] =	ssyncadd.s32 $0xFFFFC000  }
0x39: {  	[spmem:s9] =	stream.linear.scatter [tilespmem:s18], [sflag:$0x2], $0x4000, $0x38;
	[tilespmem:$0x1C100] =	vst v63  }
0x3a: {  	_ =	swait.ge [sflag:s19], $0x4000  }
0x3b: {  	[sflag:s19] =	ssyncset.done $0x0  }
0x3c: {  	[sflag:s19] =	ssyncadd.s32 $0xFFFFC000  }
0x3d: {  	s30 =	sadd.s32 $0x0, s17;
	[bflag:$0x0] =	sbarrier.arrive $0xFFFF  }
0x3e: {  	[tilespmem:s20], [sflag:$0x2] =	stream.linear.gather [hbm4b:s30+s3], $0x80, $0x38;
	[tilespmem:$0x1C100] =	vst v63  }
0x3f: {  	_ =	swait.ge [sflag:s19], $0x80  }
0x40: {  	[sflag:s19] =	ssyncset.done $0x0  }
0x41: {  	s30 =	sadd.s32 $0x0, s16;
	[sflag:s19] =	ssyncadd.s32 $0xFFFFFF80  }
0x42: {  	[tilespmem:s3], [sflag:$0x2] =	stream.linear.gather [hbm4b:s30+s3], $0x80, $0x38;
	[tilespmem:$0x1C100] =	vst v63  }
0x43: {  	_ =	swait.ge [sflag:s19], $0x80  }
0x44: {  	[sflag:s19] =	ssyncset.done $0x0  }
0x45: {  	[sflag:s19] =	ssyncadd.s32 $0xFFFFFF80  }
0x46: {  	[tilespmem:s26], [sflag:$0x1] =	stream.indirect.gather [hbm4b:s4+s20], $0x80, s3, s20, $0xb8;
	[tilespmem:$0x1C100] =	vst v63  }
0x47: {  	_ =	swait.ge [sflag:s28], $0x4000  }
0x48: {  	[sflag:s28] =	ssyncset.done $0x0  }
0x49: {  	[sflag:s28] =	ssyncadd.s32 $0xFFFFC000  }
0x4a: {  	[spmem:s1] =	stream.indirect.scatter.add.f32 [tilespmem:s26], [sflag:$0x2], $0x80, s20, s20, $0xb8;
	[tilespmem:$0x1C100] =	vst v63  }
0x4b: {  	_ =	swait.ge [sflag:s19], $0x4000  }
0x4c: {  	s31 =	simm.s32 $0x20;
	s30 =	simm.s32 $0x10;
	[sflag:s19] =	ssyncset.done $0x0  }
.LBB2_4:
0x4d: {  	s0 =	sadd.s32 s30, s17  }
0x4e: {  	[sflag:s19] =	ssyncadd.s32 $0xFFFFC000;
	s2 =	smov.u32 s31;
	s6 =	sadd.s32 $0x10, s31  }
0x4f: {  	[tilespmem:s20], [sflag:$0x2] =	stream.linear.gather [hbm4b:s0+s3], $0x80, $0x38;
	[tilespmem:$0x1C100] =	vst v63  }
0x50: {  	p0 =	sne.s32 s31, $0x4E0;
	_ =	swait.ge [sflag:s19], $0x80  }
0x51: {  	[sflag:s19] =	ssyncset.done $0x0  }
0x52: {  	s0 =	sadd.s32 s30, s16;
	s30 =	smov.u32 s2;
	[sflag:s19] =	ssyncadd.s32 $0xFFFFFF80  }
0x53: {  	[tilespmem:s3], [sflag:$0x2] =	stream.linear.gather [hbm4b:s0+s3], $0x80, $0x38;
	[tilespmem:$0x1C100] =	vst v63  }
0x54: {  	_ =	swait.ge [sflag:s19], $0x80  }
0x55: {  	[sflag:s19] =	ssyncset.done $0x0  }
0x56: {  	[sflag:s19] =	ssyncadd.s32 $0xFFFFFF80  }
0x57: {  	[tilespmem:s26], [sflag:$0x1] =	stream.indirect.gather [hbm4b:s4+s20], $0x80, s3, s20, $0xb8;
	[tilespmem:$0x1C100] =	vst v63  }
0x58: {  	_ =	swait.ge [sflag:s28], $0x4000  }
.Ltmp1:
0x59: {  	[sflag:s28] =	ssyncset.done $0x0;
	(pc) =	sbr.rel @p0 .LBB2_4-.Ltmp1, $4  }
0x5a: {  	[sflag:s28] =	ssyncadd.s32 $0xFFFFC000  }
0x5b: {  	[spmem:s1] =	stream.indirect.scatter.add.f32 [tilespmem:s26], [sflag:$0x2], $0x80, s20, s20, $0xb8;
	[tilespmem:$0x1C100] =	vst v63  }
0x5c: {  	_ =	swait.ge [sflag:s19], $0x4000  }
0x5d: {  	s31 =	smov.u32 s6;
	[sflag:s19] =	ssyncset.done $0x0  }
0x5e: {  	s0 =	sadd.s32 s30, s17;
	[sflag:s19] =	ssyncadd.s32 $0xFFFFC000  }
0x5f: {  	[tilespmem:s20], [sflag:$0x2] =	stream.linear.gather [hbm4b:s0+s3], $0x80, $0x38;
	[tilespmem:$0x1C100] =	vst v63  }
0x60: {  	_ =	swait.ge [sflag:s19], $0x80  }
0x61: {  	[sflag:s19] =	ssyncset.done $0x0  }
0x62: {  	s30 =	sadd.s32 s30, s16;
	[sflag:s19] =	ssyncadd.s32 $0xFFFFFF80  }
0x63: {  	[tilespmem:s3], [sflag:$0x2] =	stream.linear.gather [hbm4b:s30+s3], $0x80, $0x38;
	[tilespmem:$0x1C100] =	vst v63  }
0x64: {  	_ =	swait.ge [sflag:s19], $0x80  }
0x65: {  	[sflag:s19] =	ssyncset.done $0x0  }
0x66: {  	[sflag:s19] =	ssyncadd.s32 $0xFFFFFF80  }
0x67: {  	[tilespmem:s26], [sflag:$0x1] =	stream.indirect.gather [hbm4b:s4+s20], $0x80, s3, s20, $0xb8;
	[tilespmem:$0x1C100] =	vst v63  }
0x68: {  	_ =	swait.ge [sflag:s28], $0x4000  }
0x69: {  	[sflag:s28] =	ssyncset.done $0x0  }
0x6a: {  	[sflag:s28] =	ssyncadd.s32 $0xFFFFC000  }
0x6b: {  	[spmem:s1] =	stream.indirect.scatter.add.f32 [tilespmem:s26], [sflag:$0x2], $0x80, s20, s20, $0xb8;
	[tilespmem:$0x1C100] =	vst v63  }
0x6c: {  	_ =	swait.ge [sflag:s19], $0x4000  }
0x6d: {  	s31 =	stileid.u32;
	[sflag:s19] =	ssyncset.done $0x0  }
0x6e: {  	s0 =	sshll.u32 s31, $0x6;
	[sflag:s19] =	ssyncadd.s32 $0xFFFFC000  }
0x6f: {  	s0 =	sor.u32 $0x1C02, s0;
	[bflag:$0x0] =	sbarrier.arrive $0xFFFF  }
0x70: {  	[hbm:s10], [sflag:s0] =	dma.local [spmem:s21], $0x800  }
0x71: {  	_ =	swait.ge [sflag:s19], $0x800  }
0x72: {  	[sflag:s19] =	ssyncset.done $0x0  }
0x73: {  	[sflag:s19] =	ssyncadd.s32 $0xFFFFF800  }
0x74: {  	[hbm:s11], [sflag:s0] =	dma.local [spmem:s22], $0x800  }
0x75: {  	_ =	swait.ge [sflag:s19], $0x800  }
0x76: {  	[sflag:s19] =	ssyncset.done $0x0  }
0x77: {  	[sflag:s19] =	ssyncadd.s32 $0xFFFFF800  }
0x78: {  	[hbm:s12], [sflag:s0] =	dma.local [spmem:s23], $0x800  }
0x79: {  	_ =	swait.ge [sflag:s19], $0x800  }
0x7a: {  	[sflag:s19] =	ssyncset.done $0x0  }
0x7b: {  	[sflag:s19] =	ssyncadd.s32 $0xFFFFF800  }
0x7c: {  	[hbm:s13], [sflag:s0] =	dma.local [spmem:s24], $0x800  }
0x7d: {  	s29 =	sadd.s32 $0x1, s29;
	_ =	swait.ge [sflag:s19], $0x800  }
0x7e: {  	p0 =	sne.s32 s29, s15;
	[sflag:s19] =	ssyncset.done $0x0  }
.Ltmp2:
0x7f: {  	[sflag:s19] =	ssyncadd.s32 $0xFFFFF800;
	(pc) =	sbr.rel @p0 .LBB2_1-.Ltmp2, $4  }
0x80: {  	[hbm:s14], [sflag:s0] =	dma.local [spmem:s25], $0x780  }
0x81: {  	_ =	swait.ge [sflag:s19], $0x780  }
0x82: {  	[sflag:s19] =	ssyncset.done $0x0  }
0x83: {  	[sflag:s19] =	ssyncadd.s32 $0xFFFFF880  }
0x84: {  	_ =	sfence.sel $0x180000  }
0x85: {  	[bflag:$0x0] =	sbarrier.arrive $0xFFFF  }
0x86: {  	_ =	strace $0x9000004D  }
0x87: {  	s0 =	stileid.u32;
	[bflag:$0x2] =	sbarrier.arrive $0xFFFF  }
0x88: {  	p0 =	sne.s32 s0, $0x0;
	s0 =	rddreg [dreg:$0x2]  }
0x89: {  	s0 =	sadd.s32 @!p0 $0x100000, s0  }
0x8a: {  	[sflag:s0] =	ssyncadd.tile.s32 @!p0 $0x1;
	_ =	shalt  }
.Lfunc_end2:
_tile_overlayer_lowered:
.L_overlay_start_2:
0x8b: {  	(tag) =	ssettag $0x2  }
0x8c: {  	s0 =	rddreg [dreg:$0x0];
	s2 =	stileid.u32  }
0x8d: {  	s1 =	rddreg [dreg:$0x1];
	p0 =	sne.s32 s2, $0x0  }
0x8e: {  	s3 =	rddreg [dreg:$0x2];
	[bflag:$0x3] =	sbarrier.arrive $0xFFFF;
	s2 =	simm.s32 @!p0 $0x1C02  }
0x8f: {  	[timem:s3], [sflag:s2] =	dma.local @!p0 [hbm:s0], s1  }
0x90: {  	s0 =	simm.s32 @!p0 $0x2  }
0x91: {  	_ =	swait.ge @!p0 [sflag:s0], s1  }
0x92: {  	s1 =	ssub.s32 @!p0 $0x0, s1;
	[sflag:s0] =	ssyncset.done @!p0 $0x0  }
0x93: {  	[sflag:s0] =	ssyncadd.s32 @!p0 s1  }
0x94: {  	[bflag:$0x3] =	sbarrier.arrive $0xFFFF  }
0x95: {  	_ =	shalt  }

// kernel: kernel.19.cloned.1.call-start
scs
__scs_entry_jumppad:
0x0: {  	(pc) =	sbr.rel $0x88, $3  }
0x1: {  	(tag) =	ssettag $0x0;
	lr =	simm.s32 $0x1  }
0x2: {  	[smem:$0x3F95] =	sst lr;
	_ =	strace $0xD0000000  }
0x3: {  	_ = 	snop  }
0x4: {  	_ = 	snop  }
0x5: {  	_ = 	snop  }
0x6: {  	_ = 	snop  }
0x7: {  	_ = 	snop  }
__scs_overlays_trampoline_lowered:
0x8: {  	[smem:$0x3FA4] =	sst s0  }
0x9: {  	[smem:$0x3FA5] =	sst s1  }
0xa: {  	[smem:$0x3FA6] =	sst s2  }
0xb: {  	[smem:$0x3FA7] =	sst s3  }
0xc: {  	[smem:$0x3FA8] =	sst s4  }
0xd: {  	[smem:$0x3FA9] =	sst s5  }
0xe: {  	[smem:$0x3FAA] =	sst s6  }
0xf: {  	[smem:$0x3FAB] =	sst s7  }
0x10: {  	[smem:$0x3FAC] =	sst s8  }
0x11: {  	[smem:$0x3FAD] =	sst s9;
	s0 =	simm.s32 @!p0 $0x0  }
0x12: {  	s1 =	sld [smem:$0x3F93];
	s0 =	simm.s32 @p0 $0x1  }
0x13: {  	[smem:$0x3FAE] =	sst s0;
	s0 =	simm.s32 @!p1 $0x0  }
0x14: {  	s2 =	sld [smem:$0x3F92];
	s0 =	simm.s32 @p1 $0x1  }
0x15: {  	[smem:$0x3FAF] =	sst s0;
	s0 =	simm.s32 @!p2 $0x0  }
0x16: {  	s3 =	sld [smem:$0x3FDB];
	s0 =	simm.s32 @p2 $0x1  }
0x17: {  	s4 =	simm.s32 $0x1BF5;
	[smem:$0x3FB1] =	sst s0  }
0x18: {  	s0 =	sld [smem:$0x3F94];
	_ =	swait.ge [sflag:s4], $0x0  }
0x19: {  	s7 =	sld [smem:$0x3F95]  }
0x1a: {  	s8 =	sadd.s32 $0xFFFFE003, lr  }
0x1b: {  	s9 =	sadd.s32 $0xFFFFFEF7, lr;
	s5 =	simm.s32 $0xFFFFFFFF;
	p2 =	slt.u32 s8, $0xFFFFF086  }
0x1c: {  	p1 =	slt.u32 s9, $0xF7A;
	s5 =	simm.s32 @!p2 $0x0  }
0x1d: {  	s5 =	simm.s32 @p1 $0x1;
	p0 =	seq.s32 s7, s2  }
0x1e: {  	s7 =	smul.u32 @!p0 $0xF7A, s2;
	p2 =	seq.s32 @!p0 s5, $0x0  }
0x1f: {  	s9 =	smul.u32 $0xF7A, s1;
	s8 =	simm.s32 @!p0 $0x1BF5;
	p2 =	por !p2, p0  }
0x20: {  	[sflag:s8] =	ssyncset.s32 @!p0 $0xFFFFF086;
	s6 =	sadd.s32 @!p0 s3, s7;
	s7 =	simm.s32 @!p0 $0x108  }
0x21: {  	s3 =	sadd.s32 s3, s9;
	s6 =	sadd.s32 @!p0 $0x88, s6;
	s7 =	simm.s32 @p2 $0x1082  }
0x22: {  	[simem:s7], [sflag:s8] =	dma.local @!p0 [hbm:s6], $0xF7A  }
0x23: {  	s9 =	sor.u32 $0xD0000000, s2;
	s6 =	simm.s32 $0x108;
	_ =	swait.ge @!p0 [sflag:s8], $0x0  }
0x24: {  	s3 =	sadd.s32 $0x88, s3;
	s6 =	simm.s32 @!p1 $0x1082;
	[sflag:s4] =	ssyncset.s32 $0xFFFFF086  }
0x25: {  	[simem:s6], [sflag:s4] =	dma.local [hbm:s3], $0xF7A  }
0x26: {  	[smem:$0x3F95] =	sst s1;
	(tag) =	ssettag s2;
	_ =	strace s9  }
0x27: {  	s1 =	sld [smem:$0x3FA5]  }
0x28: {  	s2 =	sld [smem:$0x3FA6]  }
0x29: {  	s4 =	sld [smem:$0x3FA8]  }
0x2a: {  	p0 =	seq.s32 s5, $0x0;
	s5 =	sld [smem:$0x3FA9]  }
0x2b: {  	s6 =	sld [smem:$0x3FAA]  }
0x2c: {  	s7 =	sld [smem:$0x3FAB]  }
0x2d: {  	s3 =	simm.s32 $0x108;
	s8 =	sld [smem:$0x3FAC]  }
0x2e: {  	s3 =	simm.s32 @!p0 $0x1082;
	s9 =	sld [smem:$0x3FAD]  }
0x2f: {  	lr =	sadd.s32 s0, s3;
	s0 =	sld [smem:$0x3FA4]  }
0x30: {  	s3 =	sld [smem:$0x3FA7]  }
0x31: {  	[smem:$0x3FB0] =	sst s10  }
0x32: {  	s10 =	sld [smem:$0x3FAE];
	_ =	sdelay $0x3  }
0x33: {  	p0 =	seq.s32 s10, $0x1;
	s10 =	sld [smem:$0x3FB0];
	_ =	sdelay $0x3  }
0x34: {  	[smem:$0x3FB0] =	sst s10  }
0x35: {  	s10 =	sld [smem:$0x3FAF];
	_ =	sdelay $0x3  }
0x36: {  	p1 =	seq.s32 s10, $0x1;
	s10 =	sld [smem:$0x3FB0];
	_ =	sdelay $0x3  }
0x37: {  	[smem:$0x3FB0] =	sst s10  }
0x38: {  	s10 =	sld [smem:$0x3FB1]  }
0x39: {  	_ = 	snop;
	(pc) =	sbr.ind lr, $3  }
0x3a: {  	_ = 	snop  }
0x3b: {  	_ = 	snop  }
0x3c: {  	p2 =	seq.s32 s10, $0x1;
	s10 =	sld [smem:$0x3FB0]  }
0x3d: {  	_ =	shalt  }
0x3e: {  	_ =	shalt  }
0x3f: {  	_ =	shalt  }
0x40: {  	_ =	shalt  }
0x41: {  	_ =	shalt  }
0x42: {  	_ =	shalt  }
0x43: {  	_ =	shalt  }
0x44: {  	_ =	shalt  }
0x45: {  	_ =	shalt  }
0x46: {  	_ =	shalt  }
0x47: {  	_ =	shalt  }
0x48: {  	_ =	shalt  }
0x49: {  	_ =	shalt  }
0x4a: {  	_ =	shalt  }
0x4b: {  	_ =	shalt  }
0x4c: {  	_ =	shalt  }
0x4d: {  	_ =	shalt  }
0x4e: {  	_ =	shalt  }
0x4f: {  	_ =	shalt  }
0x50: {  	_ =	shalt  }
0x51: {  	_ =	shalt  }
0x52: {  	_ =	shalt  }
0x53: {  	_ =	shalt  }
0x54: {  	_ =	shalt  }
0x55: {  	_ =	shalt  }
0x56: {  	_ =	shalt  }
0x57: {  	_ =	shalt  }
0x58: {  	_ =	shalt  }
0x59: {  	_ =	shalt  }
0x5a: {  	_ =	shalt  }
0x5b: {  	_ =	shalt  }
0x5c: {  	_ =	shalt  }
0x5d: {  	_ =	shalt  }
0x5e: {  	_ =	shalt  }
0x5f: {  	_ =	shalt  }
0x60: {  	_ =	shalt  }
0x61: {  	_ =	shalt  }
0x62: {  	_ =	shalt  }
0x63: {  	_ =	shalt  }
0x64: {  	_ =	shalt  }
0x65: {  	_ =	shalt  }
0x66: {  	_ =	shalt  }
0x67: {  	_ =	shalt  }
0x68: {  	_ =	shalt  }
0x69: {  	_ =	shalt  }
0x6a: {  	_ =	shalt  }
0x6b: {  	_ =	shalt  }
0x6c: {  	_ =	shalt  }
0x6d: {  	_ =	shalt  }
0x6e: {  	_ =	shalt  }
0x6f: {  	_ =	shalt  }
0x70: {  	_ =	shalt  }
0x71: {  	_ =	shalt  }
0x72: {  	_ =	shalt  }
0x73: {  	_ =	shalt  }
0x74: {  	_ =	shalt  }
0x75: {  	_ =	shalt  }
0x76: {  	_ =	shalt  }
0x77: {  	_ =	shalt  }
0x78: {  	_ =	shalt  }
0x79: {  	_ =	shalt  }
0x7a: {  	_ =	shalt  }
0x7b: {  	_ =	shalt  }
0x7c: {  	_ =	shalt  }
0x7d: {  	_ =	shalt  }
0x7e: {  	_ =	shalt  }
0x7f: {  	_ =	shalt  }
0x80: {  	_ =	shalt  }
0x81: {  	_ =	shalt  }
0x82: {  	_ =	shalt  }
0x83: {  	_ =	shalt  }
0x84: {  	_ =	shalt  }
0x85: {  	_ =	shalt  }
0x86: {  	_ =	shalt  }
0x87: {  	_ =	shalt  }
.Lfunc_end0:
.L_simem_size_0:
called_computation.3_lowered:
.L_overlay_start_0:
0x88: {  	s2 =	sld [smem:$0x3FD9]  }
0x89: {  	s3 =	sld [smem:$0x3FFE];
	_ =	sdelay $0x1  }
0x8a: {  	s1 =	srdreg.scid  }
0x8b: {  	s0 =	sand.u32 $0x1, s1  }
0x8c: {  	s16 =	sshll.u32 s0, $0xA;
	s2 =	sadd.s32 s3, s2  }
0x8d: {  	s2 =	sadd.s32 s2, s16  }
0x8e: {  	[smem:$0x3FBC] =	sst s2  }
0x8f: {  	_ = 	snop  }
0x90: {  	(tm) =	ssettm $0x1  }
0x91: {  	s17 =	sld [smem:$0x3FFB];
	_ =	sdelay $0x3  }
0x92: {  	_ =	strace s17  }
0x93: {  	s2 =	sld [smem:$0x3FFC];
	_ =	sdelay $0x3  }
0x94: {  	_ =	strace s2  }
0x95: {  	s2 =	sld [smem:$0x3FFD];
	_ =	sdelay $0x3  }
0x96: {  	_ =	strace s2  }
0x97: {  	_ =	strace $0x8FFFFFFF  }
0x98: {  	s18 =	sld [smem:$0x3FDB];
	_ =	sdelay $0x1  }
0x99: {  	s19 =	simm.s32 $_scs_section_size  }
0x9a: {  	s4 =	simm.s32 $_size__tile_overlayer_lowered;
	s5 =	simm.s32 $_tile_overlayer_lowered  }
0x9b: {  	s22 =	simm.s32 $0x1BFF;
	s21 =	sshll.u32 s5, $0x1;
	s2 =	sadd.s32 s19, s18  }
0x9c: {  	s6 =	simm.s32 $0x0;
	s20 =	sshll.u32 s4, $0x1;
	s4 =	sadd.s32 s21, s2  }
0x9d: {  	[timem:s6], [sflag:s22] =	dma.local [hbm:s4], s20  }
0x9e: {  	_ =	swait.ge [sflag:s22], s20  }
0x9f: {  	s3 =	ssub.s32 $0x0, s20;
	[sflag:s22] =	ssyncset.done $0x0  }
0xa0: {  	[sflag:s22] =	ssyncadd.s32 s3;
	_ =	sdelay $0x1  }
0xa1: {  	s23 =	simm.s32 $0x1B8B  }
0xa2: {  	_ =	swait.ge [sflag:s23], $0x1  }
0xa3: {  	[sflag:s23] =	ssyncset.done $0x0  }
0xa4: {  	s25 =	simm.s32 $0x1B8E;
	s24 =	sld [smem:$0x3FFE];
	[sflag:s23] =	ssyncadd.s32 $0xFFFFFFFF  }
0xa5: {  	s26 =	simm.s32 $execute0_lowered;
	[smem:$0x3FD2] =	sst s25  }
0xa6: {  	s4 =	sshll.u32 s26, $0x1;
	_ =	strace $0x8000004F;
	[dreg:$0x1] =	wrdreg $0xFFFFFFFF  }
0xa7: {  	s28 =	simm.s32 $_size_execute0_lowered;
	s2 =	sadd.s32 s2, s4;
	[dreg:$0x0] =	wrdreg $0x0  }
0xa8: {  	s4 =	sshll.u32 s28, $0x1;
	[dreg:$0x2] =	wrdreg s2  }
0xa9: {  	[dreg:$0x3] =	wrdreg s4  }
0xaa: {  	[dreg:$0x4] =	wrdreg $0xC0  }
0xab: {  	_ =	task [dreg:s6], $0x5FFFF  }
0xac: {  	[dreg:$0x1] =	wrdreg $0xFFFFFFFF  }
0xad: {  	[dreg:$0x0] =	wrdreg $0x60  }
0xae: {  	[dreg:$0x2] =	wrdreg s24  }
0xaf: {  	[dreg:$0x3] =	wrdreg $0x81000  }
0xb0: {  	[dreg:$0x4] =	wrdreg $0x9  }
0xb1: {  	_ =	task.clear_ibuf [dreg:s6], $0x5FFFF;
	_ =	strace $0x9000004F  }
0xb2: {  	s29 =	simm.s32 $0x9;
	_ =	strace $0x80000051  }
0xb3: {  	_ =	swait.ge [sflag:s29], $0x1  }
0xb4: {  	[sflag:s29] =	ssyncadd.s32 $0xFFFFFFFF  }
0xb5: {  	_ =	strace $0x90000051  }
0xb6: {  	_ =	sfence  }
0xb7: {  	s30 =	sld [smem:$0x0];
	_ =	sdelay $0x2  }
0xb8: {  	s31 =	sshll.u32 s1, $0xD;
	s1 =	sshrl.u32 s1, $0x2  }
0xb9: {  	s3 =	sand.u32 $0x4000, s31;
	s1 =	sadd.s32 s1, s30  }
0xba: {  	s0 =	sor.u32 s3, s0;
	s1 =	sshll.u32 s1, $0x11  }
0xbb: {  	s0 =	sor.u32 s1, s0  }
0xbc: {  	s0 =	sadd.s32 $0x8F2B, s0  }
0xbd: {  	[sflag:s0] =	ssyncadd.remote.s32 $0x1  }
0xbe: {  	_ =	sfence.sel $0xFFFF  }
0xbf: {  	[dreg:$0x0] =	wrdreg $0xFFFFFFFF;
	(pc) =	sbr.abs _section_cstart, $3  }
0xc0: {  	[dreg:$0x1] =	wrdreg $0xFFFFFFFF  }
0xc1: {  	_ =	task.clear_ibuf [dreg:s6], $0x2FFFF;
	_ =	strace $0x9FFFFFFF  }
0xc2: {  	(tm) =	ssettm $0x7FFFFFFF  }
0xc3: {  	_ =	shalt  }
tec
execute0_lowered:
.L_overlay_start_1:
0x0: {  	(tag) =	ssettag $0x1  }
0x1: {  	s6 =	rddreg [dreg:$0x0];
	s0 =	stileid.u32  }
0x2: {  	s1 =	rddreg [dreg:$0x1];
	s8 =	smul.u32 $0x50000, s0  }
0x3: {  	s2 =	srdreg.scid;
	s3 =	simm.s32 $0x0;
	s14 =	smul.u32 $0x13C00, s0  }
0x4: {  	s29 =	simm.s32 $0x0;
	s5 =	sand.u32 $0x1, s2;
	s11 =	smul.u32 $0x4F000, s0  }
0x5: {  	[smem:$0x7FF] =	sst s3;
	s4 =	sadd.s32 $0x70200, s6;
	s24 =	smul.u32 $0x4F0, s0  }
0x6: {  	s16 =	sadd.s32 $0x97A00, s6;
	s7 =	smul.u32 $0x4F00, s5;
	_ =	strace $0x80000050  }
0x7: {  	s25 =	ssub.s32 $0x2, s5;
	s13 =	smul.u32 $0x13C000, s5;
	s8 =	sshrl.u32 s8, $0x2  }
0x8: {  	s9 =	sshrl.u32 s25, $0x1;
	s12 =	sadd.s32 $0x4000, s14;
	s11 =	sshrl.u32 s11, $0x2  }
0x9: {  	s19 =	sadd.s32 $0x8000, s14;
	s23 =	sadd.s32 $0x10000, s14;
	s15 =	sadd.s32 s7, s6  }
0xa: {  	s5 =	sadd.s32 s8, s1;
	s17 =	ssub.s32 s25, s9;
	s30 =	sadd.s32 s14, s13  }
0xb: {  	s18 =	sadd.s32 s13, s12;
	s21 =	sadd.s32 s11, s1;
	s31 =	sadd.s32 s13, s19  }
0xc: {  	s22 =	sadd.s32 s12, s1;
	s6 =	sadd.s32 $0xC000, s14;
	s25 =	sadd.s32 s19, s1  }
0xd: {  	s28 =	sadd.s32 s23, s1;
	s19 =	simm.s32 $0x2;
	s26 =	sadd.s32 $0x4000, s5  }
0xe: {  	s7 =	sadd.s32 $0x8000, s5;
	s8 =	sadd.s32 $0xC000, s5;
	s10 =	sshrl.u32 s30, $0x3  }
0xf: {  	s9 =	sadd.s32 $0x10000, s5;
	s18 =	sshrl.u32 s18, $0x3;
	s2 =	sshrl.u32 s31, $0x3  }
0x10: {  	s20 =	sadd.s32 s13, s6;
	s31 =	sadd.s32 s24, s15;
	s15 =	smax.u32 s17, $0x1  }
0x11: {  	s21 =	sshrl.u32 s21, $0x3;
	s22 =	sshrl.u32 s22, $0x3;
	[dreg:$0x3] =	wrdreg s26  }
0x12: {  	s10 =	sadd.s32 s16, s10;
	s11 =	sadd.s32 s16, s18;
	s12 =	sadd.s32 s16, s2  }
0x13: {  	s20 =	sshrl.u32 s20, $0x3;
	s26 =	sadd.s32 s13, s23;
	s17 =	sadd.s32 $0xC600, s31  }
0x14: {  	s18 =	simm.s32 $0x4100;
	s23 =	sshrl.u32 s25, $0x3;
	s25 =	sshrl.u32 s28, $0x3  }
0x15: {  	s28 =	simm.s32 $0x1;
	s13 =	sadd.s32 s16, s20;
	s30 =	sshrl.u32 s26, $0x3  }
0x16: {  	s26 =	sadd.s32 s6, s1;
	s20 =	simm.s32 $0x80;
	s14 =	sadd.s32 s16, s30  }
0x17: {  	v0 =	vimm.f32 $0.0e+00;
	s16 =	sadd.s32 $0x66400, s31;
	s24 =	sshrl.u32 s26, $0x3;
	s26 =	simm.s32 $0x100  }
.LBB2_1:
0x18: {  	s30 =	simm.s32 $0x0;
	s31 =	simm.s32 $0x200  }
.LBB2_2:
0x19: {  	p0 =	sne.s32 s31, $0xFE00;
	[tilespmem:s30+$0x4170] =	vst v0  }
0x1a: {  	[tilespmem:s30+$0x4100] =	vst v0  }
0x1b: {  	[tilespmem:s30+$0x4110] =	vst v0  }
.Ltmp0:
0x1c: {  	[tilespmem:s30+$0x4120] =	vst v0;
	(pc) =	sbr.rel @p0 .LBB2_2-.Ltmp0, $4  }
0x1d: {  	[tilespmem:s30+$0x4130] =	vst v0  }
0x1e: {  	[tilespmem:s30+$0x4140] =	vst v0  }
0x1f: {  	[tilespmem:s30+$0x4150] =	vst v0  }
0x20: {  	[tilespmem:s30+$0x4160] =	vst v0;
	s30 =	sshra.s32 s31, $0x2;
	s31 =	sadd.s32 $0x200, s31  }
0x21: {  	[tilespmem:s30+$0x4170] =	vst v0  }
0x22: {  	[tilespmem:s30+$0x4100] =	vst v0  }
0x23: {  	[tilespmem:s30+$0x4110] =	vst v0  }
0x24: {  	[tilespmem:s30+$0x4120] =	vst v0  }
0x25: {  	[tilespmem:s30+$0x4130] =	vst v0  }
0x26: {  	[tilespmem:s30+$0x4140] =	vst v0  }
0x27: {  	[tilespmem:s30+$0x4150] =	vst v0  }
0x28: {  	[tilespmem:s30+$0x4160] =	vst v0  }
0x29: {  	[spmem:s5] =	stream.linear.scatter [tilespmem:s18], [sflag:$0x2], $0x4000, $0x38;
	[tilespmem:$0x1C100] =	vst v63  }
0x2a: {  	_ =	swait.ge [sflag:s19], $0x4000  }
0x2b: {  	[sflag:s19] =	ssyncset.done $0x0  }
0x2c: {  	s0 =	rddreg [dreg:$0x3];
	[sflag:s19] =	ssyncadd.s32 $0xFFFFC000  }
0x2d: {  	[spmem:s0] =	stream.linear.scatter [tilespmem:s18], [sflag:$0x2], $0x4000, $0x38;
	[tilespmem:$0x1C100] =	vst v63  }
0x2e: {  	_ =	swait.ge [sflag:s19], $0x4000  }
0x2f: {  	[sflag:s19] =	ssyncset.done $0x0  }
0x30: {  	[sflag:s19] =	ssyncadd.s32 $0xFFFFC000  }
0x31: {  	[spmem:s7] =	stream.linear.scatter [tilespmem:s18], [sflag:$0x2], $0x4000, $0x38;
	[tilespmem:$0x1C100] =	vst v63  }
0x32: {  	_ =	swait.ge [sflag:s19], $0x4000  }
0x33: {  	[sflag:s19] =	ssyncset.done $0x0  }
0x34: {  	[sflag:s19] =	ssyncadd.s32 $0xFFFFC000  }
0x35: {  	[spmem:s8] =	stream.linear.scatter [tilespmem:s18], [sflag:$0x2], $0x4000, $0x38;
	[tilespmem:$0x1C100] =	vst v63  }
0x36: {  	_ =	swait.ge [sflag:s19], $0x4000  }
0x37: {  	[sflag:s19] =	ssyncset.done $0x0  }
0x38: {  	[sflag:s19] =	ssyncadd.s32 $0xFFFFC000  }
0x39: {  	[spmem:s9] =	stream.linear.scatter [tilespmem:s18], [sflag:$0x2], $0x4000, $0x38;
	[tilespmem:$0x1C100] =	vst v63  }
0x3a: {  	_ =	swait.ge [sflag:s19], $0x4000  }
0x3b: {  	[sflag:s19] =	ssyncset.done $0x0  }
0x3c: {  	[sflag:s19] =	ssyncadd.s32 $0xFFFFC000  }
0x3d: {  	s30 =	sadd.s32 $0x0, s17;
	[bflag:$0x0] =	sbarrier.arrive $0xFFFF  }
0x3e: {  	[tilespmem:s20], [sflag:$0x2] =	stream.linear.gather [hbm4b:s30+s3], $0x80, $0x38;
	[tilespmem:$0x1C100] =	vst v63  }
0x3f: {  	_ =	swait.ge [sflag:s19], $0x80  }
0x40: {  	[sflag:s19] =	ssyncset.done $0x0  }
0x41: {  	s30 =	sadd.s32 $0x0, s16;
	[sflag:s19] =	ssyncadd.s32 $0xFFFFFF80  }
0x42: {  	[tilespmem:s3], [sflag:$0x2] =	stream.linear.gather [hbm4b:s30+s3], $0x80, $0x38;
	[tilespmem:$0x1C100] =	vst v63  }
0x43: {  	_ =	swait.ge [sflag:s19], $0x80  }
0x44: {  	[sflag:s19] =	ssyncset.done $0x0  }
0x45: {  	[sflag:s19] =	ssyncadd.s32 $0xFFFFFF80  }
0x46: {  	[tilespmem:s26], [sflag:$0x1] =	stream.indirect.gather [hbm4b:s4+s20], $0x80, s3, s20, $0xb8;
	[tilespmem:$0x1C100] =	vst v63  }
0x47: {  	_ =	swait.ge [sflag:s28], $0x4000  }
0x48: {  	[sflag:s28] =	ssyncset.done $0x0  }
0x49: {  	[sflag:s28] =	ssyncadd.s32 $0xFFFFC000  }
0x4a: {  	[spmem:s1] =	stream.indirect.scatter.add.f32 [tilespmem:s26], [sflag:$0x2], $0x80, s20, s20, $0xb8;
	[tilespmem:$0x1C100] =	vst v63  }
0x4b: {  	_ =	swait.ge [sflag:s19], $0x4000  }
0x4c: {  	s31 =	simm.s32 $0x20;
	s30 =	simm.s32 $0x10;
	[sflag:s19] =	ssyncset.done $0x0  }
.LBB2_4:
0x4d: {  	s0 =	sadd.s32 s30, s17  }
0x4e: {  	[sflag:s19] =	ssyncadd.s32 $0xFFFFC000;
	s2 =	smov.u32 s31;
	s6 =	sadd.s32 $0x10, s31  }
0x4f: {  	[tilespmem:s20], [sflag:$0x2] =	stream.linear.gather [hbm4b:s0+s3], $0x80, $0x38;
	[tilespmem:$0x1C100] =	vst v63  }
0x50: {  	p0 =	sne.s32 s31, $0x4E0;
	_ =	swait.ge [sflag:s19], $0x80  }
0x51: {  	[sflag:s19] =	ssyncset.done $0x0  }
0x52: {  	s0 =	sadd.s32 s30, s16;
	s30 =	smov.u32 s2;
	[sflag:s19] =	ssyncadd.s32 $0xFFFFFF80  }
0x53: {  	[tilespmem:s3], [sflag:$0x2] =	stream.linear.gather [hbm4b:s0+s3], $0x80, $0x38;
	[tilespmem:$0x1C100] =	vst v63  }
0x54: {  	_ =	swait.ge [sflag:s19], $0x80  }
0x55: {  	[sflag:s19] =	ssyncset.done $0x0  }
0x56: {  	[sflag:s19] =	ssyncadd.s32 $0xFFFFFF80  }
0x57: {  	[tilespmem:s26], [sflag:$0x1] =	stream.indirect.gather [hbm4b:s4+s20], $0x80, s3, s20, $0xb8;
	[tilespmem:$0x1C100] =	vst v63  }
0x58: {  	_ =	swait.ge [sflag:s28], $0x4000  }
.Ltmp1:
0x59: {  	[sflag:s28] =	ssyncset.done $0x0;
	(pc) =	sbr.rel @p0 .LBB2_4-.Ltmp1, $4  }
0x5a: {  	[sflag:s28] =	ssyncadd.s32 $0xFFFFC000  }
0x5b: {  	[spmem:s1] =	stream.indirect.scatter.add.f32 [tilespmem:s26], [sflag:$0x2], $0x80, s20, s20, $0xb8;
	[tilespmem:$0x1C100] =	vst v63  }
0x5c: {  	_ =	swait.ge [sflag:s19], $0x4000  }
0x5d: {  	s31 =	smov.u32 s6;
	[sflag:s19] =	ssyncset.done $0x0  }
0x5e: {  	s0 =	sadd.s32 s30, s17;
	[sflag:s19] =	ssyncadd.s32 $0xFFFFC000  }
0x5f: {  	[tilespmem:s20], [sflag:$0x2] =	stream.linear.gather [hbm4b:s0+s3], $0x80, $0x38;
	[tilespmem:$0x1C100] =	vst v63  }
0x60: {  	_ =	swait.ge [sflag:s19], $0x80  }
0x61: {  	[sflag:s19] =	ssyncset.done $0x0  }
0x62: {  	s30 =	sadd.s32 s30, s16;
	[sflag:s19] =	ssyncadd.s32 $0xFFFFFF80  }
0x63: {  	[tilespmem:s3], [sflag:$0x2] =	stream.linear.gather [hbm4b:s30+s3], $0x80, $0x38;
	[tilespmem:$0x1C100] =	vst v63  }
0x64: {  	_ =	swait.ge [sflag:s19], $0x80  }
0x65: {  	[sflag:s19] =	ssyncset.done $0x0  }
0x66: {  	[sflag:s19] =	ssyncadd.s32 $0xFFFFFF80  }
0x67: {  	[tilespmem:s26], [sflag:$0x1] =	stream.indirect.gather [hbm4b:s4+s20], $0x80, s3, s20, $0xb8;
	[tilespmem:$0x1C100] =	vst v63  }
0x68: {  	_ =	swait.ge [sflag:s28], $0x4000  }
0x69: {  	[sflag:s28] =	ssyncset.done $0x0  }
0x6a: {  	[sflag:s28] =	ssyncadd.s32 $0xFFFFC000  }
0x6b: {  	[spmem:s1] =	stream.indirect.scatter.add.f32 [tilespmem:s26], [sflag:$0x2], $0x80, s20, s20, $0xb8;
	[tilespmem:$0x1C100] =	vst v63  }
0x6c: {  	_ =	swait.ge [sflag:s19], $0x4000  }
0x6d: {  	s31 =	stileid.u32;
	[sflag:s19] =	ssyncset.done $0x0  }
0x6e: {  	s0 =	sshll.u32 s31, $0x6;
	[sflag:s19] =	ssyncadd.s32 $0xFFFFC000  }
0x6f: {  	s0 =	sor.u32 $0x1C02, s0;
	[bflag:$0x0] =	sbarrier.arrive $0xFFFF  }
0x70: {  	[hbm:s10], [sflag:s0] =	dma.local [spmem:s21], $0x800  }
0x71: {  	_ =	swait.ge [sflag:s19], $0x800  }
0x72: {  	[sflag:s19] =	ssyncset.done $0x0  }
0x73: {  	[sflag:s19] =	ssyncadd.s32 $0xFFFFF800  }
0x74: {  	[hbm:s11], [sflag:s0] =	dma.local [spmem:s22], $0x800  }
0x75: {  	_ =	swait.ge [sflag:s19], $0x800  }
0x76: {  	[sflag:s19] =	ssyncset.done $0x0  }
0x77: {  	[sflag:s19] =	ssyncadd.s32 $0xFFFFF800  }
0x78: {  	[hbm:s12], [sflag:s0] =	dma.local [spmem:s23], $0x800  }
0x79: {  	_ =	swait.ge [sflag:s19], $0x800  }
0x7a: {  	[sflag:s19] =	ssyncset.done $0x0  }
0x7b: {  	[sflag:s19] =	ssyncadd.s32 $0xFFFFF800  }
0x7c: {  	[hbm:s13], [sflag:s0] =	dma.local [spmem:s24], $0x800  }
0x7d: {  	s29 =	sadd.s32 $0x1, s29;
	_ =	swait.ge [sflag:s19], $0x800  }
0x7e: {  	p0 =	sne.s32 s29, s15;
	[sflag:s19] =	ssyncset.done $0x0  }
.Ltmp2:
0x7f: {  	[sflag:s19] =	ssyncadd.s32 $0xFFFFF800;
	(pc) =	sbr.rel @p0 .LBB2_1-.Ltmp2, $4  }
0x80: {  	[hbm:s14], [sflag:s0] =	dma.local [spmem:s25], $0x780  }
0x81: {  	_ =	swait.ge [sflag:s19], $0x780  }
0x82: {  	[sflag:s19] =	ssyncset.done $0x0  }
0x83: {  	[sflag:s19] =	ssyncadd.s32 $0xFFFFF880  }
0x84: {  	_ =	sfence.sel $0x180000  }
0x85: {  	[bflag:$0x0] =	sbarrier.arrive $0xFFFF  }
0x86: {  	_ =	strace $0x90000050  }
0x87: {  	s0 =	stileid.u32;
	[bflag:$0x2] =	sbarrier.arrive $0xFFFF  }
0x88: {  	p0 =	sne.s32 s0, $0x0;
	s0 =	rddreg [dreg:$0x2]  }
0x89: {  	s0 =	sadd.s32 @!p0 $0x100000, s0  }
0x8a: {  	[sflag:s0] =	ssyncadd.tile.s32 @!p0 $0x1;
	_ =	shalt  }
.Lfunc_end2:
_tile_overlayer_lowered:
.L_overlay_start_2:
0x8b: {  	(tag) =	ssettag $0x2  }
0x8c: {  	s0 =	rddreg [dreg:$0x0];
	s2 =	stileid.u32  }
0x8d: {  	s1 =	rddreg [dreg:$0x1];
	p0 =	sne.s32 s2, $0x0  }
0x8e: {  	s3 =	rddreg [dreg:$0x2];
	[bflag:$0x3] =	sbarrier.arrive $0xFFFF;
	s2 =	simm.s32 @!p0 $0x1C02  }
0x8f: {  	[timem:s3], [sflag:s2] =	dma.local @!p0 [hbm:s0], s1  }
0x90: {  	s0 =	simm.s32 @!p0 $0x2  }
0x91: {  	_ =	swait.ge @!p0 [sflag:s0], s1  }
0x92: {  	s1 =	ssub.s32 @!p0 $0x0, s1;
	[sflag:s0] =	ssyncset.done @!p0 $0x0  }
0x93: {  	[sflag:s0] =	ssyncadd.s32 @!p0 s1  }
0x94: {  	[bflag:$0x3] =	sbarrier.arrive $0xFFFF  }
0x95: {  	_ =	shalt  }

</sc_bundles>
